<compile_context>
chip_gen: v7x
topology: tpu7x:2x2x1
jax: 0.10.2.dev20260603
libtpu: 0.0.44.dev20260713+nightly
codegen_flags: <defaults>
</compile_context>

<pallas_src>
import functools

import jax
import jax.numpy as jnp
from jax import lax
from jax.experimental import pallas as pl
from jax.experimental.pallas import tpu as pltpu
from jax.experimental.pallas import tpu_sc as plsc

N_FRAMES = 10000
N_LAYERS = 4
B, M, H, W = 16, 4, 128, 224
PAIRS = B * M
NC, NS, L = 2, 16, 16
NW = NC * NS
PAIRS_PER_W = PAIRS // NW
NCHUNK = 4
WC = W // NCHUNK
HG = H // L
OUT_PAIR = W * 2 * H
NSLOT = 4

_MESH = plsc.VectorSubcoreMesh(core_axis_name="c", subcore_axis_name="s")
_OUT_TYPE = jax.ShapeDtypeStruct((PAIRS * OUT_PAIR,), jnp.float32)
_NSTEP = PAIRS_PER_W * NCHUNK
_SCRATCH = [
    pltpu.VMEM((B,), jnp.int32),
    pltpu.VMEM((2, 8, 128), jnp.float32),
    pltpu.VMEM((NSLOT, WC, H), jnp.float32),
    pltpu.VMEM((NSLOT, WC, H), jnp.float32),
    pltpu.VMEM((NSLOT, WC * 2 * H), jnp.float32),
    pltpu.SemaphoreType.DMA((NSLOT,)),
    pltpu.SemaphoreType.DMA((NSLOT,)),
    pltpu.SemaphoreType.DMA,
]


def _body(theta_hbm, idx_hbm, grid_hbm, out_hbm, idx_v, th_v, xbuf, ybuf,
          gout, isem, osem, ssem):
    wid = lax.axis_index("s") * NC + lax.axis_index("c")
    b = wid // 2
    m0 = (wid % 2) * 2
    lanes = lax.iota(jnp.int32, L)
    one = jnp.full((L,), 1.0, jnp.float32)

    def early_in(s):
        slot = s % NSLOT
        p = s // NCHUNK
        cch = s % NCHUNK
        w0 = cch * WC
        m = m0 + p
        pltpu.async_copy(grid_hbm.at[b, m, 0, pl.ds(w0, WC), :],
                         xbuf.at[slot], isem.at[slot])
        pltpu.async_copy(grid_hbm.at[b, m, 1, pl.ds(w0, WC), :],
                         ybuf.at[slot], isem.at[slot])

    early_in(0)
    early_in(1)

    pltpu.sync_copy(idx_hbm, idx_v)
    idxv = idx_v[...]
    f = jnp.max(jnp.where(lanes == b, idxv, 0))
    fb = f // 128
    fr = f % 128
    fr_hi = (fr // L) * L
    fr_lo = fr % L

    for p in range(PAIRS_PER_W):
        pltpu.sync_copy(
            theta_hbm.at[m0 + p, :, pl.ds(fb * 128, 128)], th_v.at[p])

    coefs = []
    for p in range(PAIRS_PER_W):
        def coef(c, p=p, fr_hi=fr_hi, fr_lo=fr_lo):
            v = th_v[p, c, pl.ds(fr_hi, L)]
            s = jnp.max(jnp.where(lanes == fr_lo, v, -3.0e38))
            return jnp.full((L,), s, jnp.float32)

        a_ = coef(0)
        b_ = coef(1)
        tx = coef(2)
        ty = coef(3)
        k_ = coef(4) + 1e-6
        w_ = coef(5)
        vx = coef(6)
        vy = coef(7)
        ik = one / k_
        m00 = a_ * k_ + tx * vx
        m01 = a_ * w_ + b_ * ik + tx * vy
        m10 = ty * vx - b_ * k_
        m11 = a_ * ik - b_ * w_ + ty * vy
        coefs.append((m00, m01, tx, m10, m11, ty, vx, vy))

    def in_slice(s, c):
        p = s // NCHUNK
        cch = s % NCHUNK
        m = m0 + p
        w0 = cch * WC
        return grid_hbm.at[b, m, c, pl.ds(w0, WC), :]

    def start_in(s):
        slot = s % NSLOT
        for c in range(2):
            buf = xbuf if c == 0 else ybuf
            pltpu.async_copy(in_slice(s, c), buf.at[slot],
                             isem.at[slot])

    def wait_in(s):
        slot = s % NSLOT
        for c in range(2):
            buf = xbuf if c == 0 else ybuf
            pltpu.make_async_copy(in_slice(s, c), buf.at[slot],
                                  isem.at[slot]).wait()

    def out_slice(s):
        p = s // NCHUNK
        cch = s % NCHUNK
        out_base = (b * M + m0 + p) * OUT_PAIR + cch * WC * 2 * H
        return out_hbm.at[pl.ds(out_base, WC * 2 * H)]

    def step(s, carry):
        slot = s % NSLOT
        psel = jnp.full((L,), s // NCHUNK, jnp.int32) == 0
        m00, m01, tx, m10, m11, ty, vx, vy = (
            jnp.where(psel, c0, c1) for c0, c1 in zip(coefs[0], coefs[1]))

        @pl.when(s + 2 < _NSTEP)
        def _():
            start_in(s + 2)

        wait_in(s)

        @pl.when(s >= NSLOT)
        def _():
            pltpu.make_async_copy(gout.at[slot], out_slice(s - NSLOT),
                                  osem.at[slot]).wait()

        @plsc.parallel_loop(0, WC, unroll=8)
        def row_body(wi):
            ob = wi * (2 * H)
            for g in range(HG):
                x = xbuf[slot, wi, pl.ds(g * L, L)]
                y = ybuf[slot, wi, pl.ds(g * L, L)]
                r = one / (vx * x + vy * y + one)
                gout[slot, pl.ds(ob + g * L, L)] = (
                    (m00 * x + m01 * y + tx) * r)
                gout[slot, pl.ds(ob + H + g * L, L)] = (
                    (m10 * x + m11 * y + ty) * r)

        pltpu.async_copy(gout.at[slot], out_slice(s), osem.at[slot])
        return carry

    lax.fori_loop(0, _NSTEP, step, 0)
    for s in range(_NSTEP - NSLOT, _NSTEP):
        pltpu.make_async_copy(gout.at[s % NSLOT], out_slice(s),
                              osem.at[s % NSLOT]).wait()


_planar_motion_sc = pl.kernel(
    _body, out_type=_OUT_TYPE, mesh=_MESH, scratch_types=_SCRATCH,
    compiler_params=pltpu.CompilerParams(needs_layout_passes=False))


def kernel(theta, idx, grid):
    theta_t = jnp.transpose(theta, (1, 2, 0))
    grid_t = jnp.transpose(grid, (0, 1, 4, 3, 2))
    out = _planar_motion_sc(theta_t, idx.astype(jnp.int32), grid_t)
    out5 = out.reshape(B, M, W, 2, H)
    return jnp.transpose(out5, (0, 1, 4, 2, 3))

# --- scband reference (transcript-rebuilt; emitter-appended) ---
"""Pipeline reference for scband-planar-motion-69587060130050 (READ-ONLY COPY).

The authoritative reference and input builder live on the scoring server;
editing this copy changes nothing except your own understanding.
"""

import jax, jax.numpy as jnp
import numpy as np

N_FRAMES = 10000
N_LAYERS = 4
B, M, H, W = 16, 4, 128, 224


def theta_to_mat(theta):
    # theta (..., 8) -> (..., 3, 3)
    dims = theta.shape[:-1]
    a = theta[..., 0:1]
    b = theta[..., 1:2]
    t = theta[..., 2:4, None]            # (..., 2, 1)
    k = theta[..., 4:5] + 1e-06
    w = theta[..., 5:6]
    vT = theta[..., None, 6:8]           # (..., 1, 2)
    SK = jnp.concatenate([a * k, a * w + b / k, -b * k, -b * w + a / k], axis=-1).reshape(*dims, 2, 2)
    A = SK + jnp.matmul(t, vT)
    top = jnp.concatenate([A, t], axis=-1)                                   # (..., 2, 3)
    bot = jnp.concatenate([vT, jnp.ones_like(vT[..., :1])], axis=-1)         # (..., 1, 3)
    return jnp.concatenate([top, bot], axis=-2)


def apply_homography_xy1(mat, grid):
    # mat (B, M, 3, 3), grid (B, M, H, W, 3) -> (B, M, H, W, 2)
    out = jnp.einsum('bmij,bmhwj->bmhwi', mat, grid)
    return out[..., :2] / out[..., 2:3]


def setup_inputs(seed: int = 0) -> dict:
    key = jax.random.key(seed)
    k1, k2, k3 = jax.random.split(key, 3)
    # module default init: theta zeros, then scale=1 -> theta[...,0]=1, theta[...,4]=1; trans=0.
    theta = jnp.zeros((N_FRAMES, N_LAYERS, 8), dtype=jnp.float32)
    theta = theta.at[..., 0].set(1.0).at[..., 4].set(1.0)
    # small perturbation so the homographies (and grads) are nontrivial
    theta = theta + 0.01 * jax.random.normal(k1, (N_FRAMES, N_LAYERS, 8), dtype=jnp.float32)
    idx = jax.random.randint(k2, (B,), 0, N_FRAMES)
    xy = jax.random.normal(k3, (B, M, H, W, 2), dtype=jnp.float32)
    ones = jnp.ones((B, M, H, W, 1), dtype=jnp.float32)
    grid = jnp.concatenate([xy, ones], axis=-1)  # xy1 homogeneous query grid
    return {"theta": theta, "idx": idx, "grid": grid}


def reference(theta, idx, grid):
    th = theta[idx]                 # (B, M, 8) gather over frame table
    mat = theta_to_mat(th)          # (B, M, 3, 3)
    return apply_homography_xy1(mat, grid)  # (B, M, H, W, 2)

if __name__ == "__main__":
    import jax
    _d = setup_inputs()
    print(jax.jit(kernel)(*tuple(_d.values())))

</pallas_src>

<mosaic_0001>
#map = affine_map<(d0, d1) -> (0, 0, 0)>
#map1 = affine_map<(d0, d1) -> (0)>
#map2 = affine_map<(d0, d1) -> (0, 0, 0, 0, 0)>
module attributes {stable_mosaic.version = 14 : i64} {
  func.func @_body(%arg0: i32, %arg1: i32, %arg2: memref<4x8x10000xf32, #tpu.memory_space<hbm>>, %arg3: memref<16xi32, #tpu.memory_space<hbm>>, %arg4: memref<16x4x3x224x128xf32, #tpu.memory_space<hbm>>, %arg5: memref<3670016xf32, #tpu.memory_space<hbm>>, %arg6: memref<16xi32, #tpu.memory_space<vmem>>, %arg7: memref<2x8x128xf32, #tpu.memory_space<vmem>>, %arg8: memref<4x56x128xf32, #tpu.memory_space<vmem>>, %arg9: memref<4x56x128xf32, #tpu.memory_space<vmem>>, %arg10: memref<4x14336xf32, #tpu.memory_space<vmem>>, %arg11: memref<4x!tpu.dma_semaphore, #tpu.memory_space<semaphore_mem>>, %arg12: memref<4x!tpu.dma_semaphore, #tpu.memory_space<semaphore_mem>>, %arg13: memref<!tpu.dma_semaphore, #tpu.memory_space<semaphore_mem>>) attributes {dimension_semantics = [#tpu.dimension_semantics<core_parallel>, #tpu.dimension_semantics<subcore_parallel>], iteration_bounds = array<i64: 2, 16>, scalar_prefetch = 0 : i64, scratch_operands = 8 : i64, tpu.core_type = #tpu.core_type<sc_vector_subcore>, window_params = [{transform_indices = #map}, {transform_indices = #map1}, {transform_indices = #map2}, {transform_indices = #map1}]} {
    %mul3A = arith.constant 2 : i32
    %mul3A_0 = arith.muli %arg1, %mul3A : i32
    %add3A = arith.addi %mul3A_0, %arg0 : i32
    %jit3A = arith.constant 2 : i32
    %div3A = arith.divsi %add3A, %jit3A : i32
    %sign3A = arith.constant 0 : i32
    %sign3A_1 = arith.cmpi sgt, %add3A, %sign3A : i32
    %sign3A_2 = arith.extui %sign3A_1 : i1 to i32
    %sign3A_3 = arith.constant 0 : i32
    %sign3A_4 = arith.cmpi slt, %add3A, %sign3A_3 : i32
    %sign3A_5 = arith.extui %sign3A_4 : i1 to i32
    %sign3A_6 = arith.subi %sign3A_2, %sign3A_5 : i32
    %sign3A_7 = arith.constant 0 : i32
    %sign3A_8 = arith.cmpi sgt, %jit3A, %sign3A_7 : i32
    %sign3A_9 = arith.extui %sign3A_8 : i1 to i32
    %sign3A_10 = arith.constant 0 : i32
    %sign3A_11 = arith.cmpi slt, %jit3A, %sign3A_10 : i32
    %sign3A_12 = arith.extui %sign3A_11 : i1 to i32
    %sign3A_13 = arith.subi %sign3A_9, %sign3A_12 : i32
    %ne3A = arith.cmpi ne, %sign3A_6, %sign3A_13 : i32
    %rem3A = arith.remsi %add3A, %jit3A : i32
    %ne3A_14 = arith.constant 0 : i32
    %ne3A_15 = arith.cmpi ne, %rem3A, %ne3A_14 : i32
    %and3A = arith.andi %ne3A, %ne3A_15 : i1
    %sub3A = arith.constant 1 : i32
    %sub3A_16 = arith.subi %div3A, %sub3A : i32
    %select_n3A = arith.select %and3A, %sub3A_16, %div3A : i32
    %jit3A_17 = arith.constant 2 : i32
    %eq3A = arith.constant 0 : i32
    %eq3A_18 = arith.cmpi eq, %jit3A_17, %eq3A : i32
    %jit3A_19 = arith.constant 1 : i32
    %select_n3A_20 = arith.select %eq3A_18, %jit3A_19, %jit3A_17 : i32
    %rem3A_21 = arith.remsi %add3A, %select_n3A_20 : i32
    %ne3A_22 = arith.constant 0 : i32
    %ne3A_23 = arith.cmpi ne, %rem3A_21, %ne3A_22 : i32
    %lt3A = arith.constant 0 : i32
    %lt3A_24 = arith.cmpi slt, %rem3A_21, %lt3A : i32
    %lt3A_25 = arith.constant 0 : i32
    %lt3A_26 = arith.cmpi slt, %select_n3A_20, %lt3A_25 : i32
    %ne3A_27 = arith.xori %lt3A_24, %lt3A_26 : i1
    %and3A_28 = arith.andi %ne3A_27, %ne3A_23 : i1
    %add3A_29 = arith.addi %rem3A_21, %select_n3A_20 : i32
    %select_n3A_30 = arith.select %and3A_28, %add3A_29, %rem3A_21 : i32
    %mul3A_31 = arith.constant 2 : i32
    %mul3A_32 = arith.muli %select_n3A_30, %mul3A_31 : i32
    %iota3A = tpu.iota {dimensions = array<i32: 0>} : vector<16xi32>
    %broadcast_in_dim3A = arith.constant 1.000000e+00 : f32
    %broadcast_in_dim3A_33 = vector.broadcast %broadcast_in_dim3A : f32 to vector<16xf32>
    %add3A_34 = arith.constant 0 : i32
    %add3A_35 = arith.addi %mul3A_32, %add3A_34 : i32
    %dma_start3A = arith.constant 0 : i32
    %dma_start3A_36 = arith.constant 0 : i32
    %dma_start3A_37 = arith.constant 0 : i32
    %dma_start3A_38 = arith.constant 0 : i32
    %dma_start3A_39 = arith.constant 0 : i32
    %dma_start3A_40 = tpu.memref_slice %arg8[%dma_start3A_36, %dma_start3A_38, %dma_start3A_39] : memref<4x56x128xf32, #tpu.memory_space<vmem>> -> memref<1x56x128xf32, #tpu.memory_space<vmem>>
    %dma_start3A_41 = tpu.memref_squeeze %dma_start3A_40 : memref<1x56x128xf32, #tpu.memory_space<vmem>> -> memref<56x128xf32, #tpu.memory_space<vmem>>
    %dma_start3A_42 = arith.constant 0 : i32
    %dma_start3A_43 = arith.constant 0 : i32
    %dma_start3A_44 = tpu.memref_slice %arg4[%select_n3A, %add3A_35, %dma_start3A, %dma_start3A_42, %dma_start3A_43] : memref<16x4x3x224x128xf32, #tpu.memory_space<hbm>> -> memref<1x1x1x56x128xf32, #tpu.memory_space<hbm>>
    %dma_start3A_45 = tpu.memref_squeeze %dma_start3A_44 : memref<1x1x1x56x128xf32, #tpu.memory_space<hbm>> -> memref<56x128xf32, #tpu.memory_space<hbm>>
    %dma_start3A_46 = tpu.memref_slice %arg11[%dma_start3A_37] : memref<4x!tpu.dma_semaphore, #tpu.memory_space<semaphore_mem>> -> memref<1x!tpu.dma_semaphore, #tpu.memory_space<semaphore_mem>>
    %dma_start3A_47 = tpu.memref_squeeze %dma_start3A_46 : memref<1x!tpu.dma_semaphore, #tpu.memory_space<semaphore_mem>> -> memref<!tpu.dma_semaphore, #tpu.memory_space<semaphore_mem>>
    %dma_start3A_48 = arith.constant 0 : i32
    %dma_start3A_49 = arith.constant 0 : i32
    %dma_start3A_50 = tpu.memref_slice %arg8[%dma_start3A_36, %dma_start3A_48, %dma_start3A_49] : memref<4x56x128xf32, #tpu.memory_space<vmem>> -> memref<1x56x128xf32, #tpu.memory_space<vmem>>
    %dma_start3A_51 = tpu.memref_squeeze %dma_start3A_50 : memref<1x56x128xf32, #tpu.memory_space<vmem>> -> memref<56x128xf32, #tpu.memory_space<vmem>>
    %dma_start3A_52 = arith.constant 0 : i32
    %dma_start3A_53 = arith.constant 0 : i32
    %dma_start3A_54 = tpu.memref_slice %arg4[%select_n3A, %add3A_35, %dma_start3A, %dma_start3A_52, %dma_start3A_53] : memref<16x4x3x224x128xf32, #tpu.memory_space<hbm>> -> memref<1x1x1x56x128xf32, #tpu.memory_space<hbm>>
    %dma_start3A_55 = tpu.memref_squeeze %dma_start3A_54 : memref<1x1x1x56x128xf32, #tpu.memory_space<hbm>> -> memref<56x128xf32, #tpu.memory_space<hbm>>
    tpu.enqueue_dma source(%dma_start3A_55 : memref<56x128xf32, #tpu.memory_space<hbm>>) target(%dma_start3A_51 : memref<56x128xf32, #tpu.memory_space<vmem>>) target_semaphore(%dma_start3A_47 : memref<!tpu.dma_semaphore, #tpu.memory_space<semaphore_mem>>)
    %dma_start3A_56 = arith.constant 1 : i32
    %dma_start3A_57 = arith.constant 0 : i32
    %dma_start3A_58 = arith.constant 0 : i32
    %dma_start3A_59 = arith.constant 0 : i32
    %dma_start3A_60 = arith.constant 0 : i32
    %dma_start3A_61 = tpu.memref_slice %arg9[%dma_start3A_57, %dma_start3A_59, %dma_start3A_60] : memref<4x56x128xf32, #tpu.memory_space<vmem>> -> memref<1x56x128xf32, #tpu.memory_space<vmem>>
    %dma_start3A_62 = tpu.memref_squeeze %dma_start3A_61 : memref<1x56x128xf32, #tpu.memory_space<vmem>> -> memref<56x128xf32, #tpu.memory_space<vmem>>
    %dma_start3A_63 = arith.constant 0 : i32
    %dma_start3A_64 = arith.constant 0 : i32
    %dma_start3A_65 = tpu.memref_slice %arg4[%select_n3A, %add3A_35, %dma_start3A_56, %dma_start3A_63, %dma_start3A_64] : memref<16x4x3x224x128xf32, #tpu.memory_space<hbm>> -> memref<1x1x1x56x128xf32, #tpu.memory_space<hbm>>
    %dma_start3A_66 = tpu.memref_squeeze %dma_start3A_65 : memref<1x1x1x56x128xf32, #tpu.memory_space<hbm>> -> memref<56x128xf32, #tpu.memory_space<hbm>>
    %dma_start3A_67 = tpu.memref_slice %arg11[%dma_start3A_58] : memref<4x!tpu.dma_semaphore, #tpu.memory_space<semaphore_mem>> -> memref<1x!tpu.dma_semaphore, #tpu.memory_space<semaphore_mem>>
    %dma_start3A_68 = tpu.memref_squeeze %dma_start3A_67 : memref<1x!tpu.dma_semaphore, #tpu.memory_space<semaphore_mem>> -> memref<!tpu.dma_semaphore, #tpu.memory_space<semaphore_mem>>
    %dma_start3A_69 = arith.constant 0 : i32
    %dma_start3A_70 = arith.constant 0 : i32
    %dma_start3A_71 = tpu.memref_slice %arg9[%dma_start3A_57, %dma_start3A_69, %dma_start3A_70] : memref<4x56x128xf32, #tpu.memory_space<vmem>> -> memref<1x56x128xf32, #tpu.memory_space<vmem>>
    %dma_start3A_72 = tpu.memref_squeeze %dma_start3A_71 : memref<1x56x128xf32, #tpu.memory_space<vmem>> -> memref<56x128xf32, #tpu.memory_space<vmem>>
    %dma_start3A_73 = arith.constant 0 : i32
    %dma_start3A_74 = arith.constant 0 : i32
    %dma_start3A_75 = tpu.memref_slice %arg4[%select_n3A, %add3A_35, %dma_start3A_56, %dma_start3A_73, %dma_start3A_74] : memref<16x4x3x224x128xf32, #tpu.memory_space<hbm>> -> memref<1x1x1x56x128xf32, #tpu.memory_space<hbm>>
    %dma_start3A_76 = tpu.memref_squeeze %dma_start3A_75 : memref<1x1x1x56x128xf32, #tpu.memory_space<hbm>> -> memref<56x128xf32, #tpu.memory_space<hbm>>
    tpu.enqueue_dma source(%dma_start3A_76 : memref<56x128xf32, #tpu.memory_space<hbm>>) target(%dma_start3A_72 : memref<56x128xf32, #tpu.memory_space<vmem>>) target_semaphore(%dma_start3A_68 : memref<!tpu.dma_semaphore, #tpu.memory_space<semaphore_mem>>)
    %add3A_77 = arith.constant 0 : i32
    %add3A_78 = arith.addi %mul3A_32, %add3A_77 : i32
    %dma_start3A_79 = arith.constant 0 : i32
    %dma_start3A_80 = arith.constant 1 : i32
    %dma_start3A_81 = arith.constant 1 : i32
    %dma_start3A_82 = arith.constant 0 : i32
    %dma_start3A_83 = arith.constant 0 : i32
    %dma_start3A_84 = tpu.memref_slice %arg8[%dma_start3A_80, %dma_start3A_82, %dma_start3A_83] : memref<4x56x128xf32, #tpu.memory_space<vmem>> -> memref<1x56x128xf32, #tpu.memory_space<vmem>>
    %dma_start3A_85 = tpu.memref_squeeze %dma_start3A_84 : memref<1x56x128xf32, #tpu.memory_space<vmem>> -> memref<56x128xf32, #tpu.memory_space<vmem>>
    %dma_start3A_86 = arith.constant 56 : i32
    %dma_start3A_87 = arith.constant 0 : i32
    %dma_start3A_88 = tpu.memref_slice %arg4[%select_n3A, %add3A_78, %dma_start3A_79, %dma_start3A_86, %dma_start3A_87] : memref<16x4x3x224x128xf32, #tpu.memory_space<hbm>> -> memref<1x1x1x56x128xf32, #tpu.memory_space<hbm>>
    %dma_start3A_89 = tpu.memref_squeeze %dma_start3A_88 : memref<1x1x1x56x128xf32, #tpu.memory_space<hbm>> -> memref<56x128xf32, #tpu.memory_space<hbm>>
    %dma_start3A_90 = tpu.memref_slice %arg11[%dma_start3A_81] : memref<4x!tpu.dma_semaphore, #tpu.memory_space<semaphore_mem>> -> memref<1x!tpu.dma_semaphore, #tpu.memory_space<semaphore_mem>>
    %dma_start3A_91 = tpu.memref_squeeze %dma_start3A_90 : memref<1x!tpu.dma_semaphore, #tpu.memory_space<semaphore_mem>> -> memref<!tpu.dma_semaphore, #tpu.memory_space<semaphore_mem>>
    %dma_start3A_92 = arith.constant 0 : i32
    %dma_start3A_93 = arith.constant 0 : i32
    %dma_start3A_94 = tpu.memref_slice %arg8[%dma_start3A_80, %dma_start3A_92, %dma_start3A_93] : memref<4x56x128xf32, #tpu.memory_space<vmem>> -> memref<1x56x128xf32, #tpu.memory_space<vmem>>
    %dma_start3A_95 = tpu.memref_squeeze %dma_start3A_94 : memref<1x56x128xf32, #tpu.memory_space<vmem>> -> memref<56x128xf32, #tpu.memory_space<vmem>>
    %dma_start3A_96 = arith.constant 56 : i32
    %dma_start3A_97 = arith.constant 0 : i32
    %dma_start3A_98 = tpu.memref_slice %arg4[%select_n3A, %add3A_78, %dma_start3A_79, %dma_start3A_96, %dma_start3A_97] : memref<16x4x3x224x128xf32, #tpu.memory_space<hbm>> -> memref<1x1x1x56x128xf32, #tpu.memory_space<hbm>>
    %dma_start3A_99 = tpu.memref_squeeze %dma_start3A_98 : memref<1x1x1x56x128xf32, #tpu.memory_space<hbm>> -> memref<56x128xf32, #tpu.memory_space<hbm>>
    tpu.enqueue_dma source(%dma_start3A_99 : memref<56x128xf32, #tpu.memory_space<hbm>>) target(%dma_start3A_95 : memref<56x128xf32, #tpu.memory_space<vmem>>) target_semaphore(%dma_start3A_91 : memref<!tpu.dma_semaphore, #tpu.memory_space<semaphore_mem>>)
    %dma_start3A_100 = arith.constant 1 : i32
    %dma_start3A_101 = arith.constant 1 : i32
    %dma_start3A_102 = arith.constant 1 : i32
    %dma_start3A_103 = arith.constant 0 : i32
    %dma_start3A_104 = arith.constant 0 : i32
    %dma_start3A_105 = tpu.memref_slice %arg9[%dma_start3A_101, %dma_start3A_103, %dma_start3A_104] : memref<4x56x128xf32, #tpu.memory_space<vmem>> -> memref<1x56x128xf32, #tpu.memory_space<vmem>>
    %dma_start3A_106 = tpu.memref_squeeze %dma_start3A_105 : memref<1x56x128xf32, #tpu.memory_space<vmem>> -> memref<56x128xf32, #tpu.memory_space<vmem>>
    %dma_start3A_107 = arith.constant 56 : i32
    %dma_start3A_108 = arith.constant 0 : i32
    %dma_start3A_109 = tpu.memref_slice %arg4[%select_n3A, %add3A_78, %dma_start3A_100, %dma_start3A_107, %dma_start3A_108] : memref<16x4x3x224x128xf32, #tpu.memory_space<hbm>> -> memref<1x1x1x56x128xf32, #tpu.memory_space<hbm>>
    %dma_start3A_110 = tpu.memref_squeeze %dma_start3A_109 : memref<1x1x1x56x128xf32, #tpu.memory_space<hbm>> -> memref<56x128xf32, #tpu.memory_space<hbm>>
    %dma_start3A_111 = tpu.memref_slice %arg11[%dma_start3A_102] : memref<4x!tpu.dma_semaphore, #tpu.memory_space<semaphore_mem>> -> memref<1x!tpu.dma_semaphore, #tpu.memory_space<semaphore_mem>>
    %dma_start3A_112 = tpu.memref_squeeze %dma_start3A_111 : memref<1x!tpu.dma_semaphore, #tpu.memory_space<semaphore_mem>> -> memref<!tpu.dma_semaphore, #tpu.memory_space<semaphore_mem>>
    %dma_start3A_113 = arith.constant 0 : i32
    %dma_start3A_114 = arith.constant 0 : i32
    %dma_start3A_115 = tpu.memref_slice %arg9[%dma_start3A_101, %dma_start3A_113, %dma_start3A_114] : memref<4x56x128xf32, #tpu.memory_space<vmem>> -> memref<1x56x128xf32, #tpu.memory_space<vmem>>
    %dma_start3A_116 = tpu.memref_squeeze %dma_start3A_115 : memref<1x56x128xf32, #tpu.memory_space<vmem>> -> memref<56x128xf32, #tpu.memory_space<vmem>>
    %dma_start3A_117 = arith.constant 56 : i32
    %dma_start3A_118 = arith.constant 0 : i32
    %dma_start3A_119 = tpu.memref_slice %arg4[%select_n3A, %add3A_78, %dma_start3A_100, %dma_start3A_117, %dma_start3A_118] : memref<16x4x3x224x128xf32, #tpu.memory_space<hbm>> -> memref<1x1x1x56x128xf32, #tpu.memory_space<hbm>>
    %dma_start3A_120 = tpu.memref_squeeze %dma_start3A_119 : memref<1x1x1x56x128xf32, #tpu.memory_space<hbm>> -> memref<56x128xf32, #tpu.memory_space<hbm>>
    tpu.enqueue_dma source(%dma_start3A_120 : memref<56x128xf32, #tpu.memory_space<hbm>>) target(%dma_start3A_116 : memref<56x128xf32, #tpu.memory_space<vmem>>) target_semaphore(%dma_start3A_112 : memref<!tpu.dma_semaphore, #tpu.memory_space<semaphore_mem>>)
    "tpu.region"() ({
      %run_scoped3A_609 = tpu.sem_alloc : memref<!tpu.dma_semaphore, #tpu.memory_space<semaphore_mem>>
      tpu.enqueue_dma source(%arg3 : memref<16xi32, #tpu.memory_space<hbm>>) target(%arg6 : memref<16xi32, #tpu.memory_space<vmem>>) target_semaphore(%run_scoped3A_609 : memref<!tpu.dma_semaphore, #tpu.memory_space<semaphore_mem>>)
      tpu.wait_dma2 semaphore(%run_scoped3A_609 : memref<!tpu.dma_semaphore, #tpu.memory_space<semaphore_mem>>) src(%arg3 : memref<16xi32, #tpu.memory_space<hbm>>) dst(%arg6 : memref<16xi32, #tpu.memory_space<vmem>>)
      tpu.yield
    }) : () -> ()
    %get3A = arith.constant 0 : index
    %get3A_121 = tpu.vector_load %arg6[%get3A] {strides = array<i32>} : memref<16xi32, #tpu.memory_space<vmem>>, vector<16xi32>,
    %eq3A_122 = vector.broadcast %select_n3A : i32 to vector<16xi32>
    %eq3A_123 = arith.cmpi eq, %iota3A, %eq3A_122 : vector<16xi32>
    %jit3A_124 = arith.constant 0 : i32
    %broadcast_in_dim3A_125 = vector.broadcast %jit3A_124 : i32 to vector<16xi32>
    %select_n3A_126 = arith.select %eq3A_123, %get3A_121, %broadcast_in_dim3A_125 : vector<16xi1>, vector<16xi32>
    %reduce_max3A = arith.constant true
    %reduce_max3A_127 = vector.broadcast %reduce_max3A : i1 to vector<16xi1>
    %reduce_max3A_128 = arith.constant -2147483648 : i32
    %reduce_max3A_129 = vector.broadcast %reduce_max3A_128 : i32 to vector<16xi32>
    %reduce_max3A_130 = arith.xori %select_n3A_126, %reduce_max3A_129 : vector<16xi32>
    %reduce_max3A_131 = tpu.scan <max>, %reduce_max3A_130 masked %reduce_max3A_127 : vector<16xi32>, vector<16xi1> -> vector<16xi32>
    %reduce_max3A_132 = arith.xori %reduce_max3A_131, %reduce_max3A_129 : vector<16xi32>
    %reduce_max3A_133 = vector.extract %reduce_max3A_132[15] : i32 from vector<16xi32>
    %jit3A_134 = arith.constant 128 : i32
    %div3A_135 = arith.divsi %reduce_max3A_133, %jit3A_134 : i32
    %sign3A_136 = arith.constant 0 : i32
    %sign3A_137 = arith.cmpi sgt, %reduce_max3A_133, %sign3A_136 : i32
    %sign3A_138 = arith.extui %sign3A_137 : i1 to i32
    %sign3A_139 = arith.constant 0 : i32
    %sign3A_140 = arith.cmpi slt, %reduce_max3A_133, %sign3A_139 : i32
    %sign3A_141 = arith.extui %sign3A_140 : i1 to i32
    %sign3A_142 = arith.subi %sign3A_138, %sign3A_141 : i32
    %sign3A_143 = arith.constant 0 : i32
    %sign3A_144 = arith.cmpi sgt, %jit3A_134, %sign3A_143 : i32
    %sign3A_145 = arith.extui %sign3A_144 : i1 to i32
    %sign3A_146 = arith.constant 0 : i32
    %sign3A_147 = arith.cmpi slt, %jit3A_134, %sign3A_146 : i32
    %sign3A_148 = arith.extui %sign3A_147 : i1 to i32
    %sign3A_149 = arith.subi %sign3A_145, %sign3A_148 : i32
    %ne3A_150 = arith.cmpi ne, %sign3A_142, %sign3A_149 : i32
    %rem3A_151 = arith.remsi %reduce_max3A_133, %jit3A_134 : i32
    %ne3A_152 = arith.constant 0 : i32
    %ne3A_153 = arith.cmpi ne, %rem3A_151, %ne3A_152 : i32
    %and3A_154 = arith.andi %ne3A_150, %ne3A_153 : i1
    %sub3A_155 = arith.constant 1 : i32
    %sub3A_156 = arith.subi %div3A_135, %sub3A_155 : i32
    %select_n3A_157 = arith.select %and3A_154, %sub3A_156, %div3A_135 : i32
    %jit3A_158 = arith.constant 128 : i32
    %eq3A_159 = arith.constant 0 : i32
    %eq3A_160 = arith.cmpi eq, %jit3A_158, %eq3A_159 : i32
    %jit3A_161 = arith.constant 1 : i32
    %select_n3A_162 = arith.select %eq3A_160, %jit3A_161, %jit3A_158 : i32
    %rem3A_163 = arith.remsi %reduce_max3A_133, %select_n3A_162 : i32
    %ne3A_164 = arith.constant 0 : i32
    %ne3A_165 = arith.cmpi ne, %rem3A_163, %ne3A_164 : i32
    %lt3A_166 = arith.constant 0 : i32
    %lt3A_167 = arith.cmpi slt, %rem3A_163, %lt3A_166 : i32
    %lt3A_168 = arith.constant 0 : i32
    %lt3A_169 = arith.cmpi slt, %select_n3A_162, %lt3A_168 : i32
    %ne3A_170 = arith.xori %lt3A_167, %lt3A_169 : i1
    %and3A_171 = arith.andi %ne3A_170, %ne3A_165 : i1
    %add3A_172 = arith.addi %rem3A_163, %select_n3A_162 : i32
    %select_n3A_173 = arith.select %and3A_171, %add3A_172, %rem3A_163 : i32
    %jit3A_174 = arith.constant 16 : i32
    %div3A_175 = arith.divsi %select_n3A_173, %jit3A_174 : i32
    %sign3A_176 = arith.constant 0 : i32
    %sign3A_177 = arith.cmpi sgt, %select_n3A_173, %sign3A_176 : i32
    %sign3A_178 = arith.extui %sign3A_177 : i1 to i32
    %sign3A_179 = arith.constant 0 : i32
    %sign3A_180 = arith.cmpi slt, %select_n3A_173, %sign3A_179 : i32
    %sign3A_181 = arith.extui %sign3A_180 : i1 to i32
    %sign3A_182 = arith.subi %sign3A_178, %sign3A_181 : i32
    %sign3A_183 = arith.constant 0 : i32
    %sign3A_184 = arith.cmpi sgt, %jit3A_174, %sign3A_183 : i32
    %sign3A_185 = arith.extui %sign3A_184 : i1 to i32
    %sign3A_186 = arith.constant 0 : i32
    %sign3A_187 = arith.cmpi slt, %jit3A_174, %sign3A_186 : i32
    %sign3A_188 = arith.extui %sign3A_187 : i1 to i32
    %sign3A_189 = arith.subi %sign3A_185, %sign3A_188 : i32
    %ne3A_190 = arith.cmpi ne, %sign3A_182, %sign3A_189 : i32
    %rem3A_191 = arith.remsi %select_n3A_173, %jit3A_174 : i32
    %ne3A_192 = arith.constant 0 : i32
    %ne3A_193 = arith.cmpi ne, %rem3A_191, %ne3A_192 : i32
    %and3A_194 = arith.andi %ne3A_190, %ne3A_193 : i1
    %sub3A_195 = arith.constant 1 : i32
    %sub3A_196 = arith.subi %div3A_175, %sub3A_195 : i32
    %select_n3A_197 = arith.select %and3A_194, %sub3A_196, %div3A_175 : i32
    %mul3A_198 = arith.constant 16 : i32
    %mul3A_199 = arith.muli %select_n3A_197, %mul3A_198 : i32
    %jit3A_200 = arith.constant 16 : i32
    %eq3A_201 = arith.constant 0 : i32
    %eq3A_202 = arith.cmpi eq, %jit3A_200, %eq3A_201 : i32
    %jit3A_203 = arith.constant 1 : i32
    %select_n3A_204 = arith.select %eq3A_202, %jit3A_203, %jit3A_200 : i32
    %rem3A_205 = arith.remsi %select_n3A_173, %select_n3A_204 : i32
    %ne3A_206 = arith.constant 0 : i32
    %ne3A_207 = arith.cmpi ne, %rem3A_205, %ne3A_206 : i32
    %lt3A_208 = arith.constant 0 : i32
    %lt3A_209 = arith.cmpi slt, %rem3A_205, %lt3A_208 : i32
    %lt3A_210 = arith.constant 0 : i32
    %lt3A_211 = arith.cmpi slt, %select_n3A_204, %lt3A_210 : i32
    %ne3A_212 = arith.xori %lt3A_209, %lt3A_211 : i1
    %and3A_213 = arith.andi %ne3A_212, %ne3A_207 : i1
    %add3A_214 = arith.addi %rem3A_205, %select_n3A_204 : i32
    %select_n3A_215 = arith.select %and3A_213, %add3A_214, %rem3A_205 : i32
    %add3A_216 = arith.constant 0 : i32
    %add3A_217 = arith.addi %mul3A_32, %add3A_216 : i32
    %mul3A_218 = arith.constant 128 : i32
    %mul3A_219 = arith.muli %select_n3A_157, %mul3A_218 : i32
    %run_scoped3A = arith.constant 0 : i32
    "tpu.region"() ({
      %run_scoped3A_609 = tpu.sem_alloc : memref<!tpu.dma_semaphore, #tpu.memory_space<semaphore_mem>>
      %dma_start3A_610 = arith.constant 0 : i32
      %dma_start3A_611 = arith.constant 0 : i32
      %dma_start3A_612 = tpu.memref_slice %arg7[%run_scoped3A, %dma_start3A_610, %dma_start3A_611] : memref<2x8x128xf32, #tpu.memory_space<vmem>> -> memref<1x8x128xf32, #tpu.memory_space<vmem>>
      %dma_start3A_613 = tpu.memref_squeeze %dma_start3A_612 : memref<1x8x128xf32, #tpu.memory_space<vmem>> -> memref<8x128xf32, #tpu.memory_space<vmem>>
      %dma_start3A_614 = arith.constant 0 : i32
      %dma_start3A_615 = tpu.memref_slice %arg2[%add3A_217, %dma_start3A_614, %mul3A_219] : memref<4x8x10000xf32, #tpu.memory_space<hbm>> -> memref<1x8x128xf32, #tpu.memory_space<hbm>>
      %dma_start3A_616 = tpu.memref_squeeze %dma_start3A_615 : memref<1x8x128xf32, #tpu.memory_space<hbm>> -> memref<8x128xf32, #tpu.memory_space<hbm>>
      %dma_start3A_617 = arith.constant 0 : i32
      %dma_start3A_618 = arith.constant 0 : i32
      %dma_start3A_619 = tpu.memref_slice %arg7[%run_scoped3A, %dma_start3A_617, %dma_start3A_618] : memref<2x8x128xf32, #tpu.memory_space<vmem>> -> memref<1x8x128xf32, #tpu.memory_space<vmem>>
      %dma_start3A_620 = tpu.memref_squeeze %dma_start3A_619 : memref<1x8x128xf32, #tpu.memory_space<vmem>> -> memref<8x128xf32, #tpu.memory_space<vmem>>
      %dma_start3A_621 = arith.constant 0 : i32
      %dma_start3A_622 = tpu.memref_slice %arg2[%add3A_217, %dma_start3A_621, %mul3A_219] : memref<4x8x10000xf32, #tpu.memory_space<hbm>> -> memref<1x8x128xf32, #tpu.memory_space<hbm>>
      %dma_start3A_623 = tpu.memref_squeeze %dma_start3A_622 : memref<1x8x128xf32, #tpu.memory_space<hbm>> -> memref<8x128xf32, #tpu.memory_space<hbm>>
      tpu.enqueue_dma source(%dma_start3A_623 : memref<8x128xf32, #tpu.memory_space<hbm>>) target(%dma_start3A_620 : memref<8x128xf32, #tpu.memory_space<vmem>>) target_semaphore(%run_scoped3A_609 : memref<!tpu.dma_semaphore, #tpu.memory_space<semaphore_mem>>)
      %dma_wait3A_624 = arith.constant 0 : i32
      %dma_wait3A_625 = arith.constant 0 : i32
      %dma_wait3A_626 = tpu.memref_slice %arg7[%run_scoped3A, %dma_wait3A_624, %dma_wait3A_625] : memref<2x8x128xf32, #tpu.memory_space<vmem>> -> memref<1x8x128xf32, #tpu.memory_space<vmem>>
      %dma_wait3A_627 = tpu.memref_squeeze %dma_wait3A_626 : memref<1x8x128xf32, #tpu.memory_space<vmem>> -> memref<8x128xf32, #tpu.memory_space<vmem>>
      %dma_wait3A_628 = arith.constant 0 : i32
      %dma_wait3A_629 = tpu.memref_slice %arg2[%add3A_217, %dma_wait3A_628, %mul3A_219] : memref<4x8x10000xf32, #tpu.memory_space<hbm>> -> memref<1x8x128xf32, #tpu.memory_space<hbm>>
      %dma_wait3A_630 = tpu.memref_squeeze %dma_wait3A_629 : memref<1x8x128xf32, #tpu.memory_space<hbm>> -> memref<8x128xf32, #tpu.memory_space<hbm>>
      %dma_wait3A_631 = arith.constant 0 : i32
      %dma_wait3A_632 = arith.constant 0 : i32
      %dma_wait3A_633 = tpu.memref_slice %arg7[%run_scoped3A, %dma_wait3A_631, %dma_wait3A_632] : memref<2x8x128xf32, #tpu.memory_space<vmem>> -> memref<1x8x128xf32, #tpu.memory_space<vmem>>
      %dma_wait3A_634 = tpu.memref_squeeze %dma_wait3A_633 : memref<1x8x128xf32, #tpu.memory_space<vmem>> -> memref<8x128xf32, #tpu.memory_space<vmem>>
      %dma_wait3A_635 = arith.constant 0 : i32
      %dma_wait3A_636 = tpu.memref_slice %arg2[%add3A_217, %dma_wait3A_635, %mul3A_219] : memref<4x8x10000xf32, #tpu.memory_space<hbm>> -> memref<1x8x128xf32, #tpu.memory_space<hbm>>
      %dma_wait3A_637 = tpu.memref_squeeze %dma_wait3A_636 : memref<1x8x128xf32, #tpu.memory_space<hbm>> -> memref<8x128xf32, #tpu.memory_space<hbm>>
      tpu.wait_dma2 semaphore(%run_scoped3A_609 : memref<!tpu.dma_semaphore, #tpu.memory_space<semaphore_mem>>) src(%dma_wait3A_637 : memref<8x128xf32, #tpu.memory_space<hbm>>) dst(%dma_wait3A_634 : memref<8x128xf32, #tpu.memory_space<vmem>>)
      tpu.yield
    }) : () -> ()
    %add3A_220 = arith.constant 1 : i32
    %add3A_221 = arith.addi %mul3A_32, %add3A_220 : i32
    %mul3A_222 = arith.constant 128 : i32
    %mul3A_223 = arith.muli %select_n3A_157, %mul3A_222 : i32
    %run_scoped3A_224 = arith.constant 1 : i32
    "tpu.region"() ({
      %run_scoped3A_609 = tpu.sem_alloc : memref<!tpu.dma_semaphore, #tpu.memory_space<semaphore_mem>>
      %dma_start3A_610 = arith.constant 0 : i32
      %dma_start3A_611 = arith.constant 0 : i32
      %dma_start3A_612 = tpu.memref_slice %arg7[%run_scoped3A_224, %dma_start3A_610, %dma_start3A_611] : memref<2x8x128xf32, #tpu.memory_space<vmem>> -> memref<1x8x128xf32, #tpu.memory_space<vmem>>
      %dma_start3A_613 = tpu.memref_squeeze %dma_start3A_612 : memref<1x8x128xf32, #tpu.memory_space<vmem>> -> memref<8x128xf32, #tpu.memory_space<vmem>>
      %dma_start3A_614 = arith.constant 0 : i32
      %dma_start3A_615 = tpu.memref_slice %arg2[%add3A_221, %dma_start3A_614, %mul3A_223] : memref<4x8x10000xf32, #tpu.memory_space<hbm>> -> memref<1x8x128xf32, #tpu.memory_space<hbm>>
      %dma_start3A_616 = tpu.memref_squeeze %dma_start3A_615 : memref<1x8x128xf32, #tpu.memory_space<hbm>> -> memref<8x128xf32, #tpu.memory_space<hbm>>
      %dma_start3A_617 = arith.constant 0 : i32
      %dma_start3A_618 = arith.constant 0 : i32
      %dma_start3A_619 = tpu.memref_slice %arg7[%run_scoped3A_224, %dma_start3A_617, %dma_start3A_618] : memref<2x8x128xf32, #tpu.memory_space<vmem>> -> memref<1x8x128xf32, #tpu.memory_space<vmem>>
      %dma_start3A_620 = tpu.memref_squeeze %dma_start3A_619 : memref<1x8x128xf32, #tpu.memory_space<vmem>> -> memref<8x128xf32, #tpu.memory_space<vmem>>
      %dma_start3A_621 = arith.constant 0 : i32
      %dma_start3A_622 = tpu.memref_slice %arg2[%add3A_221, %dma_start3A_621, %mul3A_223] : memref<4x8x10000xf32, #tpu.memory_space<hbm>> -> memref<1x8x128xf32, #tpu.memory_space<hbm>>
      %dma_start3A_623 = tpu.memref_squeeze %dma_start3A_622 : memref<1x8x128xf32, #tpu.memory_space<hbm>> -> memref<8x128xf32, #tpu.memory_space<hbm>>
      tpu.enqueue_dma source(%dma_start3A_623 : memref<8x128xf32, #tpu.memory_space<hbm>>) target(%dma_start3A_620 : memref<8x128xf32, #tpu.memory_space<vmem>>) target_semaphore(%run_scoped3A_609 : memref<!tpu.dma_semaphore, #tpu.memory_space<semaphore_mem>>)
      %dma_wait3A_624 = arith.constant 0 : i32
      %dma_wait3A_625 = arith.constant 0 : i32
      %dma_wait3A_626 = tpu.memref_slice %arg7[%run_scoped3A_224, %dma_wait3A_624, %dma_wait3A_625] : memref<2x8x128xf32, #tpu.memory_space<vmem>> -> memref<1x8x128xf32, #tpu.memory_space<vmem>>
      %dma_wait3A_627 = tpu.memref_squeeze %dma_wait3A_626 : memref<1x8x128xf32, #tpu.memory_space<vmem>> -> memref<8x128xf32, #tpu.memory_space<vmem>>
      %dma_wait3A_628 = arith.constant 0 : i32
      %dma_wait3A_629 = tpu.memref_slice %arg2[%add3A_221, %dma_wait3A_628, %mul3A_223] : memref<4x8x10000xf32, #tpu.memory_space<hbm>> -> memref<1x8x128xf32, #tpu.memory_space<hbm>>
      %dma_wait3A_630 = tpu.memref_squeeze %dma_wait3A_629 : memref<1x8x128xf32, #tpu.memory_space<hbm>> -> memref<8x128xf32, #tpu.memory_space<hbm>>
      %dma_wait3A_631 = arith.constant 0 : i32
      %dma_wait3A_632 = arith.constant 0 : i32
      %dma_wait3A_633 = tpu.memref_slice %arg7[%run_scoped3A_224, %dma_wait3A_631, %dma_wait3A_632] : memref<2x8x128xf32, #tpu.memory_space<vmem>> -> memref<1x8x128xf32, #tpu.memory_space<vmem>>
      %dma_wait3A_634 = tpu.memref_squeeze %dma_wait3A_633 : memref<1x8x128xf32, #tpu.memory_space<vmem>> -> memref<8x128xf32, #tpu.memory_space<vmem>>
      %dma_wait3A_635 = arith.constant 0 : i32
      %dma_wait3A_636 = tpu.memref_slice %arg2[%add3A_221, %dma_wait3A_635, %mul3A_223] : memref<4x8x10000xf32, #tpu.memory_space<hbm>> -> memref<1x8x128xf32, #tpu.memory_space<hbm>>
      %dma_wait3A_637 = tpu.memref_squeeze %dma_wait3A_636 : memref<1x8x128xf32, #tpu.memory_space<hbm>> -> memref<8x128xf32, #tpu.memory_space<hbm>>
      tpu.wait_dma2 semaphore(%run_scoped3A_609 : memref<!tpu.dma_semaphore, #tpu.memory_space<semaphore_mem>>) src(%dma_wait3A_637 : memref<8x128xf32, #tpu.memory_space<hbm>>) dst(%dma_wait3A_634 : memref<8x128xf32, #tpu.memory_space<vmem>>)
      tpu.yield
    }) : () -> ()
    %get3A_225 = arith.constant 0 : i32
    %get3A_226 = arith.constant 0 : i32
    %get3A_227 = arith.index_cast %get3A_225 : i32 to index
    %get3A_228 = arith.index_cast %get3A_226 : i32 to index
    %get3A_229 = arith.index_cast %mul3A_199 : i32 to index
    %get3A_230 = tpu.vector_load %arg7[%get3A_227, %get3A_228, %get3A_229] {strides = array<i32>} : memref<2x8x128xf32, #tpu.memory_space<vmem>>, vector<16xf32>,
    %eq3A_231 = vector.broadcast %select_n3A_215 : i32 to vector<16xi32>
    %eq3A_232 = arith.cmpi eq, %iota3A, %eq3A_231 : vector<16xi32>
    %jit3A_233 = arith.constant -3.000000e+38 : f32
    %broadcast_in_dim3A_234 = vector.broadcast %jit3A_233 : f32 to vector<16xf32>
    %select_n3A_235 = arith.select %eq3A_232, %get3A_230, %broadcast_in_dim3A_234 : vector<16xi1>, vector<16xf32>
    %reduce_max3A_236 = arith.constant true
    %reduce_max3A_237 = vector.broadcast %reduce_max3A_236 : i1 to vector<16xi1>
    %reduce_max3A_238 = tpu.scan <max>, %select_n3A_235 masked %reduce_max3A_237 : vector<16xf32>, vector<16xi1> -> vector<16xf32>
    %reduce_max3A_239 = vector.extract %reduce_max3A_238[15] : f32 from vector<16xf32>
    %broadcast_in_dim3A_240 = vector.broadcast %reduce_max3A_239 : f32 to vector<16xf32>
    %get3A_241 = arith.constant 0 : i32
    %get3A_242 = arith.constant 1 : i32
    %get3A_243 = arith.index_cast %get3A_241 : i32 to index
    %get3A_244 = arith.index_cast %get3A_242 : i32 to index
    %get3A_245 = arith.index_cast %mul3A_199 : i32 to index
    %get3A_246 = tpu.vector_load %arg7[%get3A_243, %get3A_244, %get3A_245] {strides = array<i32>} : memref<2x8x128xf32, #tpu.memory_space<vmem>>, vector<16xf32>,
    %eq3A_247 = vector.broadcast %select_n3A_215 : i32 to vector<16xi32>
    %eq3A_248 = arith.cmpi eq, %iota3A, %eq3A_247 : vector<16xi32>
    %jit3A_249 = arith.constant -3.000000e+38 : f32
    %broadcast_in_dim3A_250 = vector.broadcast %jit3A_249 : f32 to vector<16xf32>
    %select_n3A_251 = arith.select %eq3A_248, %get3A_246, %broadcast_in_dim3A_250 : vector<16xi1>, vector<16xf32>
    %reduce_max3A_252 = arith.constant true
    %reduce_max3A_253 = vector.broadcast %reduce_max3A_252 : i1 to vector<16xi1>
    %reduce_max3A_254 = tpu.scan <max>, %select_n3A_251 masked %reduce_max3A_253 : vector<16xf32>, vector<16xi1> -> vector<16xf32>
    %reduce_max3A_255 = vector.extract %reduce_max3A_254[15] : f32 from vector<16xf32>
    %broadcast_in_dim3A_256 = vector.broadcast %reduce_max3A_255 : f32 to vector<16xf32>
    %get3A_257 = arith.constant 0 : i32
    %get3A_258 = arith.constant 2 : i32
    %get3A_259 = arith.index_cast %get3A_257 : i32 to index
    %get3A_260 = arith.index_cast %get3A_258 : i32 to index
    %get3A_261 = arith.index_cast %mul3A_199 : i32 to index
    %get3A_262 = tpu.vector_load %arg7[%get3A_259, %get3A_260, %get3A_261] {strides = array<i32>} : memref<2x8x128xf32, #tpu.memory_space<vmem>>, vector<16xf32>,
    %eq3A_263 = vector.broadcast %select_n3A_215 : i32 to vector<16xi32>
    %eq3A_264 = arith.cmpi eq, %iota3A, %eq3A_263 : vector<16xi32>
    %jit3A_265 = arith.constant -3.000000e+38 : f32
    %broadcast_in_dim3A_266 = vector.broadcast %jit3A_265 : f32 to vector<16xf32>
    %select_n3A_267 = arith.select %eq3A_264, %get3A_262, %broadcast_in_dim3A_266 : vector<16xi1>, vector<16xf32>
    %reduce_max3A_268 = arith.constant true
    %reduce_max3A_269 = vector.broadcast %reduce_max3A_268 : i1 to vector<16xi1>
    %reduce_max3A_270 = tpu.scan <max>, %select_n3A_267 masked %reduce_max3A_269 : vector<16xf32>, vector<16xi1> -> vector<16xf32>
    %reduce_max3A_271 = vector.extract %reduce_max3A_270[15] : f32 from vector<16xf32>
    %broadcast_in_dim3A_272 = vector.broadcast %reduce_max3A_271 : f32 to vector<16xf32>
    %get3A_273 = arith.constant 0 : i32
    %get3A_274 = arith.constant 3 : i32
    %get3A_275 = arith.index_cast %get3A_273 : i32 to index
    %get3A_276 = arith.index_cast %get3A_274 : i32 to index
    %get3A_277 = arith.index_cast %mul3A_199 : i32 to index
    %get3A_278 = tpu.vector_load %arg7[%get3A_275, %get3A_276, %get3A_277] {strides = array<i32>} : memref<2x8x128xf32, #tpu.memory_space<vmem>>, vector<16xf32>,
    %eq3A_279 = vector.broadcast %select_n3A_215 : i32 to vector<16xi32>
    %eq3A_280 = arith.cmpi eq, %iota3A, %eq3A_279 : vector<16xi32>
    %jit3A_281 = arith.constant -3.000000e+38 : f32
    %broadcast_in_dim3A_282 = vector.broadcast %jit3A_281 : f32 to vector<16xf32>
    %select_n3A_283 = arith.select %eq3A_280, %get3A_278, %broadcast_in_dim3A_282 : vector<16xi1>, vector<16xf32>
    %reduce_max3A_284 = arith.constant true
    %reduce_max3A_285 = vector.broadcast %reduce_max3A_284 : i1 to vector<16xi1>
    %reduce_max3A_286 = tpu.scan <max>, %select_n3A_283 masked %reduce_max3A_285 : vector<16xf32>, vector<16xi1> -> vector<16xf32>
    %reduce_max3A_287 = vector.extract %reduce_max3A_286[15] : f32 from vector<16xf32>
    %broadcast_in_dim3A_288 = vector.broadcast %reduce_max3A_287 : f32 to vector<16xf32>
    %get3A_289 = arith.constant 0 : i32
    %get3A_290 = arith.constant 4 : i32
    %get3A_291 = arith.index_cast %get3A_289 : i32 to index
    %get3A_292 = arith.index_cast %get3A_290 : i32 to index
    %get3A_293 = arith.index_cast %mul3A_199 : i32 to index
    %get3A_294 = tpu.vector_load %arg7[%get3A_291, %get3A_292, %get3A_293] {strides = array<i32>} : memref<2x8x128xf32, #tpu.memory_space<vmem>>, vector<16xf32>,
    %eq3A_295 = vector.broadcast %select_n3A_215 : i32 to vector<16xi32>
    %eq3A_296 = arith.cmpi eq, %iota3A, %eq3A_295 : vector<16xi32>
    %jit3A_297 = arith.constant -3.000000e+38 : f32
    %broadcast_in_dim3A_298 = vector.broadcast %jit3A_297 : f32 to vector<16xf32>
    %select_n3A_299 = arith.select %eq3A_296, %get3A_294, %broadcast_in_dim3A_298 : vector<16xi1>, vector<16xf32>
    %reduce_max3A_300 = arith.constant true
    %reduce_max3A_301 = vector.broadcast %reduce_max3A_300 : i1 to vector<16xi1>
    %reduce_max3A_302 = tpu.scan <max>, %select_n3A_299 masked %reduce_max3A_301 : vector<16xf32>, vector<16xi1> -> vector<16xf32>
    %reduce_max3A_303 = vector.extract %reduce_max3A_302[15] : f32 from vector<16xf32>
    %broadcast_in_dim3A_304 = vector.broadcast %reduce_max3A_303 : f32 to vector<16xf32>
    %add3A_305 = arith.constant 9.99999997E-7 : f32
    %add3A_306 = vector.broadcast %add3A_305 : f32 to vector<16xf32>
    %add3A_307 = arith.addf %broadcast_in_dim3A_304, %add3A_306 : vector<16xf32>
    %get3A_308 = arith.constant 0 : i32
    %get3A_309 = arith.constant 5 : i32
    %get3A_310 = arith.index_cast %get3A_308 : i32 to index
    %get3A_311 = arith.index_cast %get3A_309 : i32 to index
    %get3A_312 = arith.index_cast %mul3A_199 : i32 to index
    %get3A_313 = tpu.vector_load %arg7[%get3A_310, %get3A_311, %get3A_312] {strides = array<i32>} : memref<2x8x128xf32, #tpu.memory_space<vmem>>, vector<16xf32>,
    %eq3A_314 = vector.broadcast %select_n3A_215 : i32 to vector<16xi32>
    %eq3A_315 = arith.cmpi eq, %iota3A, %eq3A_314 : vector<16xi32>
    %jit3A_316 = arith.constant -3.000000e+38 : f32
    %broadcast_in_dim3A_317 = vector.broadcast %jit3A_316 : f32 to vector<16xf32>
    %select_n3A_318 = arith.select %eq3A_315, %get3A_313, %broadcast_in_dim3A_317 : vector<16xi1>, vector<16xf32>
    %reduce_max3A_319 = arith.constant true
    %reduce_max3A_320 = vector.broadcast %reduce_max3A_319 : i1 to vector<16xi1>
    %reduce_max3A_321 = tpu.scan <max>, %select_n3A_318 masked %reduce_max3A_320 : vector<16xf32>, vector<16xi1> -> vector<16xf32>
    %reduce_max3A_322 = vector.extract %reduce_max3A_321[15] : f32 from vector<16xf32>
    %broadcast_in_dim3A_323 = vector.broadcast %reduce_max3A_322 : f32 to vector<16xf32>
    %get3A_324 = arith.constant 0 : i32
    %get3A_325 = arith.constant 6 : i32
    %get3A_326 = arith.index_cast %get3A_324 : i32 to index
    %get3A_327 = arith.index_cast %get3A_325 : i32 to index
    %get3A_328 = arith.index_cast %mul3A_199 : i32 to index
    %get3A_329 = tpu.vector_load %arg7[%get3A_326, %get3A_327, %get3A_328] {strides = array<i32>} : memref<2x8x128xf32, #tpu.memory_space<vmem>>, vector<16xf32>,
    %eq3A_330 = vector.broadcast %select_n3A_215 : i32 to vector<16xi32>
    %eq3A_331 = arith.cmpi eq, %iota3A, %eq3A_330 : vector<16xi32>
    %jit3A_332 = arith.constant -3.000000e+38 : f32
    %broadcast_in_dim3A_333 = vector.broadcast %jit3A_332 : f32 to vector<16xf32>
    %select_n3A_334 = arith.select %eq3A_331, %get3A_329, %broadcast_in_dim3A_333 : vector<16xi1>, vector<16xf32>
    %reduce_max3A_335 = arith.constant true
    %reduce_max3A_336 = vector.broadcast %reduce_max3A_335 : i1 to vector<16xi1>
    %reduce_max3A_337 = tpu.scan <max>, %select_n3A_334 masked %reduce_max3A_336 : vector<16xf32>, vector<16xi1> -> vector<16xf32>
    %reduce_max3A_338 = vector.extract %reduce_max3A_337[15] : f32 from vector<16xf32>
    %broadcast_in_dim3A_339 = vector.broadcast %reduce_max3A_338 : f32 to vector<16xf32>
    %get3A_340 = arith.constant 0 : i32
    %get3A_341 = arith.constant 7 : i32
    %get3A_342 = arith.index_cast %get3A_340 : i32 to index
    %get3A_343 = arith.index_cast %get3A_341 : i32 to index
    %get3A_344 = arith.index_cast %mul3A_199 : i32 to index
    %get3A_345 = tpu.vector_load %arg7[%get3A_342, %get3A_343, %get3A_344] {strides = array<i32>} : memref<2x8x128xf32, #tpu.memory_space<vmem>>, vector<16xf32>,
    %eq3A_346 = vector.broadcast %select_n3A_215 : i32 to vector<16xi32>
    %eq3A_347 = arith.cmpi eq, %iota3A, %eq3A_346 : vector<16xi32>
    %jit3A_348 = arith.constant -3.000000e+38 : f32
    %broadcast_in_dim3A_349 = vector.broadcast %jit3A_348 : f32 to vector<16xf32>
    %select_n3A_350 = arith.select %eq3A_347, %get3A_345, %broadcast_in_dim3A_349 : vector<16xi1>, vector<16xf32>
    %reduce_max3A_351 = arith.constant true
    %reduce_max3A_352 = vector.broadcast %reduce_max3A_351 : i1 to vector<16xi1>
    %reduce_max3A_353 = tpu.scan <max>, %select_n3A_350 masked %reduce_max3A_352 : vector<16xf32>, vector<16xi1> -> vector<16xf32>
    %reduce_max3A_354 = vector.extract %reduce_max3A_353[15] : f32 from vector<16xf32>
    %broadcast_in_dim3A_355 = vector.broadcast %reduce_max3A_354 : f32 to vector<16xf32>
    %div3A_356 = arith.divf %broadcast_in_dim3A_33, %add3A_307 : vector<16xf32>
    %mul3A_357 = arith.mulf %broadcast_in_dim3A_240, %add3A_307 : vector<16xf32>
    %mul3A_358 = arith.mulf %broadcast_in_dim3A_272, %broadcast_in_dim3A_339 : vector<16xf32>
    %add3A_359 = arith.addf %mul3A_357, %mul3A_358 : vector<16xf32>
    %mul3A_360 = arith.mulf %broadcast_in_dim3A_240, %broadcast_in_dim3A_323 : vector<16xf32>
    %mul3A_361 = arith.mulf %broadcast_in_dim3A_256, %div3A_356 : vector<16xf32>
    %add3A_362 = arith.addf %mul3A_360, %mul3A_361 : vector<16xf32>
    %mul3A_363 = arith.mulf %broadcast_in_dim3A_272, %broadcast_in_dim3A_355 : vector<16xf32>
    %add3A_364 = arith.addf %add3A_362, %mul3A_363 : vector<16xf32>
    %mul3A_365 = arith.mulf %broadcast_in_dim3A_288, %broadcast_in_dim3A_339 : vector<16xf32>
    %mul3A_366 = arith.mulf %broadcast_in_dim3A_256, %add3A_307 : vector<16xf32>
    %sub3A_367 = arith.subf %mul3A_365, %mul3A_366 : vector<16xf32>
    %mul3A_368 = arith.mulf %broadcast_in_dim3A_240, %div3A_356 : vector<16xf32>
    %mul3A_369 = arith.mulf %broadcast_in_dim3A_256, %broadcast_in_dim3A_323 : vector<16xf32>
    %sub3A_370 = arith.subf %mul3A_368, %mul3A_369 : vector<16xf32>
    %mul3A_371 = arith.mulf %broadcast_in_dim3A_288, %broadcast_in_dim3A_355 : vector<16xf32>
    %add3A_372 = arith.addf %sub3A_370, %mul3A_371 : vector<16xf32>
    %get3A_373 = arith.constant 1 : i32
    %get3A_374 = arith.constant 0 : i32
    %get3A_375 = arith.index_cast %get3A_373 : i32 to index
    %get3A_376 = arith.index_cast %get3A_374 : i32 to index
    %get3A_377 = arith.index_cast %mul3A_199 : i32 to index
    %get3A_378 = tpu.vector_load %arg7[%get3A_375, %get3A_376, %get3A_377] {strides = array<i32>} : memref<2x8x128xf32, #tpu.memory_space<vmem>>, vector<16xf32>,
    %eq3A_379 = vector.broadcast %select_n3A_215 : i32 to vector<16xi32>
    %eq3A_380 = arith.cmpi eq, %iota3A, %eq3A_379 : vector<16xi32>
    %jit3A_381 = arith.constant -3.000000e+38 : f32
    %broadcast_in_dim3A_382 = vector.broadcast %jit3A_381 : f32 to vector<16xf32>
    %select_n3A_383 = arith.select %eq3A_380, %get3A_378, %broadcast_in_dim3A_382 : vector<16xi1>, vector<16xf32>
    %reduce_max3A_384 = arith.constant true
    %reduce_max3A_385 = vector.broadcast %reduce_max3A_384 : i1 to vector<16xi1>
    %reduce_max3A_386 = tpu.scan <max>, %select_n3A_383 masked %reduce_max3A_385 : vector<16xf32>, vector<16xi1> -> vector<16xf32>
    %reduce_max3A_387 = vector.extract %reduce_max3A_386[15] : f32 from vector<16xf32>
    %broadcast_in_dim3A_388 = vector.broadcast %reduce_max3A_387 : f32 to vector<16xf32>
    %get3A_389 = arith.constant 1 : i32
    %get3A_390 = arith.constant 1 : i32
    %get3A_391 = arith.index_cast %get3A_389 : i32 to index
    %get3A_392 = arith.index_cast %get3A_390 : i32 to index
    %get3A_393 = arith.index_cast %mul3A_199 : i32 to index
    %get3A_394 = tpu.vector_load %arg7[%get3A_391, %get3A_392, %get3A_393] {strides = array<i32>} : memref<2x8x128xf32, #tpu.memory_space<vmem>>, vector<16xf32>,
    %eq3A_395 = vector.broadcast %select_n3A_215 : i32 to vector<16xi32>
    %eq3A_396 = arith.cmpi eq, %iota3A, %eq3A_395 : vector<16xi32>
    %jit3A_397 = arith.constant -3.000000e+38 : f32
    %broadcast_in_dim3A_398 = vector.broadcast %jit3A_397 : f32 to vector<16xf32>
    %select_n3A_399 = arith.select %eq3A_396, %get3A_394, %broadcast_in_dim3A_398 : vector<16xi1>, vector<16xf32>
    %reduce_max3A_400 = arith.constant true
    %reduce_max3A_401 = vector.broadcast %reduce_max3A_400 : i1 to vector<16xi1>
    %reduce_max3A_402 = tpu.scan <max>, %select_n3A_399 masked %reduce_max3A_401 : vector<16xf32>, vector<16xi1> -> vector<16xf32>
    %reduce_max3A_403 = vector.extract %reduce_max3A_402[15] : f32 from vector<16xf32>
    %broadcast_in_dim3A_404 = vector.broadcast %reduce_max3A_403 : f32 to vector<16xf32>
    %get3A_405 = arith.constant 1 : i32
    %get3A_406 = arith.constant 2 : i32
    %get3A_407 = arith.index_cast %get3A_405 : i32 to index
    %get3A_408 = arith.index_cast %get3A_406 : i32 to index
    %get3A_409 = arith.index_cast %mul3A_199 : i32 to index
    %get3A_410 = tpu.vector_load %arg7[%get3A_407, %get3A_408, %get3A_409] {strides = array<i32>} : memref<2x8x128xf32, #tpu.memory_space<vmem>>, vector<16xf32>,
    %eq3A_411 = vector.broadcast %select_n3A_215 : i32 to vector<16xi32>
    %eq3A_412 = arith.cmpi eq, %iota3A, %eq3A_411 : vector<16xi32>
    %jit3A_413 = arith.constant -3.000000e+38 : f32
    %broadcast_in_dim3A_414 = vector.broadcast %jit3A_413 : f32 to vector<16xf32>
    %select_n3A_415 = arith.select %eq3A_412, %get3A_410, %broadcast_in_dim3A_414 : vector<16xi1>, vector<16xf32>
    %reduce_max3A_416 = arith.constant true
    %reduce_max3A_417 = vector.broadcast %reduce_max3A_416 : i1 to vector<16xi1>
    %reduce_max3A_418 = tpu.scan <max>, %select_n3A_415 masked %reduce_max3A_417 : vector<16xf32>, vector<16xi1> -> vector<16xf32>
    %reduce_max3A_419 = vector.extract %reduce_max3A_418[15] : f32 from vector<16xf32>
    %broadcast_in_dim3A_420 = vector.broadcast %reduce_max3A_419 : f32 to vector<16xf32>
    %get3A_421 = arith.constant 1 : i32
    %get3A_422 = arith.constant 3 : i32
    %get3A_423 = arith.index_cast %get3A_421 : i32 to index
    %get3A_424 = arith.index_cast %get3A_422 : i32 to index
    %get3A_425 = arith.index_cast %mul3A_199 : i32 to index
    %get3A_426 = tpu.vector_load %arg7[%get3A_423, %get3A_424, %get3A_425] {strides = array<i32>} : memref<2x8x128xf32, #tpu.memory_space<vmem>>, vector<16xf32>,
    %eq3A_427 = vector.broadcast %select_n3A_215 : i32 to vector<16xi32>
    %eq3A_428 = arith.cmpi eq, %iota3A, %eq3A_427 : vector<16xi32>
    %jit3A_429 = arith.constant -3.000000e+38 : f32
    %broadcast_in_dim3A_430 = vector.broadcast %jit3A_429 : f32 to vector<16xf32>
    %select_n3A_431 = arith.select %eq3A_428, %get3A_426, %broadcast_in_dim3A_430 : vector<16xi1>, vector<16xf32>
    %reduce_max3A_432 = arith.constant true
    %reduce_max3A_433 = vector.broadcast %reduce_max3A_432 : i1 to vector<16xi1>
    %reduce_max3A_434 = tpu.scan <max>, %select_n3A_431 masked %reduce_max3A_433 : vector<16xf32>, vector<16xi1> -> vector<16xf32>
    %reduce_max3A_435 = vector.extract %reduce_max3A_434[15] : f32 from vector<16xf32>
    %broadcast_in_dim3A_436 = vector.broadcast %reduce_max3A_435 : f32 to vector<16xf32>
    %get3A_437 = arith.constant 1 : i32
    %get3A_438 = arith.constant 4 : i32
    %get3A_439 = arith.index_cast %get3A_437 : i32 to index
    %get3A_440 = arith.index_cast %get3A_438 : i32 to index
    %get3A_441 = arith.index_cast %mul3A_199 : i32 to index
    %get3A_442 = tpu.vector_load %arg7[%get3A_439, %get3A_440, %get3A_441] {strides = array<i32>} : memref<2x8x128xf32, #tpu.memory_space<vmem>>, vector<16xf32>,
    %eq3A_443 = vector.broadcast %select_n3A_215 : i32 to vector<16xi32>
    %eq3A_444 = arith.cmpi eq, %iota3A, %eq3A_443 : vector<16xi32>
    %jit3A_445 = arith.constant -3.000000e+38 : f32
    %broadcast_in_dim3A_446 = vector.broadcast %jit3A_445 : f32 to vector<16xf32>
    %select_n3A_447 = arith.select %eq3A_444, %get3A_442, %broadcast_in_dim3A_446 : vector<16xi1>, vector<16xf32>
    %reduce_max3A_448 = arith.constant true
    %reduce_max3A_449 = vector.broadcast %reduce_max3A_448 : i1 to vector<16xi1>
    %reduce_max3A_450 = tpu.scan <max>, %select_n3A_447 masked %reduce_max3A_449 : vector<16xf32>, vector<16xi1> -> vector<16xf32>
    %reduce_max3A_451 = vector.extract %reduce_max3A_450[15] : f32 from vector<16xf32>
    %broadcast_in_dim3A_452 = vector.broadcast %reduce_max3A_451 : f32 to vector<16xf32>
    %add3A_453 = arith.constant 9.99999997E-7 : f32
    %add3A_454 = vector.broadcast %add3A_453 : f32 to vector<16xf32>
    %add3A_455 = arith.addf %broadcast_in_dim3A_452, %add3A_454 : vector<16xf32>
    %get3A_456 = arith.constant 1 : i32
    %get3A_457 = arith.constant 5 : i32
    %get3A_458 = arith.index_cast %get3A_456 : i32 to index
    %get3A_459 = arith.index_cast %get3A_457 : i32 to index
    %get3A_460 = arith.index_cast %mul3A_199 : i32 to index
    %get3A_461 = tpu.vector_load %arg7[%get3A_458, %get3A_459, %get3A_460] {strides = array<i32>} : memref<2x8x128xf32, #tpu.memory_space<vmem>>, vector<16xf32>,
    %eq3A_462 = vector.broadcast %select_n3A_215 : i32 to vector<16xi32>
    %eq3A_463 = arith.cmpi eq, %iota3A, %eq3A_462 : vector<16xi32>
    %jit3A_464 = arith.constant -3.000000e+38 : f32
    %broadcast_in_dim3A_465 = vector.broadcast %jit3A_464 : f32 to vector<16xf32>
    %select_n3A_466 = arith.select %eq3A_463, %get3A_461, %broadcast_in_dim3A_465 : vector<16xi1>, vector<16xf32>
    %reduce_max3A_467 = arith.constant true
    %reduce_max3A_468 = vector.broadcast %reduce_max3A_467 : i1 to vector<16xi1>
    %reduce_max3A_469 = tpu.scan <max>, %select_n3A_466 masked %reduce_max3A_468 : vector<16xf32>, vector<16xi1> -> vector<16xf32>
    %reduce_max3A_470 = vector.extract %reduce_max3A_469[15] : f32 from vector<16xf32>
    %broadcast_in_dim3A_471 = vector.broadcast %reduce_max3A_470 : f32 to vector<16xf32>
    %get3A_472 = arith.constant 1 : i32
    %get3A_473 = arith.constant 6 : i32
    %get3A_474 = arith.index_cast %get3A_472 : i32 to index
    %get3A_475 = arith.index_cast %get3A_473 : i32 to index
    %get3A_476 = arith.index_cast %mul3A_199 : i32 to index
    %get3A_477 = tpu.vector_load %arg7[%get3A_474, %get3A_475, %get3A_476] {strides = array<i32>} : memref<2x8x128xf32, #tpu.memory_space<vmem>>, vector<16xf32>,
    %eq3A_478 = vector.broadcast %select_n3A_215 : i32 to vector<16xi32>
    %eq3A_479 = arith.cmpi eq, %iota3A, %eq3A_478 : vector<16xi32>
    %jit3A_480 = arith.constant -3.000000e+38 : f32
    %broadcast_in_dim3A_481 = vector.broadcast %jit3A_480 : f32 to vector<16xf32>
    %select_n3A_482 = arith.select %eq3A_479, %get3A_477, %broadcast_in_dim3A_481 : vector<16xi1>, vector<16xf32>
    %reduce_max3A_483 = arith.constant true
    %reduce_max3A_484 = vector.broadcast %reduce_max3A_483 : i1 to vector<16xi1>
    %reduce_max3A_485 = tpu.scan <max>, %select_n3A_482 masked %reduce_max3A_484 : vector<16xf32>, vector<16xi1> -> vector<16xf32>
    %reduce_max3A_486 = vector.extract %reduce_max3A_485[15] : f32 from vector<16xf32>
    %broadcast_in_dim3A_487 = vector.broadcast %reduce_max3A_486 : f32 to vector<16xf32>
    %get3A_488 = arith.constant 1 : i32
    %get3A_489 = arith.constant 7 : i32
    %get3A_490 = arith.index_cast %get3A_488 : i32 to index
    %get3A_491 = arith.index_cast %get3A_489 : i32 to index
    %get3A_492 = arith.index_cast %mul3A_199 : i32 to index
    %get3A_493 = tpu.vector_load %arg7[%get3A_490, %get3A_491, %get3A_492] {strides = array<i32>} : memref<2x8x128xf32, #tpu.memory_space<vmem>>, vector<16xf32>,
    %eq3A_494 = vector.broadcast %select_n3A_215 : i32 to vector<16xi32>
    %eq3A_495 = arith.cmpi eq, %iota3A, %eq3A_494 : vector<16xi32>
    %jit3A_496 = arith.constant -3.000000e+38 : f32
    %broadcast_in_dim3A_497 = vector.broadcast %jit3A_496 : f32 to vector<16xf32>
    %select_n3A_498 = arith.select %eq3A_495, %get3A_493, %broadcast_in_dim3A_497 : vector<16xi1>, vector<16xf32>
    %reduce_max3A_499 = arith.constant true
    %reduce_max3A_500 = vector.broadcast %reduce_max3A_499 : i1 to vector<16xi1>
    %reduce_max3A_501 = tpu.scan <max>, %select_n3A_498 masked %reduce_max3A_500 : vector<16xf32>, vector<16xi1> -> vector<16xf32>
    %reduce_max3A_502 = vector.extract %reduce_max3A_501[15] : f32 from vector<16xf32>
    %broadcast_in_dim3A_503 = vector.broadcast %reduce_max3A_502 : f32 to vector<16xf32>
    %div3A_504 = arith.divf %broadcast_in_dim3A_33, %add3A_455 : vector<16xf32>
    %mul3A_505 = arith.mulf %broadcast_in_dim3A_388, %add3A_455 : vector<16xf32>
    %mul3A_506 = arith.mulf %broadcast_in_dim3A_420, %broadcast_in_dim3A_487 : vector<16xf32>
    %add3A_507 = arith.addf %mul3A_505, %mul3A_506 : vector<16xf32>
    %mul3A_508 = arith.mulf %broadcast_in_dim3A_388, %broadcast_in_dim3A_471 : vector<16xf32>
    %mul3A_509 = arith.mulf %broadcast_in_dim3A_404, %div3A_504 : vector<16xf32>
    %add3A_510 = arith.addf %mul3A_508, %mul3A_509 : vector<16xf32>
    %mul3A_511 = arith.mulf %broadcast_in_dim3A_420, %broadcast_in_dim3A_503 : vector<16xf32>
    %add3A_512 = arith.addf %add3A_510, %mul3A_511 : vector<16xf32>
    %mul3A_513 = arith.mulf %broadcast_in_dim3A_436, %broadcast_in_dim3A_487 : vector<16xf32>
    %mul3A_514 = arith.mulf %broadcast_in_dim3A_404, %add3A_455 : vector<16xf32>
    %sub3A_515 = arith.subf %mul3A_513, %mul3A_514 : vector<16xf32>
    %mul3A_516 = arith.mulf %broadcast_in_dim3A_388, %div3A_504 : vector<16xf32>
    %mul3A_517 = arith.mulf %broadcast_in_dim3A_404, %broadcast_in_dim3A_471 : vector<16xf32>
    %sub3A_518 = arith.subf %mul3A_516, %mul3A_517 : vector<16xf32>
    %mul3A_519 = arith.mulf %broadcast_in_dim3A_436, %broadcast_in_dim3A_503 : vector<16xf32>
    %add3A_520 = arith.addf %sub3A_518, %mul3A_519 : vector<16xf32>
    %scan3A = arith.constant 0 : i32
    %scan3A_521 = arith.constant 0 : i32
    %scan3A_522 = arith.constant 8 : i32
    %scan3A_523 = arith.addi %scan3A_521, %scan3A_522 : i32
    %scan3A_524 = arith.constant 1 : i32
    scf.for %scan3A_609 = %scan3A_521 to %scan3A_523 step %scan3A_524  : i32 {
      %jit3A_610 = arith.constant 4 : i32
      %eq3A_611 = arith.constant 0 : i32
      %eq3A_612 = arith.cmpi eq, %jit3A_610, %eq3A_611 : i32
      %jit3A_613 = arith.constant 1 : i32
      %select_n3A_614 = arith.select %eq3A_612, %jit3A_613, %jit3A_610 : i32
      %rem3A_615 = arith.remsi %scan3A_609, %select_n3A_614 : i32
      %ne3A_616 = arith.constant 0 : i32
      %ne3A_617 = arith.cmpi ne, %rem3A_615, %ne3A_616 : i32
      %lt3A_618 = arith.constant 0 : i32
      %lt3A_619 = arith.cmpi slt, %rem3A_615, %lt3A_618 : i32
      %lt3A_620 = arith.constant 0 : i32
      %lt3A_621 = arith.cmpi slt, %select_n3A_614, %lt3A_620 : i32
      %ne3A_622 = arith.xori %lt3A_619, %lt3A_621 : i1
      %and3A_623 = arith.andi %ne3A_622, %ne3A_617 : i1
      %add3A_624 = arith.addi %rem3A_615, %select_n3A_614 : i32
      %select_n3A_625 = arith.select %and3A_623, %add3A_624, %rem3A_615 : i32
      %jit3A_626 = arith.constant 4 : i32
      %div3A_627 = arith.divsi %scan3A_609, %jit3A_626 : i32
      %sign3A_628 = arith.constant 0 : i32
      %sign3A_629 = arith.cmpi sgt, %scan3A_609, %sign3A_628 : i32
      %sign3A_630 = arith.extui %sign3A_629 : i1 to i32
      %sign3A_631 = arith.constant 0 : i32
      %sign3A_632 = arith.cmpi slt, %scan3A_609, %sign3A_631 : i32
      %sign3A_633 = arith.extui %sign3A_632 : i1 to i32
      %sign3A_634 = arith.subi %sign3A_630, %sign3A_633 : i32
      %sign3A_635 = arith.constant 0 : i32
      %sign3A_636 = arith.cmpi sgt, %jit3A_626, %sign3A_635 : i32
      %sign3A_637 = arith.extui %sign3A_636 : i1 to i32
      %sign3A_638 = arith.constant 0 : i32
      %sign3A_639 = arith.cmpi slt, %jit3A_626, %sign3A_638 : i32
      %sign3A_640 = arith.extui %sign3A_639 : i1 to i32
      %sign3A_641 = arith.subi %sign3A_637, %sign3A_640 : i32
      %ne3A_642 = arith.cmpi ne, %sign3A_634, %sign3A_641 : i32
      %rem3A_643 = arith.remsi %scan3A_609, %jit3A_626 : i32
      %ne3A_644 = arith.constant 0 : i32
      %ne3A_645 = arith.cmpi ne, %rem3A_643, %ne3A_644 : i32
      %and3A_646 = arith.andi %ne3A_642, %ne3A_645 : i1
      %sub3A_647 = arith.constant 1 : i32
      %sub3A_648 = arith.subi %div3A_627, %sub3A_647 : i32
      %select_n3A_649 = arith.select %and3A_646, %sub3A_648, %div3A_627 : i32
      %broadcast_in_dim3A_650 = vector.broadcast %select_n3A_649 : i32 to vector<16xi32>
      %eq3A_651 = arith.constant 0 : i32
      %eq3A_652 = vector.broadcast %eq3A_651 : i32 to vector<16xi32>
      %eq3A_653 = arith.cmpi eq, %broadcast_in_dim3A_650, %eq3A_652 : vector<16xi32>
      %select_n3A_654 = arith.select %eq3A_653, %add3A_359, %add3A_507 : vector<16xi1>, vector<16xf32>
      %select_n3A_655 = arith.select %eq3A_653, %add3A_364, %add3A_512 : vector<16xi1>, vector<16xf32>
      %select_n3A_656 = arith.select %eq3A_653, %broadcast_in_dim3A_272, %broadcast_in_dim3A_420 : vector<16xi1>, vector<16xf32>
      %select_n3A_657 = arith.select %eq3A_653, %sub3A_367, %sub3A_515 : vector<16xi1>, vector<16xf32>
      %select_n3A_658 = arith.select %eq3A_653, %add3A_372, %add3A_520 : vector<16xi1>, vector<16xf32>
      %select_n3A_659 = arith.select %eq3A_653, %broadcast_in_dim3A_288, %broadcast_in_dim3A_436 : vector<16xi1>, vector<16xf32>
      %select_n3A_660 = arith.select %eq3A_653, %broadcast_in_dim3A_339, %broadcast_in_dim3A_487 : vector<16xi1>, vector<16xf32>
      %select_n3A_661 = arith.select %eq3A_653, %broadcast_in_dim3A_355, %broadcast_in_dim3A_503 : vector<16xi1>, vector<16xf32>
      %add3A_662 = arith.constant 2 : i32
      %add3A_663 = arith.addi %scan3A_609, %add3A_662 : i32
      %lt3A_664 = arith.constant 8 : i32
      %lt3A_665 = arith.cmpi slt, %add3A_663, %lt3A_664 : i32
      %convert_element_type3A = arith.extui %lt3A_665 : i1 to i32
      %cond3A = arith.constant 0 : i32
      %cond3A_666 = arith.cmpi ne, %convert_element_type3A, %cond3A : i32
      scf.if %cond3A_666 {
        %add3A_872 = arith.constant 2 : i32
        %add3A_873 = arith.addi %scan3A_609, %add3A_872 : i32
        %jit3A_874 = arith.constant 4 : i32
        %eq3A_875 = arith.constant 0 : i32
        %eq3A_876 = arith.cmpi eq, %jit3A_874, %eq3A_875 : i32
        %jit3A_877 = arith.constant 1 : i32
        %select_n3A_878 = arith.select %eq3A_876, %jit3A_877, %jit3A_874 : i32
        %rem3A_879 = arith.remsi %add3A_873, %select_n3A_878 : i32
        %ne3A_880 = arith.constant 0 : i32
        %ne3A_881 = arith.cmpi ne, %rem3A_879, %ne3A_880 : i32
        %lt3A_882 = arith.constant 0 : i32
        %lt3A_883 = arith.cmpi slt, %rem3A_879, %lt3A_882 : i32
        %lt3A_884 = arith.constant 0 : i32
        %lt3A_885 = arith.cmpi slt, %select_n3A_878, %lt3A_884 : i32
        %ne3A_886 = arith.xori %lt3A_883, %lt3A_885 : i1
        %and3A_887 = arith.andi %ne3A_886, %ne3A_881 : i1
        %add3A_888 = arith.addi %rem3A_879, %select_n3A_878 : i32
        %select_n3A_889 = arith.select %and3A_887, %add3A_888, %rem3A_879 : i32
        %jit3A_890 = arith.constant 4 : i32
        %div3A_891 = arith.divsi %add3A_873, %jit3A_890 : i32
        %sign3A_892 = arith.constant 0 : i32
        %sign3A_893 = arith.cmpi sgt, %add3A_873, %sign3A_892 : i32
        %sign3A_894 = arith.extui %sign3A_893 : i1 to i32
        %sign3A_895 = arith.constant 0 : i32
        %sign3A_896 = arith.cmpi slt, %add3A_873, %sign3A_895 : i32
        %sign3A_897 = arith.extui %sign3A_896 : i1 to i32
        %sign3A_898 = arith.subi %sign3A_894, %sign3A_897 : i32
        %sign3A_899 = arith.constant 0 : i32
        %sign3A_900 = arith.cmpi sgt, %jit3A_890, %sign3A_899 : i32
        %sign3A_901 = arith.extui %sign3A_900 : i1 to i32
        %sign3A_902 = arith.constant 0 : i32
        %sign3A_903 = arith.cmpi slt, %jit3A_890, %sign3A_902 : i32
        %sign3A_904 = arith.extui %sign3A_903 : i1 to i32
        %sign3A_905 = arith.subi %sign3A_901, %sign3A_904 : i32
        %ne3A_906 = arith.cmpi ne, %sign3A_898, %sign3A_905 : i32
        %rem3A_907 = arith.remsi %add3A_873, %jit3A_890 : i32
        %ne3A_908 = arith.constant 0 : i32
        %ne3A_909 = arith.cmpi ne, %rem3A_907, %ne3A_908 : i32
        %and3A_910 = arith.andi %ne3A_906, %ne3A_909 : i1
        %sub3A_911 = arith.constant 1 : i32
        %sub3A_912 = arith.subi %div3A_891, %sub3A_911 : i32
        %select_n3A_913 = arith.select %and3A_910, %sub3A_912, %div3A_891 : i32
        %jit3A_914 = arith.constant 4 : i32
        %eq3A_915 = arith.constant 0 : i32
        %eq3A_916 = arith.cmpi eq, %jit3A_914, %eq3A_915 : i32
        %jit3A_917 = arith.constant 1 : i32
        %select_n3A_918 = arith.select %eq3A_916, %jit3A_917, %jit3A_914 : i32
        %rem3A_919 = arith.remsi %add3A_873, %select_n3A_918 : i32
        %ne3A_920 = arith.constant 0 : i32
        %ne3A_921 = arith.cmpi ne, %rem3A_919, %ne3A_920 : i32
        %lt3A_922 = arith.constant 0 : i32
        %lt3A_923 = arith.cmpi slt, %rem3A_919, %lt3A_922 : i32
        %lt3A_924 = arith.constant 0 : i32
        %lt3A_925 = arith.cmpi slt, %select_n3A_918, %lt3A_924 : i32
        %ne3A_926 = arith.xori %lt3A_923, %lt3A_925 : i1
        %and3A_927 = arith.andi %ne3A_926, %ne3A_921 : i1
        %add3A_928 = arith.addi %rem3A_919, %select_n3A_918 : i32
        %select_n3A_929 = arith.select %and3A_927, %add3A_928, %rem3A_919 : i32
        %add3A_930 = arith.addi %mul3A_32, %select_n3A_913 : i32
        %mul3A_931 = arith.constant 56 : i32
        %mul3A_932 = arith.muli %select_n3A_929, %mul3A_931 : i32
        %dma_start3A_933 = arith.constant 0 : i32
        %dma_start3A_934 = arith.constant 0 : i32
        %dma_start3A_935 = arith.constant 0 : i32
        %dma_start3A_936 = tpu.memref_slice %arg8[%select_n3A_889, %dma_start3A_934, %dma_start3A_935] : memref<4x56x128xf32, #tpu.memory_space<vmem>> -> memref<1x56x128xf32, #tpu.memory_space<vmem>>
        %dma_start3A_937 = tpu.memref_squeeze %dma_start3A_936 : memref<1x56x128xf32, #tpu.memory_space<vmem>> -> memref<56x128xf32, #tpu.memory_space<vmem>>
        %dma_start3A_938 = arith.constant 0 : i32
        %dma_start3A_939 = tpu.memref_slice %arg4[%select_n3A, %add3A_930, %dma_start3A_933, %mul3A_932, %dma_start3A_938] : memref<16x4x3x224x128xf32, #tpu.memory_space<hbm>> -> memref<1x1x1x56x128xf32, #tpu.memory_space<hbm>>
        %dma_start3A_940 = tpu.memref_squeeze %dma_start3A_939 : memref<1x1x1x56x128xf32, #tpu.memory_space<hbm>> -> memref<56x128xf32, #tpu.memory_space<hbm>>
        %dma_start3A_941 = tpu.memref_slice %arg11[%select_n3A_889] : memref<4x!tpu.dma_semaphore, #tpu.memory_space<semaphore_mem>> -> memref<1x!tpu.dma_semaphore, #tpu.memory_space<semaphore_mem>>
        %dma_start3A_942 = tpu.memref_squeeze %dma_start3A_941 : memref<1x!tpu.dma_semaphore, #tpu.memory_space<semaphore_mem>> -> memref<!tpu.dma_semaphore, #tpu.memory_space<semaphore_mem>>
        %dma_start3A_943 = arith.constant 0 : i32
        %dma_start3A_944 = arith.constant 0 : i32
        %dma_start3A_945 = tpu.memref_slice %arg8[%select_n3A_889, %dma_start3A_943, %dma_start3A_944] : memref<4x56x128xf32, #tpu.memory_space<vmem>> -> memref<1x56x128xf32, #tpu.memory_space<vmem>>
        %dma_start3A_946 = tpu.memref_squeeze %dma_start3A_945 : memref<1x56x128xf32, #tpu.memory_space<vmem>> -> memref<56x128xf32, #tpu.memory_space<vmem>>
        %dma_start3A_947 = arith.constant 0 : i32
        %dma_start3A_948 = tpu.memref_slice %arg4[%select_n3A, %add3A_930, %dma_start3A_933, %mul3A_932, %dma_start3A_947] : memref<16x4x3x224x128xf32, #tpu.memory_space<hbm>> -> memref<1x1x1x56x128xf32, #tpu.memory_space<hbm>>
        %dma_start3A_949 = tpu.memref_squeeze %dma_start3A_948 : memref<1x1x1x56x128xf32, #tpu.memory_space<hbm>> -> memref<56x128xf32, #tpu.memory_space<hbm>>
        tpu.enqueue_dma source(%dma_start3A_949 : memref<56x128xf32, #tpu.memory_space<hbm>>) target(%dma_start3A_946 : memref<56x128xf32, #tpu.memory_space<vmem>>) target_semaphore(%dma_start3A_942 : memref<!tpu.dma_semaphore, #tpu.memory_space<semaphore_mem>>)
        %jit3A_950 = arith.constant 4 : i32
        %div3A_951 = arith.divsi %add3A_873, %jit3A_950 : i32
        %sign3A_952 = arith.constant 0 : i32
        %sign3A_953 = arith.cmpi sgt, %add3A_873, %sign3A_952 : i32
        %sign3A_954 = arith.extui %sign3A_953 : i1 to i32
        %sign3A_955 = arith.constant 0 : i32
        %sign3A_956 = arith.cmpi slt, %add3A_873, %sign3A_955 : i32
        %sign3A_957 = arith.extui %sign3A_956 : i1 to i32
        %sign3A_958 = arith.subi %sign3A_954, %sign3A_957 : i32
        %sign3A_959 = arith.constant 0 : i32
        %sign3A_960 = arith.cmpi sgt, %jit3A_950, %sign3A_959 : i32
        %sign3A_961 = arith.extui %sign3A_960 : i1 to i32
        %sign3A_962 = arith.constant 0 : i32
        %sign3A_963 = arith.cmpi slt, %jit3A_950, %sign3A_962 : i32
        %sign3A_964 = arith.extui %sign3A_963 : i1 to i32
        %sign3A_965 = arith.subi %sign3A_961, %sign3A_964 : i32
        %ne3A_966 = arith.cmpi ne, %sign3A_958, %sign3A_965 : i32
        %rem3A_967 = arith.remsi %add3A_873, %jit3A_950 : i32
        %ne3A_968 = arith.constant 0 : i32
        %ne3A_969 = arith.cmpi ne, %rem3A_967, %ne3A_968 : i32
        %and3A_970 = arith.andi %ne3A_966, %ne3A_969 : i1
        %sub3A_971 = arith.constant 1 : i32
        %sub3A_972 = arith.subi %div3A_951, %sub3A_971 : i32
        %select_n3A_973 = arith.select %and3A_970, %sub3A_972, %div3A_951 : i32
        %jit3A_974 = arith.constant 4 : i32
        %eq3A_975 = arith.constant 0 : i32
        %eq3A_976 = arith.cmpi eq, %jit3A_974, %eq3A_975 : i32
        %jit3A_977 = arith.constant 1 : i32
        %select_n3A_978 = arith.select %eq3A_976, %jit3A_977, %jit3A_974 : i32
        %rem3A_979 = arith.remsi %add3A_873, %select_n3A_978 : i32
        %ne3A_980 = arith.constant 0 : i32
        %ne3A_981 = arith.cmpi ne, %rem3A_979, %ne3A_980 : i32
        %lt3A_982 = arith.constant 0 : i32
        %lt3A_983 = arith.cmpi slt, %rem3A_979, %lt3A_982 : i32
        %lt3A_984 = arith.constant 0 : i32
        %lt3A_985 = arith.cmpi slt, %select_n3A_978, %lt3A_984 : i32
        %ne3A_986 = arith.xori %lt3A_983, %lt3A_985 : i1
        %and3A_987 = arith.andi %ne3A_986, %ne3A_981 : i1
        %add3A_988 = arith.addi %rem3A_979, %select_n3A_978 : i32
        %select_n3A_989 = arith.select %and3A_987, %add3A_988, %rem3A_979 : i32
        %add3A_990 = arith.addi %mul3A_32, %select_n3A_973 : i32
        %mul3A_991 = arith.constant 56 : i32
        %mul3A_992 = arith.muli %select_n3A_989, %mul3A_991 : i32
        %dma_start3A_993 = arith.constant 1 : i32
        %dma_start3A_994 = arith.constant 0 : i32
        %dma_start3A_995 = arith.constant 0 : i32
        %dma_start3A_996 = tpu.memref_slice %arg9[%select_n3A_889, %dma_start3A_994, %dma_start3A_995] : memref<4x56x128xf32, #tpu.memory_space<vmem>> -> memref<1x56x128xf32, #tpu.memory_space<vmem>>
        %dma_start3A_997 = tpu.memref_squeeze %dma_start3A_996 : memref<1x56x128xf32, #tpu.memory_space<vmem>> -> memref<56x128xf32, #tpu.memory_space<vmem>>
        %dma_start3A_998 = arith.constant 0 : i32
        %dma_start3A_999 = tpu.memref_slice %arg4[%select_n3A, %add3A_990, %dma_start3A_993, %mul3A_992, %dma_start3A_998] : memref<16x4x3x224x128xf32, #tpu.memory_space<hbm>> -> memref<1x1x1x56x128xf32, #tpu.memory_space<hbm>>
        %dma_start3A_1000 = tpu.memref_squeeze %dma_start3A_999 : memref<1x1x1x56x128xf32, #tpu.memory_space<hbm>> -> memref<56x128xf32, #tpu.memory_space<hbm>>
        %dma_start3A_1001 = tpu.memref_slice %arg11[%select_n3A_889] : memref<4x!tpu.dma_semaphore, #tpu.memory_space<semaphore_mem>> -> memref<1x!tpu.dma_semaphore, #tpu.memory_space<semaphore_mem>>
        %dma_start3A_1002 = tpu.memref_squeeze %dma_start3A_1001 : memref<1x!tpu.dma_semaphore, #tpu.memory_space<semaphore_mem>> -> memref<!tpu.dma_semaphore, #tpu.memory_space<semaphore_mem>>
        %dma_start3A_1003 = arith.constant 0 : i32
        %dma_start3A_1004 = arith.constant 0 : i32
        %dma_start3A_1005 = tpu.memref_slice %arg9[%select_n3A_889, %dma_start3A_1003, %dma_start3A_1004] : memref<4x56x128xf32, #tpu.memory_space<vmem>> -> memref<1x56x128xf32, #tpu.memory_space<vmem>>
        %dma_start3A_1006 = tpu.memref_squeeze %dma_start3A_1005 : memref<1x56x128xf32, #tpu.memory_space<vmem>> -> memref<56x128xf32, #tpu.memory_space<vmem>>
        %dma_start3A_1007 = arith.constant 0 : i32
        %dma_start3A_1008 = tpu.memref_slice %arg4[%select_n3A, %add3A_990, %dma_start3A_993, %mul3A_992, %dma_start3A_1007] : memref<16x4x3x224x128xf32, #tpu.memory_space<hbm>> -> memref<1x1x1x56x128xf32, #tpu.memory_space<hbm>>
        %dma_start3A_1009 = tpu.memref_squeeze %dma_start3A_1008 : memref<1x1x1x56x128xf32, #tpu.memory_space<hbm>> -> memref<56x128xf32, #tpu.memory_space<hbm>>
        tpu.enqueue_dma source(%dma_start3A_1009 : memref<56x128xf32, #tpu.memory_space<hbm>>) target(%dma_start3A_1006 : memref<56x128xf32, #tpu.memory_space<vmem>>) target_semaphore(%dma_start3A_1002 : memref<!tpu.dma_semaphore, #tpu.memory_space<semaphore_mem>>)
      } else {
      }
      %jit3A_667 = arith.constant 4 : i32
      %eq3A_668 = arith.constant 0 : i32
      %eq3A_669 = arith.cmpi eq, %jit3A_667, %eq3A_668 : i32
      %jit3A_670 = arith.constant 1 : i32
      %select_n3A_671 = arith.select %eq3A_669, %jit3A_670, %jit3A_667 : i32
      %rem3A_672 = arith.remsi %scan3A_609, %select_n3A_671 : i32
      %ne3A_673 = arith.constant 0 : i32
      %ne3A_674 = arith.cmpi ne, %rem3A_672, %ne3A_673 : i32
      %lt3A_675 = arith.constant 0 : i32
      %lt3A_676 = arith.cmpi slt, %rem3A_672, %lt3A_675 : i32
      %lt3A_677 = arith.constant 0 : i32
      %lt3A_678 = arith.cmpi slt, %select_n3A_671, %lt3A_677 : i32
      %ne3A_679 = arith.xori %lt3A_676, %lt3A_678 : i1
      %and3A_680 = arith.andi %ne3A_679, %ne3A_674 : i1
      %add3A_681 = arith.addi %rem3A_672, %select_n3A_671 : i32
      %select_n3A_682 = arith.select %and3A_680, %add3A_681, %rem3A_672 : i32
      %jit3A_683 = arith.constant 4 : i32
      %div3A_684 = arith.divsi %scan3A_609, %jit3A_683 : i32
      %sign3A_685 = arith.constant 0 : i32
      %sign3A_686 = arith.cmpi sgt, %scan3A_609, %sign3A_685 : i32
      %sign3A_687 = arith.extui %sign3A_686 : i1 to i32
      %sign3A_688 = arith.constant 0 : i32
      %sign3A_689 = arith.cmpi slt, %scan3A_609, %sign3A_688 : i32
      %sign3A_690 = arith.extui %sign3A_689 : i1 to i32
      %sign3A_691 = arith.subi %sign3A_687, %sign3A_690 : i32
      %sign3A_692 = arith.constant 0 : i32
      %sign3A_693 = arith.cmpi sgt, %jit3A_683, %sign3A_692 : i32
      %sign3A_694 = arith.extui %sign3A_693 : i1 to i32
      %sign3A_695 = arith.constant 0 : i32
      %sign3A_696 = arith.cmpi slt, %jit3A_683, %sign3A_695 : i32
      %sign3A_697 = arith.extui %sign3A_696 : i1 to i32
      %sign3A_698 = arith.subi %sign3A_694, %sign3A_697 : i32
      %ne3A_699 = arith.cmpi ne, %sign3A_691, %sign3A_698 : i32
      %rem3A_700 = arith.remsi %scan3A_609, %jit3A_683 : i32
      %ne3A_701 = arith.constant 0 : i32
      %ne3A_702 = arith.cmpi ne, %rem3A_700, %ne3A_701 : i32
      %and3A_703 = arith.andi %ne3A_699, %ne3A_702 : i1
      %sub3A_704 = arith.constant 1 : i32
      %sub3A_705 = arith.subi %div3A_684, %sub3A_704 : i32
      %select_n3A_706 = arith.select %and3A_703, %sub3A_705, %div3A_684 : i32
      %jit3A_707 = arith.constant 4 : i32
      %eq3A_708 = arith.constant 0 : i32
      %eq3A_709 = arith.cmpi eq, %jit3A_707, %eq3A_708 : i32
      %jit3A_710 = arith.constant 1 : i32
      %select_n3A_711 = arith.select %eq3A_709, %jit3A_710, %jit3A_707 : i32
      %rem3A_712 = arith.remsi %scan3A_609, %select_n3A_711 : i32
      %ne3A_713 = arith.constant 0 : i32
      %ne3A_714 = arith.cmpi ne, %rem3A_712, %ne3A_713 : i32
      %lt3A_715 = arith.constant 0 : i32
      %lt3A_716 = arith.cmpi slt, %rem3A_712, %lt3A_715 : i32
      %lt3A_717 = arith.constant 0 : i32
      %lt3A_718 = arith.cmpi slt, %select_n3A_711, %lt3A_717 : i32
      %ne3A_719 = arith.xori %lt3A_716, %lt3A_718 : i1
      %and3A_720 = arith.andi %ne3A_719, %ne3A_714 : i1
      %add3A_721 = arith.addi %rem3A_712, %select_n3A_711 : i32
      %select_n3A_722 = arith.select %and3A_720, %add3A_721, %rem3A_712 : i32
      %add3A_723 = arith.addi %mul3A_32, %select_n3A_706 : i32
      %mul3A_724 = arith.constant 56 : i32
      %mul3A_725 = arith.muli %select_n3A_722, %mul3A_724 : i32
      %dma_wait3A_726 = arith.constant 0 : i32
      %dma_wait3A_727 = arith.constant 0 : i32
      %dma_wait3A_728 = arith.constant 0 : i32
      %dma_wait3A_729 = tpu.memref_slice %arg8[%select_n3A_682, %dma_wait3A_727, %dma_wait3A_728] : memref<4x56x128xf32, #tpu.memory_space<vmem>> -> memref<1x56x128xf32, #tpu.memory_space<vmem>>
      %dma_wait3A_730 = tpu.memref_squeeze %dma_wait3A_729 : memref<1x56x128xf32, #tpu.memory_space<vmem>> -> memref<56x128xf32, #tpu.memory_space<vmem>>
      %dma_wait3A_731 = arith.constant 0 : i32
      %dma_wait3A_732 = tpu.memref_slice %arg4[%select_n3A, %add3A_723, %dma_wait3A_726, %mul3A_725, %dma_wait3A_731] : memref<16x4x3x224x128xf32, #tpu.memory_space<hbm>> -> memref<1x1x1x56x128xf32, #tpu.memory_space<hbm>>
      %dma_wait3A_733 = tpu.memref_squeeze %dma_wait3A_732 : memref<1x1x1x56x128xf32, #tpu.memory_space<hbm>> -> memref<56x128xf32, #tpu.memory_space<hbm>>
      %dma_wait3A_734 = tpu.memref_slice %arg11[%select_n3A_682] : memref<4x!tpu.dma_semaphore, #tpu.memory_space<semaphore_mem>> -> memref<1x!tpu.dma_semaphore, #tpu.memory_space<semaphore_mem>>
      %dma_wait3A_735 = tpu.memref_squeeze %dma_wait3A_734 : memref<1x!tpu.dma_semaphore, #tpu.memory_space<semaphore_mem>> -> memref<!tpu.dma_semaphore, #tpu.memory_space<semaphore_mem>>
      %dma_wait3A_736 = arith.constant 0 : i32
      %dma_wait3A_737 = arith.constant 0 : i32
      %dma_wait3A_738 = tpu.memref_slice %arg8[%select_n3A_682, %dma_wait3A_736, %dma_wait3A_737] : memref<4x56x128xf32, #tpu.memory_space<vmem>> -> memref<1x56x128xf32, #tpu.memory_space<vmem>>
      %dma_wait3A_739 = tpu.memref_squeeze %dma_wait3A_738 : memref<1x56x128xf32, #tpu.memory_space<vmem>> -> memref<56x128xf32, #tpu.memory_space<vmem>>
      %dma_wait3A_740 = arith.constant 0 : i32
      %dma_wait3A_741 = tpu.memref_slice %arg4[%select_n3A, %add3A_723, %dma_wait3A_726, %mul3A_725, %dma_wait3A_740] : memref<16x4x3x224x128xf32, #tpu.memory_space<hbm>> -> memref<1x1x1x56x128xf32, #tpu.memory_space<hbm>>
      %dma_wait3A_742 = tpu.memref_squeeze %dma_wait3A_741 : memref<1x1x1x56x128xf32, #tpu.memory_space<hbm>> -> memref<56x128xf32, #tpu.memory_space<hbm>>
      tpu.wait_dma2 semaphore(%dma_wait3A_735 : memref<!tpu.dma_semaphore, #tpu.memory_space<semaphore_mem>>) src(%dma_wait3A_742 : memref<56x128xf32, #tpu.memory_space<hbm>>) dst(%dma_wait3A_739 : memref<56x128xf32, #tpu.memory_space<vmem>>)
      %jit3A_743 = arith.constant 4 : i32
      %div3A_744 = arith.divsi %scan3A_609, %jit3A_743 : i32
      %sign3A_745 = arith.constant 0 : i32
      %sign3A_746 = arith.cmpi sgt, %scan3A_609, %sign3A_745 : i32
      %sign3A_747 = arith.extui %sign3A_746 : i1 to i32
      %sign3A_748 = arith.constant 0 : i32
      %sign3A_749 = arith.cmpi slt, %scan3A_609, %sign3A_748 : i32
      %sign3A_750 = arith.extui %sign3A_749 : i1 to i32
      %sign3A_751 = arith.subi %sign3A_747, %sign3A_750 : i32
      %sign3A_752 = arith.constant 0 : i32
      %sign3A_753 = arith.cmpi sgt, %jit3A_743, %sign3A_752 : i32
      %sign3A_754 = arith.extui %sign3A_753 : i1 to i32
      %sign3A_755 = arith.constant 0 : i32
      %sign3A_756 = arith.cmpi slt, %jit3A_743, %sign3A_755 : i32
      %sign3A_757 = arith.extui %sign3A_756 : i1 to i32
      %sign3A_758 = arith.subi %sign3A_754, %sign3A_757 : i32
      %ne3A_759 = arith.cmpi ne, %sign3A_751, %sign3A_758 : i32
      %rem3A_760 = arith.remsi %scan3A_609, %jit3A_743 : i32
      %ne3A_761 = arith.constant 0 : i32
      %ne3A_762 = arith.cmpi ne, %rem3A_760, %ne3A_761 : i32
      %and3A_763 = arith.andi %ne3A_759, %ne3A_762 : i1
      %sub3A_764 = arith.constant 1 : i32
      %sub3A_765 = arith.subi %div3A_744, %sub3A_764 : i32
      %select_n3A_766 = arith.select %and3A_763, %sub3A_765, %div3A_744 : i32
      %jit3A_767 = arith.constant 4 : i32
      %eq3A_768 = arith.constant 0 : i32
      %eq3A_769 = arith.cmpi eq, %jit3A_767, %eq3A_768 : i32
      %jit3A_770 = arith.constant 1 : i32
      %select_n3A_771 = arith.select %eq3A_769, %jit3A_770, %jit3A_767 : i32
      %rem3A_772 = arith.remsi %scan3A_609, %select_n3A_771 : i32
      %ne3A_773 = arith.constant 0 : i32
      %ne3A_774 = arith.cmpi ne, %rem3A_772, %ne3A_773 : i32
      %lt3A_775 = arith.constant 0 : i32
      %lt3A_776 = arith.cmpi slt, %rem3A_772, %lt3A_775 : i32
      %lt3A_777 = arith.constant 0 : i32
      %lt3A_778 = arith.cmpi slt, %select_n3A_771, %lt3A_777 : i32
      %ne3A_779 = arith.xori %lt3A_776, %lt3A_778 : i1
      %and3A_780 = arith.andi %ne3A_779, %ne3A_774 : i1
      %add3A_781 = arith.addi %rem3A_772, %select_n3A_771 : i32
      %select_n3A_782 = arith.select %and3A_780, %add3A_781, %rem3A_772 : i32
      %add3A_783 = arith.addi %mul3A_32, %select_n3A_766 : i32
      %mul3A_784 = arith.constant 56 : i32
      %mul3A_785 = arith.muli %select_n3A_782, %mul3A_784 : i32
      %dma_wait3A_786 = arith.constant 1 : i32
      %dma_wait3A_787 = arith.constant 0 : i32
      %dma_wait3A_788 = arith.constant 0 : i32
      %dma_wait3A_789 = tpu.memref_slice %arg9[%select_n3A_682, %dma_wait3A_787, %dma_wait3A_788] : memref<4x56x128xf32, #tpu.memory_space<vmem>> -> memref<1x56x128xf32, #tpu.memory_space<vmem>>
      %dma_wait3A_790 = tpu.memref_squeeze %dma_wait3A_789 : memref<1x56x128xf32, #tpu.memory_space<vmem>> -> memref<56x128xf32, #tpu.memory_space<vmem>>
      %dma_wait3A_791 = arith.constant 0 : i32
      %dma_wait3A_792 = tpu.memref_slice %arg4[%select_n3A, %add3A_783, %dma_wait3A_786, %mul3A_785, %dma_wait3A_791] : memref<16x4x3x224x128xf32, #tpu.memory_space<hbm>> -> memref<1x1x1x56x128xf32, #tpu.memory_space<hbm>>
      %dma_wait3A_793 = tpu.memref_squeeze %dma_wait3A_792 : memref<1x1x1x56x128xf32, #tpu.memory_space<hbm>> -> memref<56x128xf32, #tpu.memory_space<hbm>>
      %dma_wait3A_794 = tpu.memref_slice %arg11[%select_n3A_682] : memref<4x!tpu.dma_semaphore, #tpu.memory_space<semaphore_mem>> -> memref<1x!tpu.dma_semaphore, #tpu.memory_space<semaphore_mem>>
      %dma_wait3A_795 = tpu.memref_squeeze %dma_wait3A_794 : memref<1x!tpu.dma_semaphore, #tpu.memory_space<semaphore_mem>> -> memref<!tpu.dma_semaphore, #tpu.memory_space<semaphore_mem>>
      %dma_wait3A_796 = arith.constant 0 : i32
      %dma_wait3A_797 = arith.constant 0 : i32
      %dma_wait3A_798 = tpu.memref_slice %arg9[%select_n3A_682, %dma_wait3A_796, %dma_wait3A_797] : memref<4x56x128xf32, #tpu.memory_space<vmem>> -> memref<1x56x128xf32, #tpu.memory_space<vmem>>
      %dma_wait3A_799 = tpu.memref_squeeze %dma_wait3A_798 : memref<1x56x128xf32, #tpu.memory_space<vmem>> -> memref<56x128xf32, #tpu.memory_space<vmem>>
      %dma_wait3A_800 = arith.constant 0 : i32
      %dma_wait3A_801 = tpu.memref_slice %arg4[%select_n3A, %add3A_783, %dma_wait3A_786, %mul3A_785, %dma_wait3A_800] : memref<16x4x3x224x128xf32, #tpu.memory_space<hbm>> -> memref<1x1x1x56x128xf32, #tpu.memory_space<hbm>>
      %dma_wait3A_802 = tpu.memref_squeeze %dma_wait3A_801 : memref<1x1x1x56x128xf32, #tpu.memory_space<hbm>> -> memref<56x128xf32, #tpu.memory_space<hbm>>
      tpu.wait_dma2 semaphore(%dma_wait3A_795 : memref<!tpu.dma_semaphore, #tpu.memory_space<semaphore_mem>>) src(%dma_wait3A_802 : memref<56x128xf32, #tpu.memory_space<hbm>>) dst(%dma_wait3A_799 : memref<56x128xf32, #tpu.memory_space<vmem>>)
      %ge3A = arith.constant 4 : i32
      %ge3A_803 = arith.cmpi sge, %scan3A_609, %ge3A : i32
      %convert_element_type3A_804 = arith.extui %ge3A_803 : i1 to i32
      %cond3A_805 = arith.constant 0 : i32
      %cond3A_806 = arith.cmpi ne, %convert_element_type3A_804, %cond3A_805 : i32
      scf.if %cond3A_806 {
        %sub3A_872 = arith.constant 4 : i32
        %sub3A_873 = arith.subi %scan3A_609, %sub3A_872 : i32
        %jit3A_874 = arith.constant 4 : i32
        %div3A_875 = arith.divsi %sub3A_873, %jit3A_874 : i32
        %sign3A_876 = arith.constant 0 : i32
        %sign3A_877 = arith.cmpi sgt, %sub3A_873, %sign3A_876 : i32
        %sign3A_878 = arith.extui %sign3A_877 : i1 to i32
        %sign3A_879 = arith.constant 0 : i32
        %sign3A_880 = arith.cmpi slt, %sub3A_873, %sign3A_879 : i32
        %sign3A_881 = arith.extui %sign3A_880 : i1 to i32
        %sign3A_882 = arith.subi %sign3A_878, %sign3A_881 : i32
        %sign3A_883 = arith.constant 0 : i32
        %sign3A_884 = arith.cmpi sgt, %jit3A_874, %sign3A_883 : i32
        %sign3A_885 = arith.extui %sign3A_884 : i1 to i32
        %sign3A_886 = arith.constant 0 : i32
        %sign3A_887 = arith.cmpi slt, %jit3A_874, %sign3A_886 : i32
        %sign3A_888 = arith.extui %sign3A_887 : i1 to i32
        %sign3A_889 = arith.subi %sign3A_885, %sign3A_888 : i32
        %ne3A_890 = arith.cmpi ne, %sign3A_882, %sign3A_889 : i32
        %rem3A_891 = arith.remsi %sub3A_873, %jit3A_874 : i32
        %ne3A_892 = arith.constant 0 : i32
        %ne3A_893 = arith.cmpi ne, %rem3A_891, %ne3A_892 : i32
        %and3A_894 = arith.andi %ne3A_890, %ne3A_893 : i1
        %sub3A_895 = arith.constant 1 : i32
        %sub3A_896 = arith.subi %div3A_875, %sub3A_895 : i32
        %select_n3A_897 = arith.select %and3A_894, %sub3A_896, %div3A_875 : i32
        %jit3A_898 = arith.constant 4 : i32
        %eq3A_899 = arith.constant 0 : i32
        %eq3A_900 = arith.cmpi eq, %jit3A_898, %eq3A_899 : i32
        %jit3A_901 = arith.constant 1 : i32
        %select_n3A_902 = arith.select %eq3A_900, %jit3A_901, %jit3A_898 : i32
        %rem3A_903 = arith.remsi %sub3A_873, %select_n3A_902 : i32
        %ne3A_904 = arith.constant 0 : i32
        %ne3A_905 = arith.cmpi ne, %rem3A_903, %ne3A_904 : i32
        %lt3A_906 = arith.constant 0 : i32
        %lt3A_907 = arith.cmpi slt, %rem3A_903, %lt3A_906 : i32
        %lt3A_908 = arith.constant 0 : i32
        %lt3A_909 = arith.cmpi slt, %select_n3A_902, %lt3A_908 : i32
        %ne3A_910 = arith.xori %lt3A_907, %lt3A_909 : i1
        %and3A_911 = arith.andi %ne3A_910, %ne3A_905 : i1
        %add3A_912 = arith.addi %rem3A_903, %select_n3A_902 : i32
        %select_n3A_913 = arith.select %and3A_911, %add3A_912, %rem3A_903 : i32
        %mul3A_914 = arith.constant 4 : i32
        %mul3A_915 = arith.muli %select_n3A, %mul3A_914 : i32
        %add3A_916 = arith.addi %mul3A_915, %mul3A_32 : i32
        %add3A_917 = arith.addi %add3A_916, %select_n3A_897 : i32
        %mul3A_918 = arith.constant 57344 : i32
        %mul3A_919 = arith.muli %add3A_917, %mul3A_918 : i32
        %mul3A_920 = arith.constant 56 : i32
        %mul3A_921 = arith.muli %select_n3A_913, %mul3A_920 : i32
        %mul3A_922 = arith.constant 2 : i32
        %mul3A_923 = arith.muli %mul3A_921, %mul3A_922 : i32
        %mul3A_924 = arith.constant 128 : i32
        %mul3A_925 = arith.muli %mul3A_923, %mul3A_924 : i32
        %add3A_926 = arith.addi %mul3A_919, %mul3A_925 : i32
        %dma_wait3A_927 = arith.constant 0 : i32
        %dma_wait3A_928 = tpu.memref_slice %arg10[%select_n3A_625, %dma_wait3A_927] : memref<4x14336xf32, #tpu.memory_space<vmem>> -> memref<1x14336xf32, #tpu.memory_space<vmem>>
        %dma_wait3A_929 = tpu.memref_squeeze %dma_wait3A_928 : memref<1x14336xf32, #tpu.memory_space<vmem>> -> memref<14336xf32, #tpu.memory_space<vmem>>
        %dma_wait3A_930 = tpu.memref_slice %arg5[%add3A_926] : memref<3670016xf32, #tpu.memory_space<hbm>> -> memref<14336xf32, #tpu.memory_space<hbm>>
        %dma_wait3A_931 = tpu.memref_slice %arg12[%select_n3A_625] : memref<4x!tpu.dma_semaphore, #tpu.memory_space<semaphore_mem>> -> memref<1x!tpu.dma_semaphore, #tpu.memory_space<semaphore_mem>>
        %dma_wait3A_932 = tpu.memref_squeeze %dma_wait3A_931 : memref<1x!tpu.dma_semaphore, #tpu.memory_space<semaphore_mem>> -> memref<!tpu.dma_semaphore, #tpu.memory_space<semaphore_mem>>
        %dma_wait3A_933 = tpu.memref_slice %arg5[%add3A_926] : memref<3670016xf32, #tpu.memory_space<hbm>> -> memref<14336xf32, #tpu.memory_space<hbm>>
        %dma_wait3A_934 = arith.constant 0 : i32
        %dma_wait3A_935 = tpu.memref_slice %arg10[%select_n3A_625, %dma_wait3A_934] : memref<4x14336xf32, #tpu.memory_space<vmem>> -> memref<1x14336xf32, #tpu.memory_space<vmem>>
        %dma_wait3A_936 = tpu.memref_squeeze %dma_wait3A_935 : memref<1x14336xf32, #tpu.memory_space<vmem>> -> memref<14336xf32, #tpu.memory_space<vmem>>
        tpu.wait_dma2 semaphore(%dma_wait3A_932 : memref<!tpu.dma_semaphore, #tpu.memory_space<semaphore_mem>>) src(%dma_wait3A_936 : memref<14336xf32, #tpu.memory_space<vmem>>) dst(%dma_wait3A_933 : memref<14336xf32, #tpu.memory_space<hbm>>)
      } else {
      }
      %parallel_loop3A = arith.constant 0 : i32
      %parallel_loop3A_807 = arith.constant 56 : i32
      %parallel_loop3A_808 = arith.constant 1 : i32
      scf.for %parallel_loop3A_872 = %parallel_loop3A to %parallel_loop3A_807 step %parallel_loop3A_808  : i32 {
        %parallel_loop3A_873 = arith.constant 256 : i32
        %parallel_loop3A_874 = arith.muli %parallel_loop3A_872, %parallel_loop3A_873 : i32
        %parallel_loop3A_875 = arith.index_cast %select_n3A_625 : i32 to index
        %parallel_loop3A_876 = arith.index_cast %parallel_loop3A_872 : i32 to index
        %parallel_loop3A_877 = arith.constant 0 : index
        %parallel_loop3A_878 = tpu.vector_load %arg8[%parallel_loop3A_875, %parallel_loop3A_876, %parallel_loop3A_877] {strides = array<i32>} : memref<4x56x128xf32, #tpu.memory_space<vmem>>, vector<16xf32>,
        %parallel_loop3A_879 = arith.index_cast %select_n3A_625 : i32 to index
        %parallel_loop3A_880 = arith.index_cast %parallel_loop3A_872 : i32 to index
        %parallel_loop3A_881 = arith.constant 0 : index
        %parallel_loop3A_882 = tpu.vector_load %arg9[%parallel_loop3A_879, %parallel_loop3A_880, %parallel_loop3A_881] {strides = array<i32>} : memref<4x56x128xf32, #tpu.memory_space<vmem>>, vector<16xf32>,
        %parallel_loop3A_883 = arith.mulf %select_n3A_660, %parallel_loop3A_878 : vector<16xf32>
        %parallel_loop3A_884 = arith.mulf %select_n3A_661, %parallel_loop3A_882 : vector<16xf32>
        %parallel_loop3A_885 = arith.addf %parallel_loop3A_883, %parallel_loop3A_884 : vector<16xf32>
        %parallel_loop3A_886 = arith.addf %parallel_loop3A_885, %broadcast_in_dim3A_33 : vector<16xf32>
        %parallel_loop3A_887 = arith.divf %broadcast_in_dim3A_33, %parallel_loop3A_886 : vector<16xf32>
        %parallel_loop3A_888 = arith.mulf %select_n3A_654, %parallel_loop3A_878 : vector<16xf32>
        %parallel_loop3A_889 = arith.mulf %select_n3A_655, %parallel_loop3A_882 : vector<16xf32>
        %parallel_loop3A_890 = arith.addf %parallel_loop3A_888, %parallel_loop3A_889 : vector<16xf32>
        %parallel_loop3A_891 = arith.addf %parallel_loop3A_890, %select_n3A_656 : vector<16xf32>
        %parallel_loop3A_892 = arith.mulf %parallel_loop3A_891, %parallel_loop3A_887 : vector<16xf32>
        %parallel_loop3A_893 = arith.constant 0 : i32
        %parallel_loop3A_894 = arith.addi %parallel_loop3A_874, %parallel_loop3A_893 : i32
        %parallel_loop3A_895 = arith.index_cast %select_n3A_625 : i32 to index
        %parallel_loop3A_896 = arith.index_cast %parallel_loop3A_894 : i32 to index
        %parallel_loop3A_897 = tpu.vector_load %arg10[%parallel_loop3A_895, %parallel_loop3A_896] {strides = array<i32>} : memref<4x14336xf32, #tpu.memory_space<vmem>>, vector<16xf32>,
        tpu.vector_store %arg10[%parallel_loop3A_895, %parallel_loop3A_896], %parallel_loop3A_892 {strides = array<i32>} : memref<4x14336xf32, #tpu.memory_space<vmem>>, vector<16xf32>,
        %parallel_loop3A_898 = arith.mulf %select_n3A_657, %parallel_loop3A_878 : vector<16xf32>
        %parallel_loop3A_899 = arith.mulf %select_n3A_658, %parallel_loop3A_882 : vector<16xf32>
        %parallel_loop3A_900 = arith.addf %parallel_loop3A_898, %parallel_loop3A_899 : vector<16xf32>
        %parallel_loop3A_901 = arith.addf %parallel_loop3A_900, %select_n3A_659 : vector<16xf32>
        %parallel_loop3A_902 = arith.mulf %parallel_loop3A_901, %parallel_loop3A_887 : vector<16xf32>
        %parallel_loop3A_903 = arith.constant 128 : i32
        %parallel_loop3A_904 = arith.addi %parallel_loop3A_874, %parallel_loop3A_903 : i32
        %parallel_loop3A_905 = arith.constant 0 : i32
        %parallel_loop3A_906 = arith.addi %parallel_loop3A_904, %parallel_loop3A_905 : i32
        %parallel_loop3A_907 = arith.index_cast %select_n3A_625 : i32 to index
        %parallel_loop3A_908 = arith.index_cast %parallel_loop3A_906 : i32 to index
        %parallel_loop3A_909 = tpu.vector_load %arg10[%parallel_loop3A_907, %parallel_loop3A_908] {strides = array<i32>} : memref<4x14336xf32, #tpu.memory_space<vmem>>, vector<16xf32>,
        tpu.vector_store %arg10[%parallel_loop3A_907, %parallel_loop3A_908], %parallel_loop3A_902 {strides = array<i32>} : memref<4x14336xf32, #tpu.memory_space<vmem>>, vector<16xf32>,
        %parallel_loop3A_910 = arith.index_cast %select_n3A_625 : i32 to index
        %parallel_loop3A_911 = arith.index_cast %parallel_loop3A_872 : i32 to index
        %parallel_loop3A_912 = arith.constant 16 : index
        %parallel_loop3A_913 = tpu.vector_load %arg8[%parallel_loop3A_910, %parallel_loop3A_911, %parallel_loop3A_912] {strides = array<i32>} : memref<4x56x128xf32, #tpu.memory_space<vmem>>, vector<16xf32>,
        %parallel_loop3A_914 = arith.index_cast %select_n3A_625 : i32 to index
        %parallel_loop3A_915 = arith.index_cast %parallel_loop3A_872 : i32 to index
        %parallel_loop3A_916 = arith.constant 16 : index
        %parallel_loop3A_917 = tpu.vector_load %arg9[%parallel_loop3A_914, %parallel_loop3A_915, %parallel_loop3A_916] {strides = array<i32>} : memref<4x56x128xf32, #tpu.memory_space<vmem>>, vector<16xf32>,
        %parallel_loop3A_918 = arith.mulf %select_n3A_660, %parallel_loop3A_913 : vector<16xf32>
        %parallel_loop3A_919 = arith.mulf %select_n3A_661, %parallel_loop3A_917 : vector<16xf32>
        %parallel_loop3A_920 = arith.addf %parallel_loop3A_918, %parallel_loop3A_919 : vector<16xf32>
        %parallel_loop3A_921 = arith.addf %parallel_loop3A_920, %broadcast_in_dim3A_33 : vector<16xf32>
        %parallel_loop3A_922 = arith.divf %broadcast_in_dim3A_33, %parallel_loop3A_921 : vector<16xf32>
        %parallel_loop3A_923 = arith.mulf %select_n3A_654, %parallel_loop3A_913 : vector<16xf32>
        %parallel_loop3A_924 = arith.mulf %select_n3A_655, %parallel_loop3A_917 : vector<16xf32>
        %parallel_loop3A_925 = arith.addf %parallel_loop3A_923, %parallel_loop3A_924 : vector<16xf32>
        %parallel_loop3A_926 = arith.addf %parallel_loop3A_925, %select_n3A_656 : vector<16xf32>
        %parallel_loop3A_927 = arith.mulf %parallel_loop3A_926, %parallel_loop3A_922 : vector<16xf32>
        %parallel_loop3A_928 = arith.constant 16 : i32
        %parallel_loop3A_929 = arith.addi %parallel_loop3A_874, %parallel_loop3A_928 : i32
        %parallel_loop3A_930 = arith.index_cast %select_n3A_625 : i32 to index
        %parallel_loop3A_931 = arith.index_cast %parallel_loop3A_929 : i32 to index
        %parallel_loop3A_932 = tpu.vector_load %arg10[%parallel_loop3A_930, %parallel_loop3A_931] {strides = array<i32>} : memref<4x14336xf32, #tpu.memory_space<vmem>>, vector<16xf32>,
        tpu.vector_store %arg10[%parallel_loop3A_930, %parallel_loop3A_931], %parallel_loop3A_927 {strides = array<i32>} : memref<4x14336xf32, #tpu.memory_space<vmem>>, vector<16xf32>,
        %parallel_loop3A_933 = arith.mulf %select_n3A_657, %parallel_loop3A_913 : vector<16xf32>
        %parallel_loop3A_934 = arith.mulf %select_n3A_658, %parallel_loop3A_917 : vector<16xf32>
        %parallel_loop3A_935 = arith.addf %parallel_loop3A_933, %parallel_loop3A_934 : vector<16xf32>
        %parallel_loop3A_936 = arith.addf %parallel_loop3A_935, %select_n3A_659 : vector<16xf32>
        %parallel_loop3A_937 = arith.mulf %parallel_loop3A_936, %parallel_loop3A_922 : vector<16xf32>
        %parallel_loop3A_938 = arith.constant 128 : i32
        %parallel_loop3A_939 = arith.addi %parallel_loop3A_874, %parallel_loop3A_938 : i32
        %parallel_loop3A_940 = arith.constant 16 : i32
        %parallel_loop3A_941 = arith.addi %parallel_loop3A_939, %parallel_loop3A_940 : i32
        %parallel_loop3A_942 = arith.index_cast %select_n3A_625 : i32 to index
        %parallel_loop3A_943 = arith.index_cast %parallel_loop3A_941 : i32 to index
        %parallel_loop3A_944 = tpu.vector_load %arg10[%parallel_loop3A_942, %parallel_loop3A_943] {strides = array<i32>} : memref<4x14336xf32, #tpu.memory_space<vmem>>, vector<16xf32>,
        tpu.vector_store %arg10[%parallel_loop3A_942, %parallel_loop3A_943], %parallel_loop3A_937 {strides = array<i32>} : memref<4x14336xf32, #tpu.memory_space<vmem>>, vector<16xf32>,
        %parallel_loop3A_945 = arith.index_cast %select_n3A_625 : i32 to index
        %parallel_loop3A_946 = arith.index_cast %parallel_loop3A_872 : i32 to index
        %parallel_loop3A_947 = arith.constant 32 : index
        %parallel_loop3A_948 = tpu.vector_load %arg8[%parallel_loop3A_945, %parallel_loop3A_946, %parallel_loop3A_947] {strides = array<i32>} : memref<4x56x128xf32, #tpu.memory_space<vmem>>, vector<16xf32>,
        %parallel_loop3A_949 = arith.index_cast %select_n3A_625 : i32 to index
        %parallel_loop3A_950 = arith.index_cast %parallel_loop3A_872 : i32 to index
        %parallel_loop3A_951 = arith.constant 32 : index
        %parallel_loop3A_952 = tpu.vector_load %arg9[%parallel_loop3A_949, %parallel_loop3A_950, %parallel_loop3A_951] {strides = array<i32>} : memref<4x56x128xf32, #tpu.memory_space<vmem>>, vector<16xf32>,
        %parallel_loop3A_953 = arith.mulf %select_n3A_660, %parallel_loop3A_948 : vector<16xf32>
        %parallel_loop3A_954 = arith.mulf %select_n3A_661, %parallel_loop3A_952 : vector<16xf32>
        %parallel_loop3A_955 = arith.addf %parallel_loop3A_953, %parallel_loop3A_954 : vector<16xf32>
        %parallel_loop3A_956 = arith.addf %parallel_loop3A_955, %broadcast_in_dim3A_33 : vector<16xf32>
        %parallel_loop3A_957 = arith.divf %broadcast_in_dim3A_33, %parallel_loop3A_956 : vector<16xf32>
        %parallel_loop3A_958 = arith.mulf %select_n3A_654, %parallel_loop3A_948 : vector<16xf32>
        %parallel_loop3A_959 = arith.mulf %select_n3A_655, %parallel_loop3A_952 : vector<16xf32>
        %parallel_loop3A_960 = arith.addf %parallel_loop3A_958, %parallel_loop3A_959 : vector<16xf32>
        %parallel_loop3A_961 = arith.addf %parallel_loop3A_960, %select_n3A_656 : vector<16xf32>
        %parallel_loop3A_962 = arith.mulf %parallel_loop3A_961, %parallel_loop3A_957 : vector<16xf32>
        %parallel_loop3A_963 = arith.constant 32 : i32
        %parallel_loop3A_964 = arith.addi %parallel_loop3A_874, %parallel_loop3A_963 : i32
        %parallel_loop3A_965 = arith.index_cast %select_n3A_625 : i32 to index
        %parallel_loop3A_966 = arith.index_cast %parallel_loop3A_964 : i32 to index
        %parallel_loop3A_967 = tpu.vector_load %arg10[%parallel_loop3A_965, %parallel_loop3A_966] {strides = array<i32>} : memref<4x14336xf32, #tpu.memory_space<vmem>>, vector<16xf32>,
        tpu.vector_store %arg10[%parallel_loop3A_965, %parallel_loop3A_966], %parallel_loop3A_962 {strides = array<i32>} : memref<4x14336xf32, #tpu.memory_space<vmem>>, vector<16xf32>,
        %parallel_loop3A_968 = arith.mulf %select_n3A_657, %parallel_loop3A_948 : vector<16xf32>
        %parallel_loop3A_969 = arith.mulf %select_n3A_658, %parallel_loop3A_952 : vector<16xf32>
        %parallel_loop3A_970 = arith.addf %parallel_loop3A_968, %parallel_loop3A_969 : vector<16xf32>
        %parallel_loop3A_971 = arith.addf %parallel_loop3A_970, %select_n3A_659 : vector<16xf32>
        %parallel_loop3A_972 = arith.mulf %parallel_loop3A_971, %parallel_loop3A_957 : vector<16xf32>
        %parallel_loop3A_973 = arith.constant 128 : i32
        %parallel_loop3A_974 = arith.addi %parallel_loop3A_874, %parallel_loop3A_973 : i32
        %parallel_loop3A_975 = arith.constant 32 : i32
        %parallel_loop3A_976 = arith.addi %parallel_loop3A_974, %parallel_loop3A_975 : i32
        %parallel_loop3A_977 = arith.index_cast %select_n3A_625 : i32 to index
        %parallel_loop3A_978 = arith.index_cast %parallel_loop3A_976 : i32 to index
        %parallel_loop3A_979 = tpu.vector_load %arg10[%parallel_loop3A_977, %parallel_loop3A_978] {strides = array<i32>} : memref<4x14336xf32, #tpu.memory_space<vmem>>, vector<16xf32>,
        tpu.vector_store %arg10[%parallel_loop3A_977, %parallel_loop3A_978], %parallel_loop3A_972 {strides = array<i32>} : memref<4x14336xf32, #tpu.memory_space<vmem>>, vector<16xf32>,
        %parallel_loop3A_980 = arith.index_cast %select_n3A_625 : i32 to index
        %parallel_loop3A_981 = arith.index_cast %parallel_loop3A_872 : i32 to index
        %parallel_loop3A_982 = arith.constant 48 : index
        %parallel_loop3A_983 = tpu.vector_load %arg8[%parallel_loop3A_980, %parallel_loop3A_981, %parallel_loop3A_982] {strides = array<i32>} : memref<4x56x128xf32, #tpu.memory_space<vmem>>, vector<16xf32>,
        %parallel_loop3A_984 = arith.index_cast %select_n3A_625 : i32 to index
        %parallel_loop3A_985 = arith.index_cast %parallel_loop3A_872 : i32 to index
        %parallel_loop3A_986 = arith.constant 48 : index
        %parallel_loop3A_987 = tpu.vector_load %arg9[%parallel_loop3A_984, %parallel_loop3A_985, %parallel_loop3A_986] {strides = array<i32>} : memref<4x56x128xf32, #tpu.memory_space<vmem>>, vector<16xf32>,
        %parallel_loop3A_988 = arith.mulf %select_n3A_660, %parallel_loop3A_983 : vector<16xf32>
        %parallel_loop3A_989 = arith.mulf %select_n3A_661, %parallel_loop3A_987 : vector<16xf32>
        %parallel_loop3A_990 = arith.addf %parallel_loop3A_988, %parallel_loop3A_989 : vector<16xf32>
        %parallel_loop3A_991 = arith.addf %parallel_loop3A_990, %broadcast_in_dim3A_33 : vector<16xf32>
        %parallel_loop3A_992 = arith.divf %broadcast_in_dim3A_33, %parallel_loop3A_991 : vector<16xf32>
        %parallel_loop3A_993 = arith.mulf %select_n3A_654, %parallel_loop3A_983 : vector<16xf32>
        %parallel_loop3A_994 = arith.mulf %select_n3A_655, %parallel_loop3A_987 : vector<16xf32>
        %parallel_loop3A_995 = arith.addf %parallel_loop3A_993, %parallel_loop3A_994 : vector<16xf32>
        %parallel_loop3A_996 = arith.addf %parallel_loop3A_995, %select_n3A_656 : vector<16xf32>
        %parallel_loop3A_997 = arith.mulf %parallel_loop3A_996, %parallel_loop3A_992 : vector<16xf32>
        %parallel_loop3A_998 = arith.constant 48 : i32
        %parallel_loop3A_999 = arith.addi %parallel_loop3A_874, %parallel_loop3A_998 : i32
        %parallel_loop3A_1000 = arith.index_cast %select_n3A_625 : i32 to index
        %parallel_loop3A_1001 = arith.index_cast %parallel_loop3A_999 : i32 to index
        %parallel_loop3A_1002 = tpu.vector_load %arg10[%parallel_loop3A_1000, %parallel_loop3A_1001] {strides = array<i32>} : memref<4x14336xf32, #tpu.memory_space<vmem>>, vector<16xf32>,
        tpu.vector_store %arg10[%parallel_loop3A_1000, %parallel_loop3A_1001], %parallel_loop3A_997 {strides = array<i32>} : memref<4x14336xf32, #tpu.memory_space<vmem>>, vector<16xf32>,
        %parallel_loop3A_1003 = arith.mulf %select_n3A_657, %parallel_loop3A_983 : vector<16xf32>
        %parallel_loop3A_1004 = arith.mulf %select_n3A_658, %parallel_loop3A_987 : vector<16xf32>
        %parallel_loop3A_1005 = arith.addf %parallel_loop3A_1003, %parallel_loop3A_1004 : vector<16xf32>
        %parallel_loop3A_1006 = arith.addf %parallel_loop3A_1005, %select_n3A_659 : vector<16xf32>
        %parallel_loop3A_1007 = arith.mulf %parallel_loop3A_1006, %parallel_loop3A_992 : vector<16xf32>
        %parallel_loop3A_1008 = arith.constant 128 : i32
        %parallel_loop3A_1009 = arith.addi %parallel_loop3A_874, %parallel_loop3A_1008 : i32
        %parallel_loop3A_1010 = arith.constant 48 : i32
        %parallel_loop3A_1011 = arith.addi %parallel_loop3A_1009, %parallel_loop3A_1010 : i32
        %parallel_loop3A_1012 = arith.index_cast %select_n3A_625 : i32 to index
        %parallel_loop3A_1013 = arith.index_cast %parallel_loop3A_1011 : i32 to index
        %parallel_loop3A_1014 = tpu.vector_load %arg10[%parallel_loop3A_1012, %parallel_loop3A_1013] {strides = array<i32>} : memref<4x14336xf32, #tpu.memory_space<vmem>>, vector<16xf32>,
        tpu.vector_store %arg10[%parallel_loop3A_1012, %parallel_loop3A_1013], %parallel_loop3A_1007 {strides = array<i32>} : memref<4x14336xf32, #tpu.memory_space<vmem>>, vector<16xf32>,
        %parallel_loop3A_1015 = arith.index_cast %select_n3A_625 : i32 to index
        %parallel_loop3A_1016 = arith.index_cast %parallel_loop3A_872 : i32 to index
        %parallel_loop3A_1017 = arith.constant 64 : index
        %parallel_loop3A_1018 = tpu.vector_load %arg8[%parallel_loop3A_1015, %parallel_loop3A_1016, %parallel_loop3A_1017] {strides = array<i32>} : memref<4x56x128xf32, #tpu.memory_space<vmem>>, vector<16xf32>,
        %parallel_loop3A_1019 = arith.index_cast %select_n3A_625 : i32 to index
        %parallel_loop3A_1020 = arith.index_cast %parallel_loop3A_872 : i32 to index
        %parallel_loop3A_1021 = arith.constant 64 : index
        %parallel_loop3A_1022 = tpu.vector_load %arg9[%parallel_loop3A_1019, %parallel_loop3A_1020, %parallel_loop3A_1021] {strides = array<i32>} : memref<4x56x128xf32, #tpu.memory_space<vmem>>, vector<16xf32>,
        %parallel_loop3A_1023 = arith.mulf %select_n3A_660, %parallel_loop3A_1018 : vector<16xf32>
        %parallel_loop3A_1024 = arith.mulf %select_n3A_661, %parallel_loop3A_1022 : vector<16xf32>
        %parallel_loop3A_1025 = arith.addf %parallel_loop3A_1023, %parallel_loop3A_1024 : vector<16xf32>
        %parallel_loop3A_1026 = arith.addf %parallel_loop3A_1025, %broadcast_in_dim3A_33 : vector<16xf32>
        %parallel_loop3A_1027 = arith.divf %broadcast_in_dim3A_33, %parallel_loop3A_1026 : vector<16xf32>
        %parallel_loop3A_1028 = arith.mulf %select_n3A_654, %parallel_loop3A_1018 : vector<16xf32>
        %parallel_loop3A_1029 = arith.mulf %select_n3A_655, %parallel_loop3A_1022 : vector<16xf32>
        %parallel_loop3A_1030 = arith.addf %parallel_loop3A_1028, %parallel_loop3A_1029 : vector<16xf32>
        %parallel_loop3A_1031 = arith.addf %parallel_loop3A_1030, %select_n3A_656 : vector<16xf32>
        %parallel_loop3A_1032 = arith.mulf %parallel_loop3A_1031, %parallel_loop3A_1027 : vector<16xf32>
        %parallel_loop3A_1033 = arith.constant 64 : i32
        %parallel_loop3A_1034 = arith.addi %parallel_loop3A_874, %parallel_loop3A_1033 : i32
        %parallel_loop3A_1035 = arith.index_cast %select_n3A_625 : i32 to index
        %parallel_loop3A_1036 = arith.index_cast %parallel_loop3A_1034 : i32 to index
        %parallel_loop3A_1037 = tpu.vector_load %arg10[%parallel_loop3A_1035, %parallel_loop3A_1036] {strides = array<i32>} : memref<4x14336xf32, #tpu.memory_space<vmem>>, vector<16xf32>,
        tpu.vector_store %arg10[%parallel_loop3A_1035, %parallel_loop3A_1036], %parallel_loop3A_1032 {strides = array<i32>} : memref<4x14336xf32, #tpu.memory_space<vmem>>, vector<16xf32>,
        %parallel_loop3A_1038 = arith.mulf %select_n3A_657, %parallel_loop3A_1018 : vector<16xf32>
        %parallel_loop3A_1039 = arith.mulf %select_n3A_658, %parallel_loop3A_1022 : vector<16xf32>
        %parallel_loop3A_1040 = arith.addf %parallel_loop3A_1038, %parallel_loop3A_1039 : vector<16xf32>
        %parallel_loop3A_1041 = arith.addf %parallel_loop3A_1040, %select_n3A_659 : vector<16xf32>
        %parallel_loop3A_1042 = arith.mulf %parallel_loop3A_1041, %parallel_loop3A_1027 : vector<16xf32>
        %parallel_loop3A_1043 = arith.constant 128 : i32
        %parallel_loop3A_1044 = arith.addi %parallel_loop3A_874, %parallel_loop3A_1043 : i32
        %parallel_loop3A_1045 = arith.constant 64 : i32
        %parallel_loop3A_1046 = arith.addi %parallel_loop3A_1044, %parallel_loop3A_1045 : i32
        %parallel_loop3A_1047 = arith.index_cast %select_n3A_625 : i32 to index
        %parallel_loop3A_1048 = arith.index_cast %parallel_loop3A_1046 : i32 to index
        %parallel_loop3A_1049 = tpu.vector_load %arg10[%parallel_loop3A_1047, %parallel_loop3A_1048] {strides = array<i32>} : memref<4x14336xf32, #tpu.memory_space<vmem>>, vector<16xf32>,
        tpu.vector_store %arg10[%parallel_loop3A_1047, %parallel_loop3A_1048], %parallel_loop3A_1042 {strides = array<i32>} : memref<4x14336xf32, #tpu.memory_space<vmem>>, vector<16xf32>,
        %parallel_loop3A_1050 = arith.index_cast %select_n3A_625 : i32 to index
        %parallel_loop3A_1051 = arith.index_cast %parallel_loop3A_872 : i32 to index
        %parallel_loop3A_1052 = arith.constant 80 : index
        %parallel_loop3A_1053 = tpu.vector_load %arg8[%parallel_loop3A_1050, %parallel_loop3A_1051, %parallel_loop3A_1052] {strides = array<i32>} : memref<4x56x128xf32, #tpu.memory_space<vmem>>, vector<16xf32>,
        %parallel_loop3A_1054 = arith.index_cast %select_n3A_625 : i32 to index
        %parallel_loop3A_1055 = arith.index_cast %parallel_loop3A_872 : i32 to index
        %parallel_loop3A_1056 = arith.constant 80 : index
        %parallel_loop3A_1057 = tpu.vector_load %arg9[%parallel_loop3A_1054, %parallel_loop3A_1055, %parallel_loop3A_1056] {strides = array<i32>} : memref<4x56x128xf32, #tpu.memory_space<vmem>>, vector<16xf32>,
        %parallel_loop3A_1058 = arith.mulf %select_n3A_660, %parallel_loop3A_1053 : vector<16xf32>
        %parallel_loop3A_1059 = arith.mulf %select_n3A_661, %parallel_loop3A_1057 : vector<16xf32>
        %parallel_loop3A_1060 = arith.addf %parallel_loop3A_1058, %parallel_loop3A_1059 : vector<16xf32>
        %parallel_loop3A_1061 = arith.addf %parallel_loop3A_1060, %broadcast_in_dim3A_33 : vector<16xf32>
        %parallel_loop3A_1062 = arith.divf %broadcast_in_dim3A_33, %parallel_loop3A_1061 : vector<16xf32>
        %parallel_loop3A_1063 = arith.mulf %select_n3A_654, %parallel_loop3A_1053 : vector<16xf32>
        %parallel_loop3A_1064 = arith.mulf %select_n3A_655, %parallel_loop3A_1057 : vector<16xf32>
        %parallel_loop3A_1065 = arith.addf %parallel_loop3A_1063, %parallel_loop3A_1064 : vector<16xf32>
        %parallel_loop3A_1066 = arith.addf %parallel_loop3A_1065, %select_n3A_656 : vector<16xf32>
        %parallel_loop3A_1067 = arith.mulf %parallel_loop3A_1066, %parallel_loop3A_1062 : vector<16xf32>
        %parallel_loop3A_1068 = arith.constant 80 : i32
        %parallel_loop3A_1069 = arith.addi %parallel_loop3A_874, %parallel_loop3A_1068 : i32
        %parallel_loop3A_1070 = arith.index_cast %select_n3A_625 : i32 to index
        %parallel_loop3A_1071 = arith.index_cast %parallel_loop3A_1069 : i32 to index
        %parallel_loop3A_1072 = tpu.vector_load %arg10[%parallel_loop3A_1070, %parallel_loop3A_1071] {strides = array<i32>} : memref<4x14336xf32, #tpu.memory_space<vmem>>, vector<16xf32>,
        tpu.vector_store %arg10[%parallel_loop3A_1070, %parallel_loop3A_1071], %parallel_loop3A_1067 {strides = array<i32>} : memref<4x14336xf32, #tpu.memory_space<vmem>>, vector<16xf32>,
        %parallel_loop3A_1073 = arith.mulf %select_n3A_657, %parallel_loop3A_1053 : vector<16xf32>
        %parallel_loop3A_1074 = arith.mulf %select_n3A_658, %parallel_loop3A_1057 : vector<16xf32>
        %parallel_loop3A_1075 = arith.addf %parallel_loop3A_1073, %parallel_loop3A_1074 : vector<16xf32>
        %parallel_loop3A_1076 = arith.addf %parallel_loop3A_1075, %select_n3A_659 : vector<16xf32>
        %parallel_loop3A_1077 = arith.mulf %parallel_loop3A_1076, %parallel_loop3A_1062 : vector<16xf32>
        %parallel_loop3A_1078 = arith.constant 128 : i32
        %parallel_loop3A_1079 = arith.addi %parallel_loop3A_874, %parallel_loop3A_1078 : i32
        %parallel_loop3A_1080 = arith.constant 80 : i32
        %parallel_loop3A_1081 = arith.addi %parallel_loop3A_1079, %parallel_loop3A_1080 : i32
        %parallel_loop3A_1082 = arith.index_cast %select_n3A_625 : i32 to index
        %parallel_loop3A_1083 = arith.index_cast %parallel_loop3A_1081 : i32 to index
        %parallel_loop3A_1084 = tpu.vector_load %arg10[%parallel_loop3A_1082, %parallel_loop3A_1083] {strides = array<i32>} : memref<4x14336xf32, #tpu.memory_space<vmem>>, vector<16xf32>,
        tpu.vector_store %arg10[%parallel_loop3A_1082, %parallel_loop3A_1083], %parallel_loop3A_1077 {strides = array<i32>} : memref<4x14336xf32, #tpu.memory_space<vmem>>, vector<16xf32>,
        %parallel_loop3A_1085 = arith.index_cast %select_n3A_625 : i32 to index
        %parallel_loop3A_1086 = arith.index_cast %parallel_loop3A_872 : i32 to index
        %parallel_loop3A_1087 = arith.constant 96 : index
        %parallel_loop3A_1088 = tpu.vector_load %arg8[%parallel_loop3A_1085, %parallel_loop3A_1086, %parallel_loop3A_1087] {strides = array<i32>} : memref<4x56x128xf32, #tpu.memory_space<vmem>>, vector<16xf32>,
        %parallel_loop3A_1089 = arith.index_cast %select_n3A_625 : i32 to index
        %parallel_loop3A_1090 = arith.index_cast %parallel_loop3A_872 : i32 to index
        %parallel_loop3A_1091 = arith.constant 96 : index
        %parallel_loop3A_1092 = tpu.vector_load %arg9[%parallel_loop3A_1089, %parallel_loop3A_1090, %parallel_loop3A_1091] {strides = array<i32>} : memref<4x56x128xf32, #tpu.memory_space<vmem>>, vector<16xf32>,
        %parallel_loop3A_1093 = arith.mulf %select_n3A_660, %parallel_loop3A_1088 : vector<16xf32>
        %parallel_loop3A_1094 = arith.mulf %select_n3A_661, %parallel_loop3A_1092 : vector<16xf32>
        %parallel_loop3A_1095 = arith.addf %parallel_loop3A_1093, %parallel_loop3A_1094 : vector<16xf32>
        %parallel_loop3A_1096 = arith.addf %parallel_loop3A_1095, %broadcast_in_dim3A_33 : vector<16xf32>
        %parallel_loop3A_1097 = arith.divf %broadcast_in_dim3A_33, %parallel_loop3A_1096 : vector<16xf32>
        %parallel_loop3A_1098 = arith.mulf %select_n3A_654, %parallel_loop3A_1088 : vector<16xf32>
        %parallel_loop3A_1099 = arith.mulf %select_n3A_655, %parallel_loop3A_1092 : vector<16xf32>
        %parallel_loop3A_1100 = arith.addf %parallel_loop3A_1098, %parallel_loop3A_1099 : vector<16xf32>
        %parallel_loop3A_1101 = arith.addf %parallel_loop3A_1100, %select_n3A_656 : vector<16xf32>
        %parallel_loop3A_1102 = arith.mulf %parallel_loop3A_1101, %parallel_loop3A_1097 : vector<16xf32>
        %parallel_loop3A_1103 = arith.constant 96 : i32
        %parallel_loop3A_1104 = arith.addi %parallel_loop3A_874, %parallel_loop3A_1103 : i32
        %parallel_loop3A_1105 = arith.index_cast %select_n3A_625 : i32 to index
        %parallel_loop3A_1106 = arith.index_cast %parallel_loop3A_1104 : i32 to index
        %parallel_loop3A_1107 = tpu.vector_load %arg10[%parallel_loop3A_1105, %parallel_loop3A_1106] {strides = array<i32>} : memref<4x14336xf32, #tpu.memory_space<vmem>>, vector<16xf32>,
        tpu.vector_store %arg10[%parallel_loop3A_1105, %parallel_loop3A_1106], %parallel_loop3A_1102 {strides = array<i32>} : memref<4x14336xf32, #tpu.memory_space<vmem>>, vector<16xf32>,
        %parallel_loop3A_1108 = arith.mulf %select_n3A_657, %parallel_loop3A_1088 : vector<16xf32>
        %parallel_loop3A_1109 = arith.mulf %select_n3A_658, %parallel_loop3A_1092 : vector<16xf32>
        %parallel_loop3A_1110 = arith.addf %parallel_loop3A_1108, %parallel_loop3A_1109 : vector<16xf32>
        %parallel_loop3A_1111 = arith.addf %parallel_loop3A_1110, %select_n3A_659 : vector<16xf32>
        %parallel_loop3A_1112 = arith.mulf %parallel_loop3A_1111, %parallel_loop3A_1097 : vector<16xf32>
        %parallel_loop3A_1113 = arith.constant 128 : i32
        %parallel_loop3A_1114 = arith.addi %parallel_loop3A_874, %parallel_loop3A_1113 : i32
        %parallel_loop3A_1115 = arith.constant 96 : i32
        %parallel_loop3A_1116 = arith.addi %parallel_loop3A_1114, %parallel_loop3A_1115 : i32
        %parallel_loop3A_1117 = arith.index_cast %select_n3A_625 : i32 to index
        %parallel_loop3A_1118 = arith.index_cast %parallel_loop3A_1116 : i32 to index
        %parallel_loop3A_1119 = tpu.vector_load %arg10[%parallel_loop3A_1117, %parallel_loop3A_1118] {strides = array<i32>} : memref<4x14336xf32, #tpu.memory_space<vmem>>, vector<16xf32>,
        tpu.vector_store %arg10[%parallel_loop3A_1117, %parallel_loop3A_1118], %parallel_loop3A_1112 {strides = array<i32>} : memref<4x14336xf32, #tpu.memory_space<vmem>>, vector<16xf32>,
        %parallel_loop3A_1120 = arith.index_cast %select_n3A_625 : i32 to index
        %parallel_loop3A_1121 = arith.index_cast %parallel_loop3A_872 : i32 to index
        %parallel_loop3A_1122 = arith.constant 112 : index
        %parallel_loop3A_1123 = tpu.vector_load %arg8[%parallel_loop3A_1120, %parallel_loop3A_1121, %parallel_loop3A_1122] {strides = array<i32>} : memref<4x56x128xf32, #tpu.memory_space<vmem>>, vector<16xf32>,
        %parallel_loop3A_1124 = arith.index_cast %select_n3A_625 : i32 to index
        %parallel_loop3A_1125 = arith.index_cast %parallel_loop3A_872 : i32 to index
        %parallel_loop3A_1126 = arith.constant 112 : index
        %parallel_loop3A_1127 = tpu.vector_load %arg9[%parallel_loop3A_1124, %parallel_loop3A_1125, %parallel_loop3A_1126] {strides = array<i32>} : memref<4x56x128xf32, #tpu.memory_space<vmem>>, vector<16xf32>,
        %parallel_loop3A_1128 = arith.mulf %select_n3A_660, %parallel_loop3A_1123 : vector<16xf32>
        %parallel_loop3A_1129 = arith.mulf %select_n3A_661, %parallel_loop3A_1127 : vector<16xf32>
        %parallel_loop3A_1130 = arith.addf %parallel_loop3A_1128, %parallel_loop3A_1129 : vector<16xf32>
        %parallel_loop3A_1131 = arith.addf %parallel_loop3A_1130, %broadcast_in_dim3A_33 : vector<16xf32>
        %parallel_loop3A_1132 = arith.divf %broadcast_in_dim3A_33, %parallel_loop3A_1131 : vector<16xf32>
        %parallel_loop3A_1133 = arith.mulf %select_n3A_654, %parallel_loop3A_1123 : vector<16xf32>
        %parallel_loop3A_1134 = arith.mulf %select_n3A_655, %parallel_loop3A_1127 : vector<16xf32>
        %parallel_loop3A_1135 = arith.addf %parallel_loop3A_1133, %parallel_loop3A_1134 : vector<16xf32>
        %parallel_loop3A_1136 = arith.addf %parallel_loop3A_1135, %select_n3A_656 : vector<16xf32>
        %parallel_loop3A_1137 = arith.mulf %parallel_loop3A_1136, %parallel_loop3A_1132 : vector<16xf32>
        %parallel_loop3A_1138 = arith.constant 112 : i32
        %parallel_loop3A_1139 = arith.addi %parallel_loop3A_874, %parallel_loop3A_1138 : i32
        %parallel_loop3A_1140 = arith.index_cast %select_n3A_625 : i32 to index
        %parallel_loop3A_1141 = arith.index_cast %parallel_loop3A_1139 : i32 to index
        %parallel_loop3A_1142 = tpu.vector_load %arg10[%parallel_loop3A_1140, %parallel_loop3A_1141] {strides = array<i32>} : memref<4x14336xf32, #tpu.memory_space<vmem>>, vector<16xf32>,
        tpu.vector_store %arg10[%parallel_loop3A_1140, %parallel_loop3A_1141], %parallel_loop3A_1137 {strides = array<i32>} : memref<4x14336xf32, #tpu.memory_space<vmem>>, vector<16xf32>,
        %parallel_loop3A_1143 = arith.mulf %select_n3A_657, %parallel_loop3A_1123 : vector<16xf32>
        %parallel_loop3A_1144 = arith.mulf %select_n3A_658, %parallel_loop3A_1127 : vector<16xf32>
        %parallel_loop3A_1145 = arith.addf %parallel_loop3A_1143, %parallel_loop3A_1144 : vector<16xf32>
        %parallel_loop3A_1146 = arith.addf %parallel_loop3A_1145, %select_n3A_659 : vector<16xf32>
        %parallel_loop3A_1147 = arith.mulf %parallel_loop3A_1146, %parallel_loop3A_1132 : vector<16xf32>
        %parallel_loop3A_1148 = arith.constant 128 : i32
        %parallel_loop3A_1149 = arith.addi %parallel_loop3A_874, %parallel_loop3A_1148 : i32
        %parallel_loop3A_1150 = arith.constant 112 : i32
        %parallel_loop3A_1151 = arith.addi %parallel_loop3A_1149, %parallel_loop3A_1150 : i32
        %parallel_loop3A_1152 = arith.index_cast %select_n3A_625 : i32 to index
        %parallel_loop3A_1153 = arith.index_cast %parallel_loop3A_1151 : i32 to index
        %parallel_loop3A_1154 = tpu.vector_load %arg10[%parallel_loop3A_1152, %parallel_loop3A_1153] {strides = array<i32>} : memref<4x14336xf32, #tpu.memory_space<vmem>>, vector<16xf32>,
        tpu.vector_store %arg10[%parallel_loop3A_1152, %parallel_loop3A_1153], %parallel_loop3A_1147 {strides = array<i32>} : memref<4x14336xf32, #tpu.memory_space<vmem>>, vector<16xf32>,
      } {sc.loop_unroll_factor = 8 : i64, sc.parallel_access}
      %jit3A_809 = arith.constant 4 : i32
      %div3A_810 = arith.divsi %scan3A_609, %jit3A_809 : i32
      %sign3A_811 = arith.constant 0 : i32
      %sign3A_812 = arith.cmpi sgt, %scan3A_609, %sign3A_811 : i32
      %sign3A_813 = arith.extui %sign3A_812 : i1 to i32
      %sign3A_814 = arith.constant 0 : i32
      %sign3A_815 = arith.cmpi slt, %scan3A_609, %sign3A_814 : i32
      %sign3A_816 = arith.extui %sign3A_815 : i1 to i32
      %sign3A_817 = arith.subi %sign3A_813, %sign3A_816 : i32
      %sign3A_818 = arith.constant 0 : i32
      %sign3A_819 = arith.cmpi sgt, %jit3A_809, %sign3A_818 : i32
      %sign3A_820 = arith.extui %sign3A_819 : i1 to i32
      %sign3A_821 = arith.constant 0 : i32
      %sign3A_822 = arith.cmpi slt, %jit3A_809, %sign3A_821 : i32
      %sign3A_823 = arith.extui %sign3A_822 : i1 to i32
      %sign3A_824 = arith.subi %sign3A_820, %sign3A_823 : i32
      %ne3A_825 = arith.cmpi ne, %sign3A_817, %sign3A_824 : i32
      %rem3A_826 = arith.remsi %scan3A_609, %jit3A_809 : i32
      %ne3A_827 = arith.constant 0 : i32
      %ne3A_828 = arith.cmpi ne, %rem3A_826, %ne3A_827 : i32
      %and3A_829 = arith.andi %ne3A_825, %ne3A_828 : i1
      %sub3A_830 = arith.constant 1 : i32
      %sub3A_831 = arith.subi %div3A_810, %sub3A_830 : i32
      %select_n3A_832 = arith.select %and3A_829, %sub3A_831, %div3A_810 : i32
      %jit3A_833 = arith.constant 4 : i32
      %eq3A_834 = arith.constant 0 : i32
      %eq3A_835 = arith.cmpi eq, %jit3A_833, %eq3A_834 : i32
      %jit3A_836 = arith.constant 1 : i32
      %select_n3A_837 = arith.select %eq3A_835, %jit3A_836, %jit3A_833 : i32
      %rem3A_838 = arith.remsi %scan3A_609, %select_n3A_837 : i32
      %ne3A_839 = arith.constant 0 : i32
      %ne3A_840 = arith.cmpi ne, %rem3A_838, %ne3A_839 : i32
      %lt3A_841 = arith.constant 0 : i32
      %lt3A_842 = arith.cmpi slt, %rem3A_838, %lt3A_841 : i32
      %lt3A_843 = arith.constant 0 : i32
      %lt3A_844 = arith.cmpi slt, %select_n3A_837, %lt3A_843 : i32
      %ne3A_845 = arith.xori %lt3A_842, %lt3A_844 : i1
      %and3A_846 = arith.andi %ne3A_845, %ne3A_840 : i1
      %add3A_847 = arith.addi %rem3A_838, %select_n3A_837 : i32
      %select_n3A_848 = arith.select %and3A_846, %add3A_847, %rem3A_838 : i32
      %mul3A_849 = arith.constant 4 : i32
      %mul3A_850 = arith.muli %select_n3A, %mul3A_849 : i32
      %add3A_851 = arith.addi %mul3A_850, %mul3A_32 : i32
      %add3A_852 = arith.addi %add3A_851, %select_n3A_832 : i32
      %mul3A_853 = arith.constant 57344 : i32
      %mul3A_854 = arith.muli %add3A_852, %mul3A_853 : i32
      %mul3A_855 = arith.constant 56 : i32
      %mul3A_856 = arith.muli %select_n3A_848, %mul3A_855 : i32
      %mul3A_857 = arith.constant 2 : i32
      %mul3A_858 = arith.muli %mul3A_856, %mul3A_857 : i32
      %mul3A_859 = arith.constant 128 : i32
      %mul3A_860 = arith.muli %mul3A_858, %mul3A_859 : i32
      %add3A_861 = arith.addi %mul3A_854, %mul3A_860 : i32
      %dma_start3A_862 = arith.constant 0 : i32
      %dma_start3A_863 = tpu.memref_slice %arg10[%select_n3A_625, %dma_start3A_862] : memref<4x14336xf32, #tpu.memory_space<vmem>> -> memref<1x14336xf32, #tpu.memory_space<vmem>>
      %dma_start3A_864 = tpu.memref_squeeze %dma_start3A_863 : memref<1x14336xf32, #tpu.memory_space<vmem>> -> memref<14336xf32, #tpu.memory_space<vmem>>
      %dma_start3A_865 = tpu.memref_slice %arg5[%add3A_861] : memref<3670016xf32, #tpu.memory_space<hbm>> -> memref<14336xf32, #tpu.memory_space<hbm>>
      %dma_start3A_866 = tpu.memref_slice %arg12[%select_n3A_625] : memref<4x!tpu.dma_semaphore, #tpu.memory_space<semaphore_mem>> -> memref<1x!tpu.dma_semaphore, #tpu.memory_space<semaphore_mem>>
      %dma_start3A_867 = tpu.memref_squeeze %dma_start3A_866 : memref<1x!tpu.dma_semaphore, #tpu.memory_space<semaphore_mem>> -> memref<!tpu.dma_semaphore, #tpu.memory_space<semaphore_mem>>
      %dma_start3A_868 = tpu.memref_slice %arg5[%add3A_861] : memref<3670016xf32, #tpu.memory_space<hbm>> -> memref<14336xf32, #tpu.memory_space<hbm>>
      %dma_start3A_869 = arith.constant 0 : i32
      %dma_start3A_870 = tpu.memref_slice %arg10[%select_n3A_625, %dma_start3A_869] : memref<4x14336xf32, #tpu.memory_space<vmem>> -> memref<1x14336xf32, #tpu.memory_space<vmem>>
      %dma_start3A_871 = tpu.memref_squeeze %dma_start3A_870 : memref<1x14336xf32, #tpu.memory_space<vmem>> -> memref<14336xf32, #tpu.memory_space<vmem>>
      tpu.enqueue_dma source(%dma_start3A_871 : memref<14336xf32, #tpu.memory_space<vmem>>) target(%dma_start3A_868 : memref<14336xf32, #tpu.memory_space<hbm>>) target_semaphore(%dma_start3A_867 : memref<!tpu.dma_semaphore, #tpu.memory_space<semaphore_mem>>)
    }
    %scan3A_525 = arith.constant 8 : i32
    %mul3A_526 = arith.constant 4 : i32
    %mul3A_527 = arith.muli %select_n3A, %mul3A_526 : i32
    %add3A_528 = arith.addi %mul3A_527, %mul3A_32 : i32
    %add3A_529 = arith.constant 1 : i32
    %add3A_530 = arith.addi %add3A_528, %add3A_529 : i32
    %mul3A_531 = arith.constant 57344 : i32
    %mul3A_532 = arith.muli %add3A_530, %mul3A_531 : i32
    %add3A_533 = arith.constant 0 : i32
    %add3A_534 = arith.addi %mul3A_532, %add3A_533 : i32
    %dma_wait3A = arith.constant 0 : i32
    %dma_wait3A_535 = arith.constant 0 : i32
    %dma_wait3A_536 = arith.constant 0 : i32
    %dma_wait3A_537 = tpu.memref_slice %arg10[%dma_wait3A, %dma_wait3A_536] : memref<4x14336xf32, #tpu.memory_space<vmem>> -> memref<1x14336xf32, #tpu.memory_space<vmem>>
    %dma_wait3A_538 = tpu.memref_squeeze %dma_wait3A_537 : memref<1x14336xf32, #tpu.memory_space<vmem>> -> memref<14336xf32, #tpu.memory_space<vmem>>
    %dma_wait3A_539 = tpu.memref_slice %arg5[%add3A_534] : memref<3670016xf32, #tpu.memory_space<hbm>> -> memref<14336xf32, #tpu.memory_space<hbm>>
    %dma_wait3A_540 = tpu.memref_slice %arg12[%dma_wait3A_535] : memref<4x!tpu.dma_semaphore, #tpu.memory_space<semaphore_mem>> -> memref<1x!tpu.dma_semaphore, #tpu.memory_space<semaphore_mem>>
    %dma_wait3A_541 = tpu.memref_squeeze %dma_wait3A_540 : memref<1x!tpu.dma_semaphore, #tpu.memory_space<semaphore_mem>> -> memref<!tpu.dma_semaphore, #tpu.memory_space<semaphore_mem>>
    %dma_wait3A_542 = tpu.memref_slice %arg5[%add3A_534] : memref<3670016xf32, #tpu.memory_space<hbm>> -> memref<14336xf32, #tpu.memory_space<hbm>>
    %dma_wait3A_543 = arith.constant 0 : i32
    %dma_wait3A_544 = tpu.memref_slice %arg10[%dma_wait3A, %dma_wait3A_543] : memref<4x14336xf32, #tpu.memory_space<vmem>> -> memref<1x14336xf32, #tpu.memory_space<vmem>>
    %dma_wait3A_545 = tpu.memref_squeeze %dma_wait3A_544 : memref<1x14336xf32, #tpu.memory_space<vmem>> -> memref<14336xf32, #tpu.memory_space<vmem>>
    tpu.wait_dma2 semaphore(%dma_wait3A_541 : memref<!tpu.dma_semaphore, #tpu.memory_space<semaphore_mem>>) src(%dma_wait3A_545 : memref<14336xf32, #tpu.memory_space<vmem>>) dst(%dma_wait3A_542 : memref<14336xf32, #tpu.memory_space<hbm>>)
    %mul3A_546 = arith.constant 4 : i32
    %mul3A_547 = arith.muli %select_n3A, %mul3A_546 : i32
    %add3A_548 = arith.addi %mul3A_547, %mul3A_32 : i32
    %add3A_549 = arith.constant 1 : i32
    %add3A_550 = arith.addi %add3A_548, %add3A_549 : i32
    %mul3A_551 = arith.constant 57344 : i32
    %mul3A_552 = arith.muli %add3A_550, %mul3A_551 : i32
    %add3A_553 = arith.constant 14336 : i32
    %add3A_554 = arith.addi %mul3A_552, %add3A_553 : i32
    %dma_wait3A_555 = arith.constant 1 : i32
    %dma_wait3A_556 = arith.constant 1 : i32
    %dma_wait3A_557 = arith.constant 0 : i32
    %dma_wait3A_558 = tpu.memref_slice %arg10[%dma_wait3A_555, %dma_wait3A_557] : memref<4x14336xf32, #tpu.memory_space<vmem>> -> memref<1x14336xf32, #tpu.memory_space<vmem>>
    %dma_wait3A_559 = tpu.memref_squeeze %dma_wait3A_558 : memref<1x14336xf32, #tpu.memory_space<vmem>> -> memref<14336xf32, #tpu.memory_space<vmem>>
    %dma_wait3A_560 = tpu.memref_slice %arg5[%add3A_554] : memref<3670016xf32, #tpu.memory_space<hbm>> -> memref<14336xf32, #tpu.memory_space<hbm>>
    %dma_wait3A_561 = tpu.memref_slice %arg12[%dma_wait3A_556] : memref<4x!tpu.dma_semaphore, #tpu.memory_space<semaphore_mem>> -> memref<1x!tpu.dma_semaphore, #tpu.memory_space<semaphore_mem>>
    %dma_wait3A_562 = tpu.memref_squeeze %dma_wait3A_561 : memref<1x!tpu.dma_semaphore, #tpu.memory_space<semaphore_mem>> -> memref<!tpu.dma_semaphore, #tpu.memory_space<semaphore_mem>>
    %dma_wait3A_563 = tpu.memref_slice %arg5[%add3A_554] : memref<3670016xf32, #tpu.memory_space<hbm>> -> memref<14336xf32, #tpu.memory_space<hbm>>
    %dma_wait3A_564 = arith.constant 0 : i32
    %dma_wait3A_565 = tpu.memref_slice %arg10[%dma_wait3A_555, %dma_wait3A_564] : memref<4x14336xf32, #tpu.memory_space<vmem>> -> memref<1x14336xf32, #tpu.memory_space<vmem>>
    %dma_wait3A_566 = tpu.memref_squeeze %dma_wait3A_565 : memref<1x14336xf32, #tpu.memory_space<vmem>> -> memref<14336xf32, #tpu.memory_space<vmem>>
    tpu.wait_dma2 semaphore(%dma_wait3A_562 : memref<!tpu.dma_semaphore, #tpu.memory_space<semaphore_mem>>) src(%dma_wait3A_566 : memref<14336xf32, #tpu.memory_space<vmem>>) dst(%dma_wait3A_563 : memref<14336xf32, #tpu.memory_space<hbm>>)
    %mul3A_567 = arith.constant 4 : i32
    %mul3A_568 = arith.muli %select_n3A, %mul3A_567 : i32
    %add3A_569 = arith.addi %mul3A_568, %mul3A_32 : i32
    %add3A_570 = arith.constant 1 : i32
    %add3A_571 = arith.addi %add3A_569, %add3A_570 : i32
    %mul3A_572 = arith.constant 57344 : i32
    %mul3A_573 = arith.muli %add3A_571, %mul3A_572 : i32
    %add3A_574 = arith.constant 28672 : i32
    %add3A_575 = arith.addi %mul3A_573, %add3A_574 : i32
    %dma_wait3A_576 = arith.constant 2 : i32
    %dma_wait3A_577 = arith.constant 2 : i32
    %dma_wait3A_578 = arith.constant 0 : i32
    %dma_wait3A_579 = tpu.memref_slice %arg10[%dma_wait3A_576, %dma_wait3A_578] : memref<4x14336xf32, #tpu.memory_space<vmem>> -> memref<1x14336xf32, #tpu.memory_space<vmem>>
    %dma_wait3A_580 = tpu.memref_squeeze %dma_wait3A_579 : memref<1x14336xf32, #tpu.memory_space<vmem>> -> memref<14336xf32, #tpu.memory_space<vmem>>
    %dma_wait3A_581 = tpu.memref_slice %arg5[%add3A_575] : memref<3670016xf32, #tpu.memory_space<hbm>> -> memref<14336xf32, #tpu.memory_space<hbm>>
    %dma_wait3A_582 = tpu.memref_slice %arg12[%dma_wait3A_577] : memref<4x!tpu.dma_semaphore, #tpu.memory_space<semaphore_mem>> -> memref<1x!tpu.dma_semaphore, #tpu.memory_space<semaphore_mem>>
    %dma_wait3A_583 = tpu.memref_squeeze %dma_wait3A_582 : memref<1x!tpu.dma_semaphore, #tpu.memory_space<semaphore_mem>> -> memref<!tpu.dma_semaphore, #tpu.memory_space<semaphore_mem>>
    %dma_wait3A_584 = tpu.memref_slice %arg5[%add3A_575] : memref<3670016xf32, #tpu.memory_space<hbm>> -> memref<14336xf32, #tpu.memory_space<hbm>>
    %dma_wait3A_585 = arith.constant 0 : i32
    %dma_wait3A_586 = tpu.memref_slice %arg10[%dma_wait3A_576, %dma_wait3A_585] : memref<4x14336xf32, #tpu.memory_space<vmem>> -> memref<1x14336xf32, #tpu.memory_space<vmem>>
    %dma_wait3A_587 = tpu.memref_squeeze %dma_wait3A_586 : memref<1x14336xf32, #tpu.memory_space<vmem>> -> memref<14336xf32, #tpu.memory_space<vmem>>
    tpu.wait_dma2 semaphore(%dma_wait3A_583 : memref<!tpu.dma_semaphore, #tpu.memory_space<semaphore_mem>>) src(%dma_wait3A_587 : memref<14336xf32, #tpu.memory_space<vmem>>) dst(%dma_wait3A_584 : memref<14336xf32, #tpu.memory_space<hbm>>)
    %mul3A_588 = arith.constant 4 : i32
    %mul3A_589 = arith.muli %select_n3A, %mul3A_588 : i32
    %add3A_590 = arith.addi %mul3A_589, %mul3A_32 : i32
    %add3A_591 = arith.constant 1 : i32
    %add3A_592 = arith.addi %add3A_590, %add3A_591 : i32
    %mul3A_593 = arith.constant 57344 : i32
    %mul3A_594 = arith.muli %add3A_592, %mul3A_593 : i32
    %add3A_595 = arith.constant 43008 : i32
    %add3A_596 = arith.addi %mul3A_594, %add3A_595 : i32
    %dma_wait3A_597 = arith.constant 3 : i32
    %dma_wait3A_598 = arith.constant 3 : i32
    %dma_wait3A_599 = arith.constant 0 : i32
    %dma_wait3A_600 = tpu.memref_slice %arg10[%dma_wait3A_597, %dma_wait3A_599] : memref<4x14336xf32, #tpu.memory_space<vmem>> -> memref<1x14336xf32, #tpu.memory_space<vmem>>
    %dma_wait3A_601 = tpu.memref_squeeze %dma_wait3A_600 : memref<1x14336xf32, #tpu.memory_space<vmem>> -> memref<14336xf32, #tpu.memory_space<vmem>>
    %dma_wait3A_602 = tpu.memref_slice %arg5[%add3A_596] : memref<3670016xf32, #tpu.memory_space<hbm>> -> memref<14336xf32, #tpu.memory_space<hbm>>
    %dma_wait3A_603 = tpu.memref_slice %arg12[%dma_wait3A_598] : memref<4x!tpu.dma_semaphore, #tpu.memory_space<semaphore_mem>> -> memref<1x!tpu.dma_semaphore, #tpu.memory_space<semaphore_mem>>
    %dma_wait3A_604 = tpu.memref_squeeze %dma_wait3A_603 : memref<1x!tpu.dma_semaphore, #tpu.memory_space<semaphore_mem>> -> memref<!tpu.dma_semaphore, #tpu.memory_space<semaphore_mem>>
    %dma_wait3A_605 = tpu.memref_slice %arg5[%add3A_596] : memref<3670016xf32, #tpu.memory_space<hbm>> -> memref<14336xf32, #tpu.memory_space<hbm>>
    %dma_wait3A_606 = arith.constant 0 : i32
    %dma_wait3A_607 = tpu.memref_slice %arg10[%dma_wait3A_597, %dma_wait3A_606] : memref<4x14336xf32, #tpu.memory_space<vmem>> -> memref<1x14336xf32, #tpu.memory_space<vmem>>
    %dma_wait3A_608 = tpu.memref_squeeze %dma_wait3A_607 : memref<1x14336xf32, #tpu.memory_space<vmem>> -> memref<14336xf32, #tpu.memory_space<vmem>>
    tpu.wait_dma2 semaphore(%dma_wait3A_604 : memref<!tpu.dma_semaphore, #tpu.memory_space<semaphore_mem>>) src(%dma_wait3A_608 : memref<14336xf32, #tpu.memory_space<vmem>>) dst(%dma_wait3A_605 : memref<14336xf32, #tpu.memory_space<hbm>>)
    return
  }
}

</mosaic_0001>

<sc_bundles>
// kernel: kernel.3.cloned.1.call-start
scs
__scs_entry_jumppad:
0x0: {  	(pc) =	sbr.rel $0x88, $3  }
0x1: {  	(tag) =	ssettag $0x0;
	lr =	simm.s32 $0x1  }
0x2: {  	[smem:$0x3F9E] =	sst lr;
	_ =	strace $0xD0000000  }
0x3: {  	_ = 	snop  }
0x4: {  	_ = 	snop  }
0x5: {  	_ = 	snop  }
0x6: {  	_ = 	snop  }
0x7: {  	_ = 	snop  }
__scs_overlays_trampoline_lowered:
0x8: {  	[smem:$0x3FAD] =	sst s0  }
0x9: {  	[smem:$0x3FAE] =	sst s1  }
0xa: {  	[smem:$0x3FAF] =	sst s2  }
0xb: {  	[smem:$0x3FB0] =	sst s3  }
0xc: {  	[smem:$0x3FB1] =	sst s4  }
0xd: {  	[smem:$0x3FB2] =	sst s5  }
0xe: {  	[smem:$0x3FB3] =	sst s6  }
0xf: {  	[smem:$0x3FB4] =	sst s7  }
0x10: {  	[smem:$0x3FB5] =	sst s8  }
0x11: {  	[smem:$0x3FB6] =	sst s9;
	s0 =	simm.s32 @!p0 $0x0  }
0x12: {  	s1 =	sld [smem:$0x3F9C];
	s0 =	simm.s32 @p0 $0x1  }
0x13: {  	[smem:$0x3FB7] =	sst s0;
	s0 =	simm.s32 @!p1 $0x0  }
0x14: {  	s2 =	sld [smem:$0x3F9B];
	s0 =	simm.s32 @p1 $0x1  }
0x15: {  	[smem:$0x3FB8] =	sst s0;
	s0 =	simm.s32 @!p2 $0x0  }
0x16: {  	s3 =	sld [smem:$0x3FDB];
	s0 =	simm.s32 @p2 $0x1  }
0x17: {  	s4 =	simm.s32 $0x1BF5;
	[smem:$0x3FBA] =	sst s0  }
0x18: {  	s0 =	sld [smem:$0x3F9D];
	_ =	swait.ge [sflag:s4], $0x0  }
0x19: {  	s7 =	sld [smem:$0x3F9E]  }
0x1a: {  	s8 =	sadd.s32 $0xFFFFE003, lr  }
0x1b: {  	s9 =	sadd.s32 $0xFFFFFEF7, lr;
	s5 =	simm.s32 $0xFFFFFFFF;
	p2 =	slt.u32 s8, $0xFFFFF086  }
0x1c: {  	p1 =	slt.u32 s9, $0xF7A;
	s5 =	simm.s32 @!p2 $0x0  }
0x1d: {  	s5 =	simm.s32 @p1 $0x1;
	p0 =	seq.s32 s7, s2  }
0x1e: {  	s7 =	smul.u32 @!p0 $0xF7A, s2;
	p2 =	seq.s32 @!p0 s5, $0x0  }
0x1f: {  	s9 =	smul.u32 $0xF7A, s1;
	s8 =	simm.s32 @!p0 $0x1BF5;
	p2 =	por !p2, p0  }
0x20: {  	[sflag:s8] =	ssyncset.s32 @!p0 $0xFFFFF086;
	s6 =	sadd.s32 @!p0 s3, s7;
	s7 =	simm.s32 @!p0 $0x108  }
0x21: {  	s3 =	sadd.s32 s3, s9;
	s6 =	sadd.s32 @!p0 $0x88, s6;
	s7 =	simm.s32 @p2 $0x1082  }
0x22: {  	[simem:s7], [sflag:s8] =	dma.local @!p0 [hbm:s6], $0xF7A  }
0x23: {  	s9 =	sor.u32 $0xD0000000, s2;
	s6 =	simm.s32 $0x108;
	_ =	swait.ge @!p0 [sflag:s8], $0x0  }
0x24: {  	s3 =	sadd.s32 $0x88, s3;
	s6 =	simm.s32 @!p1 $0x1082;
	[sflag:s4] =	ssyncset.s32 $0xFFFFF086  }
0x25: {  	[simem:s6], [sflag:s4] =	dma.local [hbm:s3], $0xF7A  }
0x26: {  	[smem:$0x3F9E] =	sst s1;
	(tag) =	ssettag s2;
	_ =	strace s9  }
0x27: {  	s1 =	sld [smem:$0x3FAE]  }
0x28: {  	s2 =	sld [smem:$0x3FAF]  }
0x29: {  	s4 =	sld [smem:$0x3FB1]  }
0x2a: {  	p0 =	seq.s32 s5, $0x0;
	s5 =	sld [smem:$0x3FB2]  }
0x2b: {  	s6 =	sld [smem:$0x3FB3]  }
0x2c: {  	s7 =	sld [smem:$0x3FB4]  }
0x2d: {  	s3 =	simm.s32 $0x108;
	s8 =	sld [smem:$0x3FB5]  }
0x2e: {  	s3 =	simm.s32 @!p0 $0x1082;
	s9 =	sld [smem:$0x3FB6]  }
0x2f: {  	lr =	sadd.s32 s0, s3;
	s0 =	sld [smem:$0x3FAD]  }
0x30: {  	s3 =	sld [smem:$0x3FB0]  }
0x31: {  	[smem:$0x3FB9] =	sst s10  }
0x32: {  	s10 =	sld [smem:$0x3FB7];
	_ =	sdelay $0x3  }
0x33: {  	p0 =	seq.s32 s10, $0x1;
	s10 =	sld [smem:$0x3FB9];
	_ =	sdelay $0x3  }
0x34: {  	[smem:$0x3FB9] =	sst s10  }
0x35: {  	s10 =	sld [smem:$0x3FB8];
	_ =	sdelay $0x3  }
0x36: {  	p1 =	seq.s32 s10, $0x1;
	s10 =	sld [smem:$0x3FB9];
	_ =	sdelay $0x3  }
0x37: {  	[smem:$0x3FB9] =	sst s10  }
0x38: {  	s10 =	sld [smem:$0x3FBA]  }
0x39: {  	_ = 	snop;
	(pc) =	sbr.ind lr, $3  }
0x3a: {  	_ = 	snop  }
0x3b: {  	_ = 	snop  }
0x3c: {  	p2 =	seq.s32 s10, $0x1;
	s10 =	sld [smem:$0x3FB9]  }
0x3d: {  	_ =	shalt  }
0x3e: {  	_ =	shalt  }
0x3f: {  	_ =	shalt  }
0x40: {  	_ =	shalt  }
0x41: {  	_ =	shalt  }
0x42: {  	_ =	shalt  }
0x43: {  	_ =	shalt  }
0x44: {  	_ =	shalt  }
0x45: {  	_ =	shalt  }
0x46: {  	_ =	shalt  }
0x47: {  	_ =	shalt  }
0x48: {  	_ =	shalt  }
0x49: {  	_ =	shalt  }
0x4a: {  	_ =	shalt  }
0x4b: {  	_ =	shalt  }
0x4c: {  	_ =	shalt  }
0x4d: {  	_ =	shalt  }
0x4e: {  	_ =	shalt  }
0x4f: {  	_ =	shalt  }
0x50: {  	_ =	shalt  }
0x51: {  	_ =	shalt  }
0x52: {  	_ =	shalt  }
0x53: {  	_ =	shalt  }
0x54: {  	_ =	shalt  }
0x55: {  	_ =	shalt  }
0x56: {  	_ =	shalt  }
0x57: {  	_ =	shalt  }
0x58: {  	_ =	shalt  }
0x59: {  	_ =	shalt  }
0x5a: {  	_ =	shalt  }
0x5b: {  	_ =	shalt  }
0x5c: {  	_ =	shalt  }
0x5d: {  	_ =	shalt  }
0x5e: {  	_ =	shalt  }
0x5f: {  	_ =	shalt  }
0x60: {  	_ =	shalt  }
0x61: {  	_ =	shalt  }
0x62: {  	_ =	shalt  }
0x63: {  	_ =	shalt  }
0x64: {  	_ =	shalt  }
0x65: {  	_ =	shalt  }
0x66: {  	_ =	shalt  }
0x67: {  	_ =	shalt  }
0x68: {  	_ =	shalt  }
0x69: {  	_ =	shalt  }
0x6a: {  	_ =	shalt  }
0x6b: {  	_ =	shalt  }
0x6c: {  	_ =	shalt  }
0x6d: {  	_ =	shalt  }
0x6e: {  	_ =	shalt  }
0x6f: {  	_ =	shalt  }
0x70: {  	_ =	shalt  }
0x71: {  	_ =	shalt  }
0x72: {  	_ =	shalt  }
0x73: {  	_ =	shalt  }
0x74: {  	_ =	shalt  }
0x75: {  	_ =	shalt  }
0x76: {  	_ =	shalt  }
0x77: {  	_ =	shalt  }
0x78: {  	_ =	shalt  }
0x79: {  	_ =	shalt  }
0x7a: {  	_ =	shalt  }
0x7b: {  	_ =	shalt  }
0x7c: {  	_ =	shalt  }
0x7d: {  	_ =	shalt  }
0x7e: {  	_ =	shalt  }
0x7f: {  	_ =	shalt  }
0x80: {  	_ =	shalt  }
0x81: {  	_ =	shalt  }
0x82: {  	_ =	shalt  }
0x83: {  	_ =	shalt  }
0x84: {  	_ =	shalt  }
0x85: {  	_ =	shalt  }
0x86: {  	_ =	shalt  }
0x87: {  	_ =	shalt  }
.Lfunc_end0:
.L_simem_size_0:
called_computation_lowered:
.L_overlay_start_0:
0x88: {  	s2 =	sld [smem:$0x3FD9]  }
0x89: {  	s3 =	sld [smem:$0x3FFE];
	_ =	sdelay $0x1  }
0x8a: {  	s1 =	srdreg.scid  }
0x8b: {  	s0 =	sand.u32 $0x1, s1  }
0x8c: {  	s18 =	sshll.u32 s0, $0xA;
	s2 =	sadd.s32 s3, s2  }
0x8d: {  	s2 =	sadd.s32 s2, s18  }
0x8e: {  	[smem:$0x3FC5] =	sst s2  }
0x8f: {  	_ = 	snop  }
0x90: {  	s2 =	sld [smem:$0x3FC9]  }
0x91: {  	s19 =	sld [smem:$0x3FC8]  }
0x92: {  	s4 =	sld [smem:$0x3FC7]  }
0x93: {  	s5 =	sld [smem:$0x3FD0];
	(tm) =	ssettm $0x1  }
0x94: {  	s6 =	sld [smem:$0x3FFB];
	_ =	sdelay $0x3  }
0x95: {  	_ =	strace s6  }
0x96: {  	s6 =	sld [smem:$0x3FFC];
	_ =	sdelay $0x3  }
0x97: {  	_ =	strace s6  }
0x98: {  	s6 =	sld [smem:$0x3FFD];
	_ =	sdelay $0x3  }
0x99: {  	_ =	strace s6  }
0x9a: {  	_ =	strace $0x8FFFFFFF  }
0x9b: {  	s20 =	sld [smem:$0x3FDB];
	_ =	sdelay $0x1  }
0x9c: {  	s7 =	simm.s32 $_scs_section_size  }
0x9d: {  	s8 =	simm.s32 $_size__tile_overlayer_lowered;
	s9 =	simm.s32 $_tile_overlayer_lowered  }
0x9e: {  	s23 =	simm.s32 $0x1BFF;
	s22 =	sshll.u32 s9, $0x1;
	s6 =	sadd.s32 s7, s20  }
0x9f: {  	s10 =	simm.s32 $0x0;
	s21 =	sshll.u32 s8, $0x1;
	s8 =	sadd.s32 s22, s6  }
0xa0: {  	[timem:s10], [sflag:s23] =	dma.local [hbm:s8], s21  }
0xa1: {  	_ =	swait.ge [sflag:s23], s21  }
0xa2: {  	s7 =	ssub.s32 $0x0, s21;
	[sflag:s23] =	ssyncset.done $0x0  }
0xa3: {  	[sflag:s23] =	ssyncadd.s32 s7;
	_ =	sdelay $0x1  }
0xa4: {  	s24 =	simm.s32 $0x1B8B  }
0xa5: {  	_ =	swait.ge [sflag:s24], $0x1  }
0xa6: {  	[sflag:s24] =	ssyncset.done $0x0  }
0xa7: {  	s25 =	simm.s32 $0x1B8E;
	[sflag:s24] =	ssyncadd.s32 $0xFFFFFFFF  }
0xa8: {  	s26 =	simm.s32 $execute0_lowered;
	[smem:$0x3FD2] =	sst s25  }
0xa9: {  	s7 =	sshll.u32 s26, $0x1;
	_ =	strace $0x80000046;
	[dreg:$0x1] =	wrdreg $0xFFFFFFFF  }
0xaa: {  	s28 =	simm.s32 $_size_execute0_lowered;
	s6 =	sadd.s32 s6, s7;
	[dreg:$0x0] =	wrdreg $0x0  }
0xab: {  	s7 =	sshll.u32 s28, $0x1;
	[dreg:$0x2] =	wrdreg s6  }
0xac: {  	[dreg:$0x3] =	wrdreg s7  }
0xad: {  	[dreg:$0x4] =	wrdreg $0xC0  }
0xae: {  	_ =	task [dreg:s10], $0x5FFFF  }
0xaf: {  	[dreg:$0x1] =	wrdreg $0xFFFFFFFF  }
0xb0: {  	[dreg:$0x0] =	wrdreg $0x60  }
0xb1: {  	[dreg:$0x2] =	wrdreg s2  }
0xb2: {  	[dreg:$0x3] =	wrdreg s19  }
0xb3: {  	[dreg:$0x4] =	wrdreg s4  }
0xb4: {  	[dreg:$0x5] =	wrdreg s5  }
0xb5: {  	[dreg:$0x6] =	wrdreg $0x9  }
0xb6: {  	_ =	task.clear_ibuf [dreg:s10], $0x7FFFF;
	_ =	strace $0x90000046  }
0xb7: {  	s29 =	simm.s32 $0x9;
	_ =	strace $0x80000048  }
0xb8: {  	_ =	swait.ge [sflag:s29], $0x1  }
0xb9: {  	[sflag:s29] =	ssyncadd.s32 $0xFFFFFFFF  }
0xba: {  	_ =	strace $0x90000048  }
0xbb: {  	_ =	sfence  }
0xbc: {  	s30 =	sld [smem:$0x0];
	_ =	sdelay $0x2  }
0xbd: {  	s31 =	sshll.u32 s1, $0xD;
	s1 =	sshrl.u32 s1, $0x2  }
0xbe: {  	s3 =	sand.u32 $0x4000, s31;
	s1 =	sadd.s32 s1, s30  }
0xbf: {  	s0 =	sor.u32 s3, s0;
	s1 =	sshll.u32 s1, $0x11  }
0xc0: {  	s0 =	sor.u32 s1, s0  }
0xc1: {  	s0 =	sadd.s32 $0x8F2B, s0  }
0xc2: {  	[sflag:s0] =	ssyncadd.remote.s32 $0x1  }
0xc3: {  	_ =	sfence.sel $0xFFFF  }
0xc4: {  	[dreg:$0x0] =	wrdreg $0xFFFFFFFF;
	(pc) =	sbr.abs _section_cstart, $3  }
0xc5: {  	[dreg:$0x1] =	wrdreg $0xFFFFFFFF  }
0xc6: {  	_ =	task.clear_ibuf [dreg:s10], $0x2FFFF;
	_ =	strace $0x9FFFFFFF  }
0xc7: {  	(tm) =	ssettm $0x7FFFFFFF  }
tec
execute0_lowered:
.L_overlay_start_1:
0x0: {  	(tag) =	ssettag $0x1  }
0x1: {  	s0 =	srdreg.scid  }
0x2: {  	s2 =	stileid.u32;
	s0 =	sand.u32 $0x1, s0  }
0x3: {  	s4 =	rddreg [dreg:$0x2];
	s1 =	sor.u32 s0, s2  }
0x4: {  	s5 =	rddreg [dreg:$0x3];
	p1 =	seq.s32 s0, $0x1;
	p0 =	seq.s32 s1, $0x0  }
0x5: {  	s7 =	simm.s32 $0x0;
	s21 =	simm.s32 $0x9;
	p0 =	por !p0, !p1  }
0x6: {  	s28 =	simm.s32 $0x8;
	s1 =	simm.s32 $0x1;
	p0 =	por !p0, !p0  }
0x7: {  	s29 =	simm.s32 $0x0;
	s11 =	smul.u32 $0x27800, s0;
	s1 =	simm.s32 @!p0 $0x0  }
0x8: {  	[smem:$0x7FF] =	sst s7;
	s3 =	smul.u32 $0x2A000, s0;
	s1 =	ssub.s32 s2, s1  }
0x9: {  	s24 =	ssub.s32 $0x2, s0;
	s31 =	sadd.s32 $0x13C00, s11;
	s6 =	smul.u32 $0x54000, s1  }
0xa: {  	_ =	strace $0x80000047;
	s8 =	sshrl.u32 s24, $0x1;
	[dreg:$0x8] =	wrdreg s31  }
0xb: {  	s2 =	ssub.s32 s24, s8;
	s8 =	sshll.u32 s0, $0x1;
	s3 =	sadd.s32 s3, s6  }
0xc: {  	s24 =	simm.s32 $0x5;
	s30 =	sshll.u32 s1, $0x2;
	s10 =	sadd.s32 $0x7000, s3  }
0xd: {  	s16 =	smax.u32 s2, $0x1;
	s9 =	sshrl.u32 s3, $0x3;
	s10 =	sshrl.u32 s10, $0x3  }
0xe: {  	s3 =	sadd.s32 $0x8C00, s3;
	s9 =	sadd.s32 s4, s9;
	s10 =	sadd.s32 s4, s10  }
0xf: {  	s3 =	sshrl.u32 s3, $0x3;
	s25 =	sadd.s32 $0x380, s9;
	[dreg:$0x5] =	wrdreg s10  }
0x10: {  	v0 =	vlaneseq.u32;
	v1 =	vmov s1;
	s15 =	sor.u32 s8, s30;
	s26 =	sadd.s32 s4, s3;
	[dreg:$0x6] =	wrdreg s25  }
0x11: {  	vm0 =	veq.s32 v1, v0;
	[dreg:$0x7] =	wrdreg s26;
	s25 =	simm.s32 $0x6;
	s26 =	simm.s32 $0x7  }
.LBB2_1:
0x12: {  	s0 =	simm.s32 $0x880  }
0x13: {  	[tilespmem:s0], [sflag:$0x1] =	stream.linear.gather [hbm4b:s9+s7], $0x1C00, $0x38;
	[tilespmem:$0x1C880] =	vst v63  }
0x14: {  	s23 =	rddreg [dreg:$0x5];
	s1 =	simm.s32 $0x7880  }
0x15: {  	[tilespmem:s1], [sflag:$0x1] =	stream.linear.gather [hbm4b:s23+s7], $0x1C00, $0x38;
	[tilespmem:$0x1C880] =	vst v63  }
0x16: {  	s2 =	rddreg [dreg:$0x6];
	s3 =	simm.s32 $0x2480  }
0x17: {  	[tilespmem:s3], [sflag:$0x2] =	stream.linear.gather [hbm4b:s2+s7], $0x1C00, $0x38;
	[tilespmem:$0x1C880] =	vst v63  }
0x18: {  	s10 =	rddreg [dreg:$0x7];
	s12 =	simm.s32 $0x9480  }
0x19: {  	[tilespmem:s12], [sflag:$0x2] =	stream.linear.gather [hbm4b:s10+s7], $0x1C00, $0x38;
	[tilespmem:$0x1C880] =	vst v63  }
0x1a: {  	s13 =	rddreg [dreg:$0x1]  }
0x1b: {  	[tilespmem:s7], [sflag:$0x9] =	stream.linear.gather [hbm4b:s13+s7], $0x80, $0x38;
	[tilespmem:$0x1C880] =	vst v63  }
0x1c: {  	_ =	swait.ge [sflag:s21], $0x80  }
0x1d: {  	[sflag:s21] =	ssyncset.done $0x0  }
0x1e: {  	[sflag:s21] =	ssyncadd.s32 $0xFFFFFF80  }
0x1f: {  	v1 =	vld [tilespmem:$0x0];
	_ =	sdelay $0x4  }
0x20: {  	v1 =	vxor.u32 $0x80000000, v1  }
0x21: {  	v1 =	vnsel vm0, $0x80000000, v1  }
0x22: {  	(xrf0) =	vmax.scan.msk.u32 $0xffff, v1;
	_ =	sdelay $0x5  }
0x23: {  	v1, _, _ =	vpop (xrf0)  }
0x24: {  	(v2sf) =	vpush v1, $0xF;
	_ =	sdelay $0xe  }
0x25: {  	s14 =	spop (v2sf)  }
0x26: {  	s17 =	sxor.u32 $0x80000000, s14  }
0x27: {  	s2 =	sshra.s32 s17, $0x1F  }
0x28: {  	s2 =	sshrl.u32 s2, $0x19  }
0x29: {  	s2 =	sadd.s32 s2, s17  }
0x2a: {  	p0 =	sgt.s32 s14, $0xFFFFFFFF;
	p1 =	slt.s32 s17, $0x1;
	s3 =	sand.u32 $0xFFFFFF80, s2  }
0x2b: {  	p0 =	por p0, p1;
	p6 =	sne.s32 s17, s3  }
0x2c: {  	p0 =	por !p0, !p6  }
0x2d: {  	s1 =	simm.s32 $0x1;
	p0 =	por !p0, !p0  }
0x2e: {  	s2 =	sshrl.u32 s2, $0x7;
	s1 =	simm.s32 @!p0 $0x0  }
0x2f: {  	s1 =	ssub.s32 s2, s1  }
0x30: {  	s1 =	sshll.u32 s1, $0xA  }
0x31: {  	s18 =	sadd.s32 s11, s1  }
0x32: {  	s19 =	rddreg [dreg:$0x0];
	s2 =	sshrl.u32 s18, $0x3  }
0x33: {  	s10 =	simm.s32 $0x80;
	s2 =	sadd.s32 s19, s2  }
0x34: {  	[tilespmem:s10], [sflag:$0x9] =	stream.linear.gather [hbm4b:s2+s7], $0x400, $0x38;
	[tilespmem:$0x1C880] =	vst v63  }
0x35: {  	_ =	swait.ge [sflag:s21], $0x400  }
0x36: {  	s20 =	rddreg [dreg:$0x8]  }
0x37: {  	s1 =	sadd.s32 s20, s1  }
0x38: {  	[sflag:s21] =	ssyncset.done $0x0;
	s1 =	sshrl.u32 s1, $0x3  }
0x39: {  	s22 =	simm.s32 $0x480;
	[sflag:s21] =	ssyncadd.s32 $0xFFFFFC00;
	s1 =	sadd.s32 s19, s1  }
0x3a: {  	[tilespmem:s22], [sflag:$0x9] =	stream.linear.gather [hbm4b:s1+s7], $0x400, $0x38;
	[tilespmem:$0x1C880] =	vst v63  }
0x3b: {  	_ =	swait.ge [sflag:s21], $0x400  }
0x3c: {  	[sflag:s21] =	ssyncset.done $0x0  }
0x3d: {  	s23 =	sand.u32 $0x70, s14;
	[sflag:s21] =	ssyncadd.s32 $0xFFFFFC00  }
0x3e: {  	v1 =	vld [tilespmem:s23+$0x80]  }
0x3f: {  	v2 =	vld [tilespmem:s23+$0x100]  }
0x40: {  	s0 =	sand.u32 $0xF, s14;
	v3 =	vld [tilespmem:s23+$0x180]  }
0x41: {  	v4 =	vmov s0;
	v5 =	vld [tilespmem:s23+$0x200]  }
0x42: {  	vm1 =	veq.s32 v4, v0;
	v4 =	vld [tilespmem:s23+$0x280]  }
0x43: {  	v6 =	vld [tilespmem:s23+$0x300];
	v1 =	vnsel vm1, $0xFF61B1E6, v1  }
0x44: {  	(xrf0) =	vmax.scan.msk.f32 $0xffff, v1;
	v1 =	vnsel vm1, $0xFF61B1E6, v2;
	v2 =	vld [tilespmem:s23+$0x380]  }
0x45: {  	(xrf0) =	vmax.scan.msk.f32 $0xffff, v1;
	v1 =	vnsel vm1, $0xFF61B1E6, v3;
	v3 =	vld [tilespmem:s23+$0x400]  }
0x46: {  	(xrf0) =	vmax.scan.msk.f32 $0xffff, v1;
	v1 =	vnsel vm1, $0xFF61B1E6, v5;
	v5 =	vld [tilespmem:s23+$0x480]  }
0x47: {  	(xrf0) =	vmax.scan.msk.f32 $0xffff, v1;
	v1 =	vnsel vm1, $0xFF61B1E6, v4;
	v4 =	vld [tilespmem:s23+$0x500]  }
0x48: {  	(xrf0) =	vmax.scan.msk.f32 $0xffff, v1;
	v1 =	vnsel vm1, $0xFF61B1E6, v6;
	v6 =	vld [tilespmem:s23+$0x580]  }
0x49: {  	(xrf0) =	vmax.scan.msk.f32 $0xffff, v1;
	v1 =	vnsel vm1, $0xFF61B1E6, v2;
	v2 =	vld [tilespmem:s23+$0x600]  }
0x4a: {  	v7, _, _ =	vpop (xrf0);
	(xrf0) =	vmax.scan.msk.f32 $0xffff, v1;
	v1 =	vnsel vm1, $0xFF61B1E6, v3;
	v3 =	vld [tilespmem:s23+$0x680]  }
0x4b: {  	v8, _, _ =	vpop (xrf0);
	(xrf0) =	vmax.scan.msk.f32 $0xffff, v1;
	v1 =	vnsel vm1, $0xFF61B1E6, v5  }
0x4c: {  	v5, _, _ =	vpop (xrf0);
	(xrf0) =	vmax.scan.msk.f32 $0xffff, v1;
	v1 =	vnsel vm1, $0xFF61B1E6, v4  }
0x4d: {  	v4, _, _ =	vpop (xrf0);
	(xrf0) =	vmax.scan.msk.f32 $0xffff, v1;
	v1 =	vnsel vm1, $0xFF61B1E6, v6  }
0x4e: {  	v6, _, _ =	vpop (xrf0);
	(xrf0) =	vmax.scan.msk.f32 $0xffff, v1;
	v1 =	vnsel vm1, $0xFF61B1E6, v2  }
0x4f: {  	v2 =	vadd.f32 $9.999999970e-07, v6;
	v6, _, _ =	vpop (xrf0);
	(xrf0) =	vmax.scan.msk.f32 $0xffff, v1;
	v1 =	vnsel vm1, $0xFF61B1E6, v3  }
0x50: {  	v3, _, _ =	vpop (xrf0);
	(xrf0) =	vmax.scan.msk.f32 $0xffff, v1  }
0x51: {  	v9, _, _ =	vpop (xrf0)  }
0x52: {  	v11, _, _ =	vpop (xrf0)  }
0x53: {  	v14 =	vld [tilespmem:s23+$0x700];
	v10 =	vbroadcast v2, $0xF;
	v12, _, _ =	vpop (xrf0)  }
0x54: {  	v16 =	vld [tilespmem:s23+$0x780];
	v13, _, _ =	vpop (xrf0)  }
0x55: {  	v17 =	vld [tilespmem:s23+$0x800];
	v7 =	vbroadcast v7, $0xF;
	(erf) = vrcp.f32 v10;
	v15, _, _ =	vpop (xrf0)  }
0x56: {  	v8 =	vbroadcast v8, $0xF;
	v2 =	vbroadcast v4, $0xF;
	v1, _, _ =	vpop (xrf0)  }
0x57: {  	v3 =	vbroadcast v3, $0xF;
	v4 =	vbroadcast v9, $0xF;
	v18 =	vadd.f32 $9.999999970e-07, v1  }
0x58: {  	v1 =	vbroadcast v5, $0xF;
	v5 =	vbroadcast v6, $0xF;
	v6 =	vnsel vm1, $0xFF61B1E6, v14  }
0x59: {  	v9 =	vmul.f32 v10, v7;
	(xrf0) =	vmax.scan.msk.f32 $0xffff, v6;
	v6 =	vnsel vm1, $0xFF61B1E6, v16;
	v18 =	vbroadcast v18, $0xF  }
0x5a: {  	v20 =	vmul.f32 v3, v2;
	v21 =	vmul.f32 v10, v8;
	(xrf0) =	vmax.scan.msk.f32 $0xffff, v6;
	v6 =	vnsel vm1, $0xFF61B1E6, v17  }
0x5b: {  	v24 =	vbroadcast v11, $0xF;
	(xrf0) =	vmax.scan.msk.f32 $0xffff, v6;
	(erf) = vrcp.f32 v18  }
0x5c: {  	v23 =	vmul.f32 v4, v2;
	v16 =	vmul.f32 v3, v1  }
0x5d: {  	v17 =	vmul.f32 v5, v7;
	v19 =	vmul.f32 v4, v1  }
0x5e: {  	v22 =	vmul.f32 v5, v8;
	v5 =	vbroadcast v13, $0xF;
	v14 =	vpop (erf)  }
0x5f: {  	v6 =	vmul.f32 v14, v8;
	v14 =	vmul.f32 v14, v7;
	v8, _, _ =	vpop (xrf0)  }
0x60: {  	v7 =	vbroadcast v15, $0xF;
	v15 =	vmul.f32 v18, v24;
	v10, _, _ =	vpop (xrf0)  }
0x61: {  	v11 =	vadd.f32 v6, v17;
	v17 =	vbroadcast v12, $0xF;
	v13 =	vbroadcast v8, $0xF;
	v12, _, _ =	vpop (xrf0)  }
0x62: {  	v6 =	vadd.f32 v16, v9;
	v9 =	vbroadcast v10, $0xF;
	v10 =	vbroadcast v12, $0xF  }
0x63: {  	v8 =	vadd.f32 v19, v11;
	v16 =	vmul.f32 v13, v24;
	v13 =	vmul.f32 v13, v17  }
0x64: {  	v12 =	vsub.f32 v14, v22;
	v62 =	vmul.f32 v9, v5;
	v63 =	vmul.f32 v10, v7;
	v14 =	vpop (erf)  }
0x65: {  	v11 =	vsub.f32 v20, v21;
	v19 =	vmul.f32 v14, v24;
	v14 =	vmul.f32 v14, v17  }
0x66: {  	v12 =	vadd.f32 v23, v12;
	v17 =	vmul.f32 v18, v17;
	v18 =	vmul.f32 v9, v7  }
0x67: {  	v14 =	vadd.f32 v14, v16;
	v16 =	vmul.f32 v10, v5;
	v19 =	vsub.f32 v19, v13  }
0x68: {  	v13 =	vadd.f32 v62, v15;
	v15 =	vsub.f32 v18, v17  }
0x69: {  	s30 =	simm.s32 $0x0;
	s31 =	simm.s32 $0x0;
	v14 =	vadd.f32 v16, v14;
	v16 =	vadd.f32 v63, v19  }
.LBB2_2:
0x6a: {  	p0 =	sgt.u32 s31, $0x5  }
0x6b: {  	s0 =	sadd.s32 @!p0 $0x2, s31  }
0x6c: {  	s1 =	sand.u32 @!p0 $0x3, s0;
	s0 =	sshrl.u32 @!p0 s0, $0x2  }
0x6d: {  	s0 =	sadd.s32 @!p0 s8, s0;
	s2 =	smul.u32 @!p0 $0x1C00, s1  }
0x6e: {  	s0 =	smul.u32 @!p0 $0x15000, s0  }
0x6f: {  	s3 =	sadd.s32 @!p0 s6, s2  }
0x70: {  	s0 =	sadd.s32 @!p0 s0, s3  }
0x71: {  	s12 =	simm.s32 @!p0 $0x0;
	s1 =	sadd.s32 @!p0 $0x1, s1;
	s3 =	sshrl.u32 @!p0 s0, $0x3  }
0x72: {  	s10 =	sadd.s32 @!p0 $0x880, s2;
	s0 =	sadd.s32 @!p0 $0x7000, s0;
	s3 =	sadd.s32 @!p0 s4, s3  }
0x73: {  	[tilespmem:s10], [sflag:s1] =	stream.linear.gather @!p0 [hbm4b:s3+s12], $0x1C00, $0x38;
	[tilespmem:$0x1C880] =	vst v63  }
0x74: {  	s0 =	sshrl.u32 @!p0 s0, $0x3;
	s3 =	sand.u32 $0x3, s31  }
0x75: {  	s2 =	sadd.s32 @!p0 $0x7880, s2;
	s0 =	sadd.s32 @!p0 s4, s0;
	s19 =	sadd.s32 $0x1, s3  }
0x76: {  	[tilespmem:s2], [sflag:s1] =	stream.linear.gather @!p0 [hbm4b:s0+s12], $0x1C00, $0x38;
	[tilespmem:$0x1C880] =	vst v63  }
0x77: {  	_ =	swait.ge [sflag:s19], $0x1C00  }
0x78: {  	[sflag:s19] =	ssyncset.done $0x0  }
0x79: {  	p1 =	slt.u32 s31, $0x4;
	[sflag:s19] =	ssyncadd.s32 $0xFFFFE400  }
0x7a: {  	s10 =	sadd.s32 @!p1 $0x5, s3;
	s22 =	smul.u32 $0x1C00, s3;
	_ =	swait.ge [sflag:s19], $0x1C00  }
0x7b: {  	s23 =	sshll.u32 s3, $0x7;
	s2 =	sshrl.u32 s31, $0x2;
	[sflag:s19] =	ssyncset.done $0x0  }
0x7c: {  	s13 =	sadd.s32 $0xE880, s23;
	p6 =	seq.s32 s2, $0x0;
	v25 =	vmov s22;
	[sflag:s19] =	ssyncadd.s32 $0xFFFFE400  }
0x7d: {  	s20 =	sand.u32 $0x3, s30;
	v26 =	vmov s13;
	v17 =	vpsel p6, v6, v13;
	v18 =	vpsel p6, v8, v14;
	_ =	swait.ge @!p1 [sflag:s10], $0x3800  }
0x7e: {  	s1 =	sshll.u32 s20, $0x7;
	v19 =	vpsel p6, v1, v5;
	v20 =	vpsel p6, v11, v15;
	v21 =	vpsel p6, v12, v16;
	[sflag:s10] =	ssyncset.done @!p1 $0x0  }
0x7f: {  	s17 =	simm.s32 $0x0;
	s0 =	sadd.s32 $0xE880, s1;
	v22 =	vpsel p6, v2, v7;
	v23 =	vpsel p6, v3, v9;
	v24 =	vpsel p6, v4, v10;
	[sflag:s10] =	ssyncadd.s32 @!p1 $0xFFFFC800  }
.LBB2_3:
0x80: {  	s1 =	sshll.u32 s17, $0x7  }
0x81: {  	v27 =	vld.idx.msk [tilespmem:v25+s1+$0x880 ss:$0x1], $0xffff  }
0x82: {  	v28 =	vld.idx.msk [tilespmem:v25+s1+$0x7880 ss:$0x1], $0xffff;
	_ =	sdelay $0x4  }
0x83: {  	v29 =	vmul.f32 v27, v23;
	v30 =	vmul.f32 v28, v24;
	_ =	sdelay $0x1  }
0x84: {  	v29 =	vadd.f32 v30, v29;
	_ =	sdelay $0x1  }
0x85: {  	v29 =	vadd.f32 $1.000000000e+00, v29;
	_ =	sdelay $0x1  }
0x86: {  	(erf) = vrcp.f32 v29;
	_ =	sdelay $0x3  }
0x87: {  	v46 =	vmul.f32 v27, v17;
	v47 =	vmul.f32 v28, v18  }
0x88: {  	v27 =	vmul.f32 v27, v20;
	v28 =	vmul.f32 v28, v21  }
0x89: {  	v29 =	vadd.f32 v47, v46  }
0x8a: {  	v27 =	vadd.f32 v28, v27  }
0x8b: {  	v48 =	vadd.f32 v29, v19  }
0x8c: {  	v27 =	vadd.f32 v27, v22;
	v49 =	vpop (erf)  }
0x8d: {  	s10 =	sshll.u32 s17, $0xA;
	v28 =	vmul.f32 v49, v48  }
0x8e: {  	s18 =	sand.u32 $0x3FFFFC00, s10;
	v27 =	vmul.f32 v49, v27  }
0x8f: {  	[tilespmem:v26+s18+$0x0 ss:$0x1] =	vst.idx.msk $0xffff, v28  }
0x90: {  	[tilespmem:v26+s18+$0x200 ss:$0x1] =	vst.idx.msk $0xffff, v27  }
0x91: {  	v27 =	vld.idx.msk [tilespmem:v25+s1+$0x890 ss:$0x1], $0xffff  }
0x92: {  	v28 =	vld.idx.msk [tilespmem:v25+s1+$0x7890 ss:$0x1], $0xffff;
	_ =	sdelay $0x4  }
0x93: {  	v50 =	vmul.f32 v27, v23;
	v51 =	vmul.f32 v28, v24;
	_ =	sdelay $0x1  }
0x94: {  	v29 =	vadd.f32 v51, v50;
	_ =	sdelay $0x1  }
0x95: {  	v29 =	vadd.f32 $1.000000000e+00, v29;
	_ =	sdelay $0x1  }
0x96: {  	(erf) = vrcp.f32 v29;
	_ =	sdelay $0x3  }
0x97: {  	v52 =	vmul.f32 v27, v17;
	v53 =	vmul.f32 v28, v18  }
0x98: {  	v27 =	vmul.f32 v27, v20;
	v28 =	vmul.f32 v28, v21  }
0x99: {  	v29 =	vadd.f32 v53, v52  }
0x9a: {  	v27 =	vadd.f32 v28, v27  }
0x9b: {  	v54 =	vadd.f32 v29, v19  }
0x9c: {  	v27 =	vadd.f32 v27, v22;
	v55 =	vpop (erf)  }
0x9d: {  	v28 =	vmul.f32 v55, v54  }
0x9e: {  	v27 =	vmul.f32 v55, v27  }
0x9f: {  	[tilespmem:v26+s18+$0x10 ss:$0x1] =	vst.idx.msk $0xffff, v28  }
0xa0: {  	[tilespmem:v26+s18+$0x210 ss:$0x1] =	vst.idx.msk $0xffff, v27  }
0xa1: {  	v27 =	vld.idx.msk [tilespmem:v25+s1+$0x8A0 ss:$0x1], $0xffff  }
0xa2: {  	v28 =	vld.idx.msk [tilespmem:v25+s1+$0x78A0 ss:$0x1], $0xffff;
	_ =	sdelay $0x4  }
0xa3: {  	v56 =	vmul.f32 v27, v23;
	v57 =	vmul.f32 v28, v24;
	_ =	sdelay $0x1  }
0xa4: {  	v29 =	vadd.f32 v57, v56;
	_ =	sdelay $0x1  }
0xa5: {  	v29 =	vadd.f32 $1.000000000e+00, v29;
	_ =	sdelay $0x1  }
0xa6: {  	(erf) = vrcp.f32 v29;
	_ =	sdelay $0x3  }
0xa7: {  	v58 =	vmul.f32 v27, v17;
	v59 =	vmul.f32 v28, v18  }
0xa8: {  	v27 =	vmul.f32 v27, v20;
	v28 =	vmul.f32 v28, v21  }
0xa9: {  	v29 =	vadd.f32 v59, v58  }
0xaa: {  	v27 =	vadd.f32 v28, v27  }
0xab: {  	v60 =	vadd.f32 v29, v19  }
0xac: {  	v27 =	vadd.f32 v27, v22;
	v61 =	vpop (erf)  }
0xad: {  	v28 =	vmul.f32 v61, v60  }
0xae: {  	v27 =	vmul.f32 v61, v27  }
0xaf: {  	[tilespmem:v26+s18+$0x20 ss:$0x1] =	vst.idx.msk $0xffff, v28  }
0xb0: {  	[tilespmem:v26+s18+$0x220 ss:$0x1] =	vst.idx.msk $0xffff, v27  }
0xb1: {  	v27 =	vld.idx.msk [tilespmem:v25+s1+$0x8B0 ss:$0x1], $0xffff  }
0xb2: {  	v28 =	vld.idx.msk [tilespmem:v25+s1+$0x78B0 ss:$0x1], $0xffff;
	_ =	sdelay $0x4  }
0xb3: {  	v62 =	vmul.f32 v27, v23;
	v63 =	vmul.f32 v28, v24;
	_ =	sdelay $0x1  }
0xb4: {  	v29 =	vadd.f32 v63, v62;
	_ =	sdelay $0x1  }
0xb5: {  	v29 =	vadd.f32 $1.000000000e+00, v29;
	_ =	sdelay $0x1  }
0xb6: {  	(erf) = vrcp.f32 v29;
	_ =	sdelay $0x3  }
0xb7: {  	v33 =	vmul.f32 v27, v17;
	v34 =	vmul.f32 v28, v18  }
0xb8: {  	v27 =	vmul.f32 v27, v20;
	v28 =	vmul.f32 v28, v21  }
0xb9: {  	v29 =	vadd.f32 v34, v33  }
0xba: {  	v27 =	vadd.f32 v28, v27  }
0xbb: {  	v35 =	vadd.f32 v29, v19  }
0xbc: {  	v27 =	vadd.f32 v27, v22;
	v36 =	vpop (erf)  }
0xbd: {  	v28 =	vmul.f32 v36, v35  }
0xbe: {  	v27 =	vmul.f32 v36, v27  }
0xbf: {  	[tilespmem:v26+s18+$0x30 ss:$0x1] =	vst.idx.msk $0xffff, v28  }
0xc0: {  	[tilespmem:v26+s18+$0x230 ss:$0x1] =	vst.idx.msk $0xffff, v27  }
0xc1: {  	v27 =	vld.idx.msk [tilespmem:v25+s1+$0x8C0 ss:$0x1], $0xffff  }
0xc2: {  	v28 =	vld.idx.msk [tilespmem:v25+s1+$0x78C0 ss:$0x1], $0xffff;
	_ =	sdelay $0x4  }
0xc3: {  	v37 =	vmul.f32 v27, v23;
	v38 =	vmul.f32 v28, v24;
	_ =	sdelay $0x1  }
0xc4: {  	v29 =	vadd.f32 v38, v37;
	_ =	sdelay $0x1  }
0xc5: {  	v29 =	vadd.f32 $1.000000000e+00, v29;
	_ =	sdelay $0x1  }
0xc6: {  	(erf) = vrcp.f32 v29;
	_ =	sdelay $0x3  }
0xc7: {  	v39 =	vmul.f32 v27, v17;
	v40 =	vmul.f32 v28, v18  }
0xc8: {  	v27 =	vmul.f32 v27, v20;
	v28 =	vmul.f32 v28, v21  }
0xc9: {  	v29 =	vadd.f32 v40, v39  }
0xca: {  	v27 =	vadd.f32 v28, v27  }
0xcb: {  	v41 =	vadd.f32 v29, v19  }
0xcc: {  	v27 =	vadd.f32 v27, v22;
	v42 =	vpop (erf)  }
0xcd: {  	v28 =	vmul.f32 v42, v41  }
0xce: {  	v27 =	vmul.f32 v42, v27  }
0xcf: {  	[tilespmem:v26+s18+$0x40 ss:$0x1] =	vst.idx.msk $0xffff, v28  }
0xd0: {  	[tilespmem:v26+s18+$0x240 ss:$0x1] =	vst.idx.msk $0xffff, v27  }
0xd1: {  	v27 =	vld.idx.msk [tilespmem:v25+s1+$0x8D0 ss:$0x1], $0xffff  }
0xd2: {  	v28 =	vld.idx.msk [tilespmem:v25+s1+$0x78D0 ss:$0x1], $0xffff;
	_ =	sdelay $0x4  }
0xd3: {  	v43 =	vmul.f32 v27, v23;
	v44 =	vmul.f32 v28, v24;
	_ =	sdelay $0x1  }
0xd4: {  	v29 =	vadd.f32 v44, v43;
	_ =	sdelay $0x1  }
0xd5: {  	v29 =	vadd.f32 $1.000000000e+00, v29;
	_ =	sdelay $0x1  }
0xd6: {  	(erf) = vrcp.f32 v29;
	_ =	sdelay $0x3  }
0xd7: {  	v45 =	vmul.f32 v27, v17;
	v46 =	vmul.f32 v28, v18  }
0xd8: {  	v27 =	vmul.f32 v27, v20;
	v28 =	vmul.f32 v28, v21  }
0xd9: {  	v29 =	vadd.f32 v46, v45  }
0xda: {  	v27 =	vadd.f32 v28, v27  }
0xdb: {  	v47 =	vadd.f32 v29, v19  }
0xdc: {  	v27 =	vadd.f32 v27, v22;
	v48 =	vpop (erf)  }
0xdd: {  	v28 =	vmul.f32 v48, v47  }
0xde: {  	v27 =	vmul.f32 v48, v27  }
0xdf: {  	[tilespmem:v26+s18+$0x50 ss:$0x1] =	vst.idx.msk $0xffff, v28  }
0xe0: {  	[tilespmem:v26+s18+$0x250 ss:$0x1] =	vst.idx.msk $0xffff, v27  }
0xe1: {  	v27 =	vld.idx.msk [tilespmem:v25+s1+$0x8E0 ss:$0x1], $0xffff  }
0xe2: {  	v28 =	vld.idx.msk [tilespmem:v25+s1+$0x78E0 ss:$0x1], $0xffff;
	_ =	sdelay $0x4  }
0xe3: {  	v49 =	vmul.f32 v27, v23;
	v50 =	vmul.f32 v28, v24;
	_ =	sdelay $0x1  }
0xe4: {  	v29 =	vadd.f32 v50, v49;
	_ =	sdelay $0x1  }
0xe5: {  	v29 =	vadd.f32 $1.000000000e+00, v29;
	_ =	sdelay $0x1  }
0xe6: {  	(erf) = vrcp.f32 v29;
	_ =	sdelay $0x3  }
0xe7: {  	v51 =	vmul.f32 v27, v17;
	v52 =	vmul.f32 v28, v18  }
0xe8: {  	v27 =	vmul.f32 v27, v20;
	v28 =	vmul.f32 v28, v21  }
0xe9: {  	v29 =	vadd.f32 v52, v51  }
0xea: {  	v27 =	vadd.f32 v28, v27  }
0xeb: {  	v53 =	vadd.f32 v29, v19  }
0xec: {  	v27 =	vadd.f32 v27, v22;
	v54 =	vpop (erf)  }
0xed: {  	v28 =	vmul.f32 v54, v53  }
0xee: {  	s23 =	sor.u32 $0x1, s17;
	v27 =	vmul.f32 v54, v27  }
0xef: {  	s12 =	sshll.u32 s23, $0x7;
	[tilespmem:v26+s18+$0x60 ss:$0x1] =	vst.idx.msk $0xffff, v28  }
0xf0: {  	v55 =	vld.idx.msk [tilespmem:v25+s12+$0x880 ss:$0x1], $0xffff;
	[tilespmem:v26+s18+$0x260 ss:$0x1] =	vst.idx.msk $0xffff, v27  }
0xf1: {  	v27 =	vld.idx.msk [tilespmem:v25+s1+$0x8F0 ss:$0x1], $0xffff  }
0xf2: {  	v28 =	vld.idx.msk [tilespmem:v25+s1+$0x78F0 ss:$0x1], $0xffff  }
0xf3: {  	v56 =	vld.idx.msk [tilespmem:v25+s12+$0x7880 ss:$0x1], $0xffff;
	_ =	sdelay $0x3  }
0xf4: {  	v31 =	vmul.f32 v27, v23;
	v32 =	vmul.f32 v28, v24  }
0xf5: {  	v33 =	vmul.f32 v55, v23;
	v34 =	vmul.f32 v56, v24  }
0xf6: {  	v31 =	vadd.f32 v32, v31  }
0xf7: {  	v57 =	vadd.f32 v34, v33  }
0xf8: {  	v31 =	vadd.f32 $1.000000000e+00, v31  }
0xf9: {  	v32 =	vadd.f32 $1.000000000e+00, v57  }
0xfa: {  	(erf) = vrcp.f32 v31  }
0xfb: {  	(erf) = vrcp.f32 v32;
	_ =	sdelay $0x2  }
0xfc: {  	v58 =	vmul.f32 v55, v17  }
0xfd: {  	v59 =	vmul.f32 v56, v18;
	v29 =	vmul.f32 v55, v20  }
0xfe: {  	v30 =	vmul.f32 v56, v21  }
0xff: {  	v31 =	vadd.f32 v59, v58  }
0x100: {  	v30 =	vadd.f32 v30, v29  }
0x101: {  	v31 =	vadd.f32 v31, v19;
	v29 =	vpop (erf)  }
0x102: {  	v30 =	vadd.f32 v30, v22;
	v60 =	vpop (erf)  }
0x103: {  	s10 =	sshll.u32 s23, $0xA;
	v31 =	vmul.f32 v60, v31  }
0x104: {  	s19 =	sand.u32 $0x3FFFFC00, s10;
	v30 =	vmul.f32 v60, v30  }
0x105: {  	[tilespmem:v26+s19+$0x0 ss:$0x1] =	vst.idx.msk $0xffff, v31  }
0x106: {  	[tilespmem:v26+s19+$0x200 ss:$0x1] =	vst.idx.msk $0xffff, v30  }
0x107: {  	v30 =	vld.idx.msk [tilespmem:v25+s12+$0x890 ss:$0x1], $0xffff  }
0x108: {  	v31 =	vld.idx.msk [tilespmem:v25+s12+$0x7890 ss:$0x1], $0xffff;
	_ =	sdelay $0x4  }
0x109: {  	v61 =	vmul.f32 v30, v23;
	v62 =	vmul.f32 v31, v24;
	_ =	sdelay $0x1  }
0x10a: {  	v32 =	vadd.f32 v62, v61;
	_ =	sdelay $0x1  }
0x10b: {  	v32 =	vadd.f32 $1.000000000e+00, v32;
	_ =	sdelay $0x1  }
0x10c: {  	(erf) = vrcp.f32 v32;
	_ =	sdelay $0x3  }
0x10d: {  	v63 =	vmul.f32 v30, v17;
	v36 =	vmul.f32 v31, v18  }
0x10e: {  	v30 =	vmul.f32 v30, v20;
	v31 =	vmul.f32 v31, v21  }
0x10f: {  	v32 =	vadd.f32 v36, v63  }
0x110: {  	v30 =	vadd.f32 v31, v30  }
0x111: {  	v37 =	vadd.f32 v32, v19  }
0x112: {  	v30 =	vadd.f32 v30, v22;
	v38 =	vpop (erf)  }
0x113: {  	v31 =	vmul.f32 v38, v37  }
0x114: {  	v30 =	vmul.f32 v38, v30  }
0x115: {  	[tilespmem:v26+s19+$0x10 ss:$0x1] =	vst.idx.msk $0xffff, v31  }
0x116: {  	[tilespmem:v26+s19+$0x210 ss:$0x1] =	vst.idx.msk $0xffff, v30  }
0x117: {  	v30 =	vld.idx.msk [tilespmem:v25+s12+$0x8A0 ss:$0x1], $0xffff  }
0x118: {  	v31 =	vld.idx.msk [tilespmem:v25+s12+$0x78A0 ss:$0x1], $0xffff;
	_ =	sdelay $0x4  }
0x119: {  	v39 =	vmul.f32 v30, v23;
	v40 =	vmul.f32 v31, v24;
	_ =	sdelay $0x1  }
0x11a: {  	v32 =	vadd.f32 v40, v39;
	_ =	sdelay $0x1  }
0x11b: {  	v32 =	vadd.f32 $1.000000000e+00, v32;
	_ =	sdelay $0x1  }
0x11c: {  	(erf) = vrcp.f32 v32;
	_ =	sdelay $0x3  }
0x11d: {  	v41 =	vmul.f32 v30, v17;
	v42 =	vmul.f32 v31, v18  }
0x11e: {  	v30 =	vmul.f32 v30, v20;
	v31 =	vmul.f32 v31, v21  }
0x11f: {  	v32 =	vadd.f32 v42, v41  }
0x120: {  	v30 =	vadd.f32 v31, v30  }
0x121: {  	v43 =	vadd.f32 v32, v19  }
0x122: {  	v30 =	vadd.f32 v30, v22;
	v44 =	vpop (erf)  }
0x123: {  	v31 =	vmul.f32 v44, v43  }
0x124: {  	v30 =	vmul.f32 v44, v30  }
0x125: {  	[tilespmem:v26+s19+$0x20 ss:$0x1] =	vst.idx.msk $0xffff, v31  }
0x126: {  	[tilespmem:v26+s19+$0x220 ss:$0x1] =	vst.idx.msk $0xffff, v30  }
0x127: {  	v30 =	vld.idx.msk [tilespmem:v25+s12+$0x8B0 ss:$0x1], $0xffff  }
0x128: {  	v31 =	vld.idx.msk [tilespmem:v25+s12+$0x78B0 ss:$0x1], $0xffff;
	_ =	sdelay $0x4  }
0x129: {  	v45 =	vmul.f32 v30, v23;
	v46 =	vmul.f32 v31, v24;
	_ =	sdelay $0x1  }
0x12a: {  	v32 =	vadd.f32 v46, v45;
	_ =	sdelay $0x1  }
0x12b: {  	v32 =	vadd.f32 $1.000000000e+00, v32;
	_ =	sdelay $0x1  }
0x12c: {  	(erf) = vrcp.f32 v32;
	_ =	sdelay $0x3  }
0x12d: {  	v47 =	vmul.f32 v30, v17;
	v48 =	vmul.f32 v31, v18  }
0x12e: {  	v30 =	vmul.f32 v30, v20;
	v31 =	vmul.f32 v31, v21  }
0x12f: {  	v32 =	vadd.f32 v48, v47  }
0x130: {  	v30 =	vadd.f32 v31, v30  }
0x131: {  	v49 =	vadd.f32 v32, v19  }
0x132: {  	v30 =	vadd.f32 v30, v22;
	v50 =	vpop (erf)  }
0x133: {  	v31 =	vmul.f32 v50, v49  }
0x134: {  	v30 =	vmul.f32 v50, v30  }
0x135: {  	[tilespmem:v26+s19+$0x30 ss:$0x1] =	vst.idx.msk $0xffff, v31  }
0x136: {  	[tilespmem:v26+s19+$0x230 ss:$0x1] =	vst.idx.msk $0xffff, v30  }
0x137: {  	v30 =	vld.idx.msk [tilespmem:v25+s12+$0x8C0 ss:$0x1], $0xffff  }
0x138: {  	v31 =	vld.idx.msk [tilespmem:v25+s12+$0x78C0 ss:$0x1], $0xffff;
	_ =	sdelay $0x4  }
0x139: {  	v51 =	vmul.f32 v30, v23;
	v52 =	vmul.f32 v31, v24;
	_ =	sdelay $0x1  }
0x13a: {  	v32 =	vadd.f32 v52, v51;
	_ =	sdelay $0x1  }
0x13b: {  	v32 =	vadd.f32 $1.000000000e+00, v32;
	_ =	sdelay $0x1  }
0x13c: {  	(erf) = vrcp.f32 v32;
	_ =	sdelay $0x3  }
0x13d: {  	v53 =	vmul.f32 v30, v17;
	v54 =	vmul.f32 v31, v18  }
0x13e: {  	v30 =	vmul.f32 v30, v20;
	v31 =	vmul.f32 v31, v21  }
0x13f: {  	v32 =	vadd.f32 v54, v53  }
0x140: {  	v30 =	vadd.f32 v31, v30  }
0x141: {  	v55 =	vadd.f32 v32, v19  }
0x142: {  	v30 =	vadd.f32 v30, v22;
	v56 =	vpop (erf)  }
0x143: {  	v31 =	vmul.f32 v56, v55  }
0x144: {  	v30 =	vmul.f32 v56, v30  }
0x145: {  	[tilespmem:v26+s19+$0x40 ss:$0x1] =	vst.idx.msk $0xffff, v31  }
0x146: {  	[tilespmem:v26+s19+$0x240 ss:$0x1] =	vst.idx.msk $0xffff, v30  }
0x147: {  	v30 =	vld.idx.msk [tilespmem:v25+s12+$0x8D0 ss:$0x1], $0xffff  }
0x148: {  	v31 =	vld.idx.msk [tilespmem:v25+s12+$0x78D0 ss:$0x1], $0xffff;
	_ =	sdelay $0x4  }
0x149: {  	v57 =	vmul.f32 v30, v23;
	v58 =	vmul.f32 v31, v24;
	_ =	sdelay $0x1  }
0x14a: {  	v32 =	vadd.f32 v58, v57;
	_ =	sdelay $0x1  }
0x14b: {  	v32 =	vadd.f32 $1.000000000e+00, v32;
	_ =	sdelay $0x1  }
0x14c: {  	(erf) = vrcp.f32 v32;
	_ =	sdelay $0x3  }
0x14d: {  	v59 =	vmul.f32 v30, v17;
	v60 =	vmul.f32 v31, v18  }
0x14e: {  	v30 =	vmul.f32 v30, v20;
	v31 =	vmul.f32 v31, v21  }
0x14f: {  	v32 =	vadd.f32 v60, v59  }
0x150: {  	v30 =	vadd.f32 v31, v30  }
0x151: {  	v61 =	vadd.f32 v32, v19  }
0x152: {  	v30 =	vadd.f32 v30, v22;
	v62 =	vpop (erf)  }
0x153: {  	v31 =	vmul.f32 v62, v61  }
0x154: {  	v30 =	vmul.f32 v62, v30  }
0x155: {  	[tilespmem:v26+s19+$0x50 ss:$0x1] =	vst.idx.msk $0xffff, v31  }
0x156: {  	[tilespmem:v26+s19+$0x250 ss:$0x1] =	vst.idx.msk $0xffff, v30  }
0x157: {  	v30 =	vld.idx.msk [tilespmem:v25+s12+$0x8E0 ss:$0x1], $0xffff  }
0x158: {  	v31 =	vld.idx.msk [tilespmem:v25+s12+$0x78E0 ss:$0x1], $0xffff;
	_ =	sdelay $0x4  }
0x159: {  	v63 =	vmul.f32 v30, v23;
	v36 =	vmul.f32 v31, v24;
	_ =	sdelay $0x1  }
0x15a: {  	v32 =	vadd.f32 v36, v63;
	_ =	sdelay $0x1  }
0x15b: {  	v32 =	vadd.f32 $1.000000000e+00, v32;
	_ =	sdelay $0x1  }
0x15c: {  	(erf) = vrcp.f32 v32;
	_ =	sdelay $0x3  }
0x15d: {  	v37 =	vmul.f32 v30, v17;
	v38 =	vmul.f32 v31, v18  }
0x15e: {  	v30 =	vmul.f32 v30, v20;
	v31 =	vmul.f32 v31, v21  }
0x15f: {  	v32 =	vadd.f32 v38, v37  }
0x160: {  	v30 =	vadd.f32 v31, v30  }
0x161: {  	v39 =	vadd.f32 v32, v19  }
0x162: {  	v30 =	vadd.f32 v30, v22;
	v40 =	vpop (erf)  }
0x163: {  	v31 =	vmul.f32 v40, v39  }
0x164: {  	s13 =	sor.u32 $0x2, s17;
	v30 =	vmul.f32 v40, v30  }
0x165: {  	s14 =	sshll.u32 s13, $0x7;
	[tilespmem:v26+s19+$0x60 ss:$0x1] =	vst.idx.msk $0xffff, v31  }
0x166: {  	v41 =	vld.idx.msk [tilespmem:v25+s14+$0x880 ss:$0x1], $0xffff;
	[tilespmem:v26+s19+$0x260 ss:$0x1] =	vst.idx.msk $0xffff, v30  }
0x167: {  	v30 =	vld.idx.msk [tilespmem:v25+s12+$0x8F0 ss:$0x1], $0xffff  }
0x168: {  	v31 =	vld.idx.msk [tilespmem:v25+s12+$0x78F0 ss:$0x1], $0xffff  }
0x169: {  	v42 =	vld.idx.msk [tilespmem:v25+s14+$0x7880 ss:$0x1], $0xffff;
	_ =	sdelay $0x3  }
0x16a: {  	v43 =	vmul.f32 v30, v23;
	v35 =	vmul.f32 v31, v24  }
0x16b: {  	v36 =	vmul.f32 v41, v23;
	v37 =	vmul.f32 v42, v24  }
0x16c: {  	v34 =	vadd.f32 v35, v43  }
0x16d: {  	v44 =	vadd.f32 v37, v36  }
0x16e: {  	v34 =	vadd.f32 $1.000000000e+00, v34  }
0x16f: {  	v35 =	vadd.f32 $1.000000000e+00, v44  }
0x170: {  	(erf) = vrcp.f32 v34  }
0x171: {  	(erf) = vrcp.f32 v35;
	_ =	sdelay $0x2  }
0x172: {  	v45 =	vmul.f32 v41, v17  }
0x173: {  	v46 =	vmul.f32 v42, v18;
	v32 =	vmul.f32 v41, v20  }
0x174: {  	v33 =	vmul.f32 v42, v21  }
0x175: {  	v34 =	vadd.f32 v46, v45  }
0x176: {  	v33 =	vadd.f32 v33, v32  }
0x177: {  	v34 =	vadd.f32 v34, v19;
	v32 =	vpop (erf)  }
0x178: {  	v33 =	vadd.f32 v33, v22;
	v47 =	vpop (erf)  }
0x179: {  	s10 =	sshll.u32 s13, $0xA;
	v34 =	vmul.f32 v47, v34  }
0x17a: {  	s20 =	sand.u32 $0x3FFFFC00, s10;
	v33 =	vmul.f32 v47, v33  }
0x17b: {  	[tilespmem:v26+s20+$0x0 ss:$0x1] =	vst.idx.msk $0xffff, v34  }
0x17c: {  	[tilespmem:v26+s20+$0x200 ss:$0x1] =	vst.idx.msk $0xffff, v33  }
0x17d: {  	v33 =	vld.idx.msk [tilespmem:v25+s14+$0x890 ss:$0x1], $0xffff  }
0x17e: {  	v34 =	vld.idx.msk [tilespmem:v25+s14+$0x7890 ss:$0x1], $0xffff;
	_ =	sdelay $0x4  }
0x17f: {  	v48 =	vmul.f32 v33, v23;
	v49 =	vmul.f32 v34, v24;
	_ =	sdelay $0x1  }
0x180: {  	v35 =	vadd.f32 v49, v48;
	_ =	sdelay $0x1  }
0x181: {  	v35 =	vadd.f32 $1.000000000e+00, v35;
	_ =	sdelay $0x1  }
0x182: {  	(erf) = vrcp.f32 v35;
	_ =	sdelay $0x3  }
0x183: {  	v50 =	vmul.f32 v33, v17;
	v51 =	vmul.f32 v34, v18  }
0x184: {  	v33 =	vmul.f32 v33, v20;
	v34 =	vmul.f32 v34, v21  }
0x185: {  	v35 =	vadd.f32 v51, v50  }
0x186: {  	v33 =	vadd.f32 v34, v33  }
0x187: {  	v52 =	vadd.f32 v35, v19  }
0x188: {  	v33 =	vadd.f32 v33, v22;
	v53 =	vpop (erf)  }
0x189: {  	v34 =	vmul.f32 v53, v52  }
0x18a: {  	v33 =	vmul.f32 v53, v33  }
0x18b: {  	[tilespmem:v26+s20+$0x10 ss:$0x1] =	vst.idx.msk $0xffff, v34  }
0x18c: {  	[tilespmem:v26+s20+$0x210 ss:$0x1] =	vst.idx.msk $0xffff, v33  }
0x18d: {  	v33 =	vld.idx.msk [tilespmem:v25+s14+$0x8A0 ss:$0x1], $0xffff  }
0x18e: {  	v34 =	vld.idx.msk [tilespmem:v25+s14+$0x78A0 ss:$0x1], $0xffff;
	_ =	sdelay $0x4  }
0x18f: {  	v54 =	vmul.f32 v33, v23;
	v55 =	vmul.f32 v34, v24;
	_ =	sdelay $0x1  }
0x190: {  	v35 =	vadd.f32 v55, v54;
	_ =	sdelay $0x1  }
0x191: {  	v35 =	vadd.f32 $1.000000000e+00, v35;
	_ =	sdelay $0x1  }
0x192: {  	(erf) = vrcp.f32 v35;
	_ =	sdelay $0x3  }
0x193: {  	v56 =	vmul.f32 v33, v17;
	v57 =	vmul.f32 v34, v18  }
0x194: {  	v33 =	vmul.f32 v33, v20;
	v34 =	vmul.f32 v34, v21  }
0x195: {  	v35 =	vadd.f32 v57, v56  }
0x196: {  	v33 =	vadd.f32 v34, v33  }
0x197: {  	v58 =	vadd.f32 v35, v19  }
0x198: {  	v33 =	vadd.f32 v33, v22;
	v59 =	vpop (erf)  }
0x199: {  	v34 =	vmul.f32 v59, v58  }
0x19a: {  	v33 =	vmul.f32 v59, v33  }
0x19b: {  	[tilespmem:v26+s20+$0x20 ss:$0x1] =	vst.idx.msk $0xffff, v34  }
0x19c: {  	[tilespmem:v26+s20+$0x220 ss:$0x1] =	vst.idx.msk $0xffff, v33  }
0x19d: {  	v33 =	vld.idx.msk [tilespmem:v25+s14+$0x8B0 ss:$0x1], $0xffff  }
0x19e: {  	v34 =	vld.idx.msk [tilespmem:v25+s14+$0x78B0 ss:$0x1], $0xffff;
	_ =	sdelay $0x4  }
0x19f: {  	v60 =	vmul.f32 v33, v23;
	v61 =	vmul.f32 v34, v24;
	_ =	sdelay $0x1  }
0x1a0: {  	v35 =	vadd.f32 v61, v60;
	_ =	sdelay $0x1  }
0x1a1: {  	v35 =	vadd.f32 $1.000000000e+00, v35;
	_ =	sdelay $0x1  }
0x1a2: {  	(erf) = vrcp.f32 v35;
	_ =	sdelay $0x3  }
0x1a3: {  	v62 =	vmul.f32 v33, v17;
	v63 =	vmul.f32 v34, v18  }
0x1a4: {  	v33 =	vmul.f32 v33, v20;
	v34 =	vmul.f32 v34, v21  }
0x1a5: {  	v35 =	vadd.f32 v63, v62  }
0x1a6: {  	v33 =	vadd.f32 v34, v33  }
0x1a7: {  	v39 =	vadd.f32 v35, v19  }
0x1a8: {  	v33 =	vadd.f32 v33, v22;
	v40 =	vpop (erf)  }
0x1a9: {  	v34 =	vmul.f32 v40, v39  }
0x1aa: {  	v33 =	vmul.f32 v40, v33  }
0x1ab: {  	[tilespmem:v26+s20+$0x30 ss:$0x1] =	vst.idx.msk $0xffff, v34  }
0x1ac: {  	[tilespmem:v26+s20+$0x230 ss:$0x1] =	vst.idx.msk $0xffff, v33  }
0x1ad: {  	v33 =	vld.idx.msk [tilespmem:v25+s14+$0x8C0 ss:$0x1], $0xffff  }
0x1ae: {  	v34 =	vld.idx.msk [tilespmem:v25+s14+$0x78C0 ss:$0x1], $0xffff;
	_ =	sdelay $0x4  }
0x1af: {  	v41 =	vmul.f32 v33, v23;
	v42 =	vmul.f32 v34, v24;
	_ =	sdelay $0x1  }
0x1b0: {  	v35 =	vadd.f32 v42, v41;
	_ =	sdelay $0x1  }
0x1b1: {  	v35 =	vadd.f32 $1.000000000e+00, v35;
	_ =	sdelay $0x1  }
0x1b2: {  	(erf) = vrcp.f32 v35;
	_ =	sdelay $0x3  }
0x1b3: {  	v43 =	vmul.f32 v33, v17;
	v44 =	vmul.f32 v34, v18  }
0x1b4: {  	v33 =	vmul.f32 v33, v20;
	v34 =	vmul.f32 v34, v21  }
0x1b5: {  	v35 =	vadd.f32 v44, v43  }
0x1b6: {  	v33 =	vadd.f32 v34, v33  }
0x1b7: {  	v45 =	vadd.f32 v35, v19  }
0x1b8: {  	v33 =	vadd.f32 v33, v22;
	v46 =	vpop (erf)  }
0x1b9: {  	v34 =	vmul.f32 v46, v45  }
0x1ba: {  	v33 =	vmul.f32 v46, v33  }
0x1bb: {  	[tilespmem:v26+s20+$0x40 ss:$0x1] =	vst.idx.msk $0xffff, v34  }
0x1bc: {  	[tilespmem:v26+s20+$0x240 ss:$0x1] =	vst.idx.msk $0xffff, v33  }
0x1bd: {  	v33 =	vld.idx.msk [tilespmem:v25+s14+$0x8D0 ss:$0x1], $0xffff  }
0x1be: {  	v34 =	vld.idx.msk [tilespmem:v25+s14+$0x78D0 ss:$0x1], $0xffff;
	_ =	sdelay $0x4  }
0x1bf: {  	v47 =	vmul.f32 v33, v23;
	v48 =	vmul.f32 v34, v24;
	_ =	sdelay $0x1  }
0x1c0: {  	v35 =	vadd.f32 v48, v47;
	_ =	sdelay $0x1  }
0x1c1: {  	v35 =	vadd.f32 $1.000000000e+00, v35;
	_ =	sdelay $0x1  }
0x1c2: {  	(erf) = vrcp.f32 v35;
	_ =	sdelay $0x3  }
0x1c3: {  	v49 =	vmul.f32 v33, v17;
	v50 =	vmul.f32 v34, v18  }
0x1c4: {  	v33 =	vmul.f32 v33, v20;
	v34 =	vmul.f32 v34, v21  }
0x1c5: {  	v35 =	vadd.f32 v50, v49  }
0x1c6: {  	v33 =	vadd.f32 v34, v33  }
0x1c7: {  	v51 =	vadd.f32 v35, v19  }
0x1c8: {  	v33 =	vadd.f32 v33, v22;
	v52 =	vpop (erf)  }
0x1c9: {  	v34 =	vmul.f32 v52, v51  }
0x1ca: {  	v33 =	vmul.f32 v52, v33  }
0x1cb: {  	[tilespmem:v26+s20+$0x50 ss:$0x1] =	vst.idx.msk $0xffff, v34  }
0x1cc: {  	[tilespmem:v26+s20+$0x250 ss:$0x1] =	vst.idx.msk $0xffff, v33  }
0x1cd: {  	v33 =	vld.idx.msk [tilespmem:v25+s14+$0x8E0 ss:$0x1], $0xffff  }
0x1ce: {  	v34 =	vld.idx.msk [tilespmem:v25+s14+$0x78E0 ss:$0x1], $0xffff;
	_ =	sdelay $0x4  }
0x1cf: {  	v53 =	vmul.f32 v33, v23;
	v54 =	vmul.f32 v34, v24;
	_ =	sdelay $0x1  }
0x1d0: {  	v35 =	vadd.f32 v54, v53;
	_ =	sdelay $0x1  }
0x1d1: {  	v35 =	vadd.f32 $1.000000000e+00, v35;
	_ =	sdelay $0x1  }
0x1d2: {  	(erf) = vrcp.f32 v35;
	_ =	sdelay $0x3  }
0x1d3: {  	v55 =	vmul.f32 v33, v17;
	v56 =	vmul.f32 v34, v18  }
0x1d4: {  	v33 =	vmul.f32 v33, v20;
	v34 =	vmul.f32 v34, v21  }
0x1d5: {  	v35 =	vadd.f32 v56, v55  }
0x1d6: {  	v33 =	vadd.f32 v34, v33  }
0x1d7: {  	v57 =	vadd.f32 v35, v19  }
0x1d8: {  	v33 =	vadd.f32 v33, v22;
	v58 =	vpop (erf)  }
0x1d9: {  	v34 =	vmul.f32 v58, v57  }
0x1da: {  	s22 =	sor.u32 $0x3, s17;
	v33 =	vmul.f32 v58, v33  }
0x1db: {  	s23 =	sshll.u32 s22, $0x7;
	[tilespmem:v26+s20+$0x60 ss:$0x1] =	vst.idx.msk $0xffff, v34  }
0x1dc: {  	v59 =	vld.idx.msk [tilespmem:v25+s23+$0x880 ss:$0x1], $0xffff;
	[tilespmem:v26+s20+$0x260 ss:$0x1] =	vst.idx.msk $0xffff, v33  }
0x1dd: {  	v34 =	vld.idx.msk [tilespmem:v25+s14+$0x8F0 ss:$0x1], $0xffff  }
0x1de: {  	v35 =	vld.idx.msk [tilespmem:v25+s14+$0x78F0 ss:$0x1], $0xffff  }
0x1df: {  	v60 =	vld.idx.msk [tilespmem:v25+s23+$0x7880 ss:$0x1], $0xffff;
	_ =	sdelay $0x3  }
0x1e0: {  	v61 =	vmul.f32 v34, v23;
	v38 =	vmul.f32 v35, v24  }
0x1e1: {  	v39 =	vmul.f32 v59, v23;
	v40 =	vmul.f32 v60, v24  }
0x1e2: {  	v37 =	vadd.f32 v38, v61  }
0x1e3: {  	v62 =	vadd.f32 v40, v39  }
0x1e4: {  	v37 =	vadd.f32 $1.000000000e+00, v37  }
0x1e5: {  	v38 =	vadd.f32 $1.000000000e+00, v62  }
0x1e6: {  	(erf) = vrcp.f32 v37  }
0x1e7: {  	(erf) = vrcp.f32 v38;
	_ =	sdelay $0x2  }
0x1e8: {  	v63 =	vmul.f32 v59, v17  }
0x1e9: {  	v40 =	vmul.f32 v60, v18;
	v33 =	vmul.f32 v59, v20  }
0x1ea: {  	v36 =	vmul.f32 v60, v21  }
0x1eb: {  	v37 =	vadd.f32 v40, v63  }
0x1ec: {  	v36 =	vadd.f32 v36, v33  }
0x1ed: {  	v37 =	vadd.f32 v37, v19;
	v33 =	vpop (erf)  }
0x1ee: {  	v36 =	vadd.f32 v36, v22;
	v41 =	vpop (erf)  }
0x1ef: {  	s10 =	sshll.u32 s22, $0xA;
	v37 =	vmul.f32 v41, v37  }
0x1f0: {  	s22 =	sand.u32 $0x3FFFFC00, s10;
	v36 =	vmul.f32 v41, v36  }
0x1f1: {  	[tilespmem:v26+s22+$0x0 ss:$0x1] =	vst.idx.msk $0xffff, v37  }
0x1f2: {  	[tilespmem:v26+s22+$0x200 ss:$0x1] =	vst.idx.msk $0xffff, v36  }
0x1f3: {  	v36 =	vld.idx.msk [tilespmem:v25+s23+$0x890 ss:$0x1], $0xffff  }
0x1f4: {  	v37 =	vld.idx.msk [tilespmem:v25+s23+$0x7890 ss:$0x1], $0xffff;
	_ =	sdelay $0x4  }
0x1f5: {  	v42 =	vmul.f32 v36, v23;
	v43 =	vmul.f32 v37, v24;
	_ =	sdelay $0x1  }
0x1f6: {  	v38 =	vadd.f32 v43, v42;
	_ =	sdelay $0x1  }
0x1f7: {  	v38 =	vadd.f32 $1.000000000e+00, v38;
	_ =	sdelay $0x1  }
0x1f8: {  	(erf) = vrcp.f32 v38;
	_ =	sdelay $0x3  }
0x1f9: {  	v44 =	vmul.f32 v36, v17;
	v45 =	vmul.f32 v37, v18  }
0x1fa: {  	v36 =	vmul.f32 v36, v20;
	v37 =	vmul.f32 v37, v21  }
0x1fb: {  	v38 =	vadd.f32 v45, v44  }
0x1fc: {  	v36 =	vadd.f32 v37, v36  }
0x1fd: {  	v46 =	vadd.f32 v38, v19  }
0x1fe: {  	v36 =	vadd.f32 v36, v22;
	v47 =	vpop (erf)  }
0x1ff: {  	v37 =	vmul.f32 v47, v46  }
0x200: {  	v36 =	vmul.f32 v47, v36  }
0x201: {  	[tilespmem:v26+s22+$0x10 ss:$0x1] =	vst.idx.msk $0xffff, v37  }
0x202: {  	[tilespmem:v26+s22+$0x210 ss:$0x1] =	vst.idx.msk $0xffff, v36  }
0x203: {  	v36 =	vld.idx.msk [tilespmem:v25+s23+$0x8A0 ss:$0x1], $0xffff  }
0x204: {  	v37 =	vld.idx.msk [tilespmem:v25+s23+$0x78A0 ss:$0x1], $0xffff;
	_ =	sdelay $0x4  }
0x205: {  	v48 =	vmul.f32 v36, v23;
	v49 =	vmul.f32 v37, v24;
	_ =	sdelay $0x1  }
0x206: {  	v38 =	vadd.f32 v49, v48;
	_ =	sdelay $0x1  }
0x207: {  	v38 =	vadd.f32 $1.000000000e+00, v38;
	_ =	sdelay $0x1  }
0x208: {  	(erf) = vrcp.f32 v38;
	_ =	sdelay $0x3  }
0x209: {  	v50 =	vmul.f32 v36, v17;
	v51 =	vmul.f32 v37, v18  }
0x20a: {  	v36 =	vmul.f32 v36, v20;
	v37 =	vmul.f32 v37, v21  }
0x20b: {  	v38 =	vadd.f32 v51, v50  }
0x20c: {  	v36 =	vadd.f32 v37, v36  }
0x20d: {  	v52 =	vadd.f32 v38, v19  }
0x20e: {  	v36 =	vadd.f32 v36, v22;
	v53 =	vpop (erf)  }
0x20f: {  	v37 =	vmul.f32 v53, v52  }
0x210: {  	v36 =	vmul.f32 v53, v36  }
0x211: {  	[tilespmem:v26+s22+$0x20 ss:$0x1] =	vst.idx.msk $0xffff, v37  }
0x212: {  	[tilespmem:v26+s22+$0x220 ss:$0x1] =	vst.idx.msk $0xffff, v36  }
0x213: {  	v36 =	vld.idx.msk [tilespmem:v25+s23+$0x8B0 ss:$0x1], $0xffff  }
0x214: {  	v37 =	vld.idx.msk [tilespmem:v25+s23+$0x78B0 ss:$0x1], $0xffff;
	_ =	sdelay $0x4  }
0x215: {  	v54 =	vmul.f32 v36, v23;
	v55 =	vmul.f32 v37, v24;
	_ =	sdelay $0x1  }
0x216: {  	v38 =	vadd.f32 v55, v54;
	_ =	sdelay $0x1  }
0x217: {  	v38 =	vadd.f32 $1.000000000e+00, v38;
	_ =	sdelay $0x1  }
0x218: {  	(erf) = vrcp.f32 v38;
	_ =	sdelay $0x3  }
0x219: {  	v56 =	vmul.f32 v36, v17;
	v57 =	vmul.f32 v37, v18  }
0x21a: {  	v36 =	vmul.f32 v36, v20;
	v37 =	vmul.f32 v37, v21  }
0x21b: {  	v38 =	vadd.f32 v57, v56  }
0x21c: {  	v36 =	vadd.f32 v37, v36  }
0x21d: {  	v58 =	vadd.f32 v38, v19  }
0x21e: {  	v36 =	vadd.f32 v36, v22;
	v59 =	vpop (erf)  }
0x21f: {  	v37 =	vmul.f32 v59, v58  }
0x220: {  	v36 =	vmul.f32 v59, v36  }
0x221: {  	[tilespmem:v26+s22+$0x30 ss:$0x1] =	vst.idx.msk $0xffff, v37  }
0x222: {  	[tilespmem:v26+s22+$0x230 ss:$0x1] =	vst.idx.msk $0xffff, v36  }
0x223: {  	v36 =	vld.idx.msk [tilespmem:v25+s23+$0x8C0 ss:$0x1], $0xffff  }
0x224: {  	v37 =	vld.idx.msk [tilespmem:v25+s23+$0x78C0 ss:$0x1], $0xffff;
	_ =	sdelay $0x4  }
0x225: {  	v60 =	vmul.f32 v36, v23;
	v61 =	vmul.f32 v37, v24;
	_ =	sdelay $0x1  }
0x226: {  	v38 =	vadd.f32 v61, v60;
	_ =	sdelay $0x1  }
0x227: {  	v38 =	vadd.f32 $1.000000000e+00, v38;
	_ =	sdelay $0x1  }
0x228: {  	(erf) = vrcp.f32 v38;
	_ =	sdelay $0x3  }
0x229: {  	v62 =	vmul.f32 v36, v17;
	v63 =	vmul.f32 v37, v18  }
0x22a: {  	v36 =	vmul.f32 v36, v20;
	v37 =	vmul.f32 v37, v21  }
0x22b: {  	v38 =	vadd.f32 v63, v62  }
0x22c: {  	v36 =	vadd.f32 v37, v36  }
0x22d: {  	v40 =	vadd.f32 v38, v19  }
0x22e: {  	v36 =	vadd.f32 v36, v22;
	v41 =	vpop (erf)  }
0x22f: {  	v37 =	vmul.f32 v41, v40  }
0x230: {  	v36 =	vmul.f32 v41, v36  }
0x231: {  	[tilespmem:v26+s22+$0x40 ss:$0x1] =	vst.idx.msk $0xffff, v37  }
0x232: {  	[tilespmem:v26+s22+$0x240 ss:$0x1] =	vst.idx.msk $0xffff, v36  }
0x233: {  	v36 =	vld.idx.msk [tilespmem:v25+s23+$0x8D0 ss:$0x1], $0xffff  }
0x234: {  	v37 =	vld.idx.msk [tilespmem:v25+s23+$0x78D0 ss:$0x1], $0xffff;
	_ =	sdelay $0x4  }
0x235: {  	v42 =	vmul.f32 v36, v23;
	v43 =	vmul.f32 v37, v24;
	_ =	sdelay $0x1  }
0x236: {  	v38 =	vadd.f32 v43, v42;
	_ =	sdelay $0x1  }
0x237: {  	v38 =	vadd.f32 $1.000000000e+00, v38;
	_ =	sdelay $0x1  }
0x238: {  	(erf) = vrcp.f32 v38;
	_ =	sdelay $0x3  }
0x239: {  	v44 =	vmul.f32 v36, v17;
	v45 =	vmul.f32 v37, v18  }
0x23a: {  	v36 =	vmul.f32 v36, v20;
	v37 =	vmul.f32 v37, v21  }
0x23b: {  	v38 =	vadd.f32 v45, v44  }
0x23c: {  	v36 =	vadd.f32 v37, v36  }
0x23d: {  	v46 =	vadd.f32 v38, v19  }
0x23e: {  	v36 =	vadd.f32 v36, v22;
	v47 =	vpop (erf)  }
0x23f: {  	v37 =	vmul.f32 v47, v46  }
0x240: {  	v36 =	vmul.f32 v47, v36  }
0x241: {  	[tilespmem:v26+s22+$0x50 ss:$0x1] =	vst.idx.msk $0xffff, v37  }
0x242: {  	[tilespmem:v26+s22+$0x250 ss:$0x1] =	vst.idx.msk $0xffff, v36  }
0x243: {  	v36 =	vld.idx.msk [tilespmem:v25+s23+$0x8E0 ss:$0x1], $0xffff  }
0x244: {  	v37 =	vld.idx.msk [tilespmem:v25+s23+$0x78E0 ss:$0x1], $0xffff;
	_ =	sdelay $0x4  }
0x245: {  	v48 =	vmul.f32 v36, v23;
	v49 =	vmul.f32 v37, v24;
	_ =	sdelay $0x1  }
0x246: {  	v38 =	vadd.f32 v49, v48;
	_ =	sdelay $0x1  }
0x247: {  	v38 =	vadd.f32 $1.000000000e+00, v38;
	_ =	sdelay $0x1  }
0x248: {  	(erf) = vrcp.f32 v38;
	_ =	sdelay $0x3  }
0x249: {  	v50 =	vmul.f32 v36, v17;
	v51 =	vmul.f32 v37, v18  }
0x24a: {  	v36 =	vmul.f32 v36, v20;
	v37 =	vmul.f32 v37, v21  }
0x24b: {  	v38 =	vadd.f32 v51, v50  }
0x24c: {  	v36 =	vadd.f32 v37, v36  }
0x24d: {  	v52 =	vadd.f32 v38, v19  }
0x24e: {  	v36 =	vadd.f32 v36, v22;
	v53 =	vpop (erf)  }
0x24f: {  	v37 =	vmul.f32 v53, v52  }
0x250: {  	s12 =	sor.u32 $0x4, s17;
	v36 =	vmul.f32 v53, v36  }
0x251: {  	s13 =	sshll.u32 s12, $0x7;
	[tilespmem:v26+s22+$0x60 ss:$0x1] =	vst.idx.msk $0xffff, v37  }
0x252: {  	v54 =	vld.idx.msk [tilespmem:v25+s13+$0x880 ss:$0x1], $0xffff;
	[tilespmem:v26+s22+$0x260 ss:$0x1] =	vst.idx.msk $0xffff, v36  }
0x253: {  	v37 =	vld.idx.msk [tilespmem:v25+s23+$0x8F0 ss:$0x1], $0xffff  }
0x254: {  	v38 =	vld.idx.msk [tilespmem:v25+s23+$0x78F0 ss:$0x1], $0xffff  }
0x255: {  	v55 =	vld.idx.msk [tilespmem:v25+s13+$0x7880 ss:$0x1], $0xffff;
	_ =	sdelay $0x3  }
0x256: {  	v56 =	vmul.f32 v37, v23;
	v41 =	vmul.f32 v38, v24  }
0x257: {  	v42 =	vmul.f32 v54, v23;
	v43 =	vmul.f32 v55, v24  }
0x258: {  	v40 =	vadd.f32 v41, v56  }
0x259: {  	v57 =	vadd.f32 v43, v42  }
0x25a: {  	v40 =	vadd.f32 $1.000000000e+00, v40  }
0x25b: {  	v41 =	vadd.f32 $1.000000000e+00, v57  }
0x25c: {  	(erf) = vrcp.f32 v40  }
0x25d: {  	(erf) = vrcp.f32 v41;
	_ =	sdelay $0x2  }
0x25e: {  	v58 =	vmul.f32 v54, v17  }
0x25f: {  	v59 =	vmul.f32 v55, v18;
	v36 =	vmul.f32 v54, v20  }
0x260: {  	v39 =	vmul.f32 v55, v21  }
0x261: {  	v40 =	vadd.f32 v59, v58  }
0x262: {  	v39 =	vadd.f32 v39, v36  }
0x263: {  	v40 =	vadd.f32 v40, v19;
	v36 =	vpop (erf)  }
0x264: {  	v39 =	vadd.f32 v39, v22;
	v60 =	vpop (erf)  }
0x265: {  	s10 =	sshll.u32 s12, $0xA;
	v40 =	vmul.f32 v60, v40  }
0x266: {  	s23 =	sand.u32 $0x3FFFFC00, s10;
	v39 =	vmul.f32 v60, v39  }
0x267: {  	[tilespmem:v26+s23+$0x0 ss:$0x1] =	vst.idx.msk $0xffff, v40  }
0x268: {  	[tilespmem:v26+s23+$0x200 ss:$0x1] =	vst.idx.msk $0xffff, v39  }
0x269: {  	v39 =	vld.idx.msk [tilespmem:v25+s13+$0x890 ss:$0x1], $0xffff  }
0x26a: {  	v40 =	vld.idx.msk [tilespmem:v25+s13+$0x7890 ss:$0x1], $0xffff;
	_ =	sdelay $0x4  }
0x26b: {  	v61 =	vmul.f32 v39, v23;
	v62 =	vmul.f32 v40, v24;
	_ =	sdelay $0x1  }
0x26c: {  	v41 =	vadd.f32 v62, v61;
	_ =	sdelay $0x1  }
0x26d: {  	v41 =	vadd.f32 $1.000000000e+00, v41;
	_ =	sdelay $0x1  }
0x26e: {  	(erf) = vrcp.f32 v41;
	_ =	sdelay $0x3  }
0x26f: {  	v63 =	vmul.f32 v39, v17;
	v45 =	vmul.f32 v40, v18  }
0x270: {  	v39 =	vmul.f32 v39, v20;
	v40 =	vmul.f32 v40, v21  }
0x271: {  	v41 =	vadd.f32 v45, v63  }
0x272: {  	v39 =	vadd.f32 v40, v39  }
0x273: {  	v46 =	vadd.f32 v41, v19  }
0x274: {  	v39 =	vadd.f32 v39, v22;
	v47 =	vpop (erf)  }
0x275: {  	v40 =	vmul.f32 v47, v46  }
0x276: {  	v39 =	vmul.f32 v47, v39  }
0x277: {  	[tilespmem:v26+s23+$0x10 ss:$0x1] =	vst.idx.msk $0xffff, v40  }
0x278: {  	[tilespmem:v26+s23+$0x210 ss:$0x1] =	vst.idx.msk $0xffff, v39  }
0x279: {  	v39 =	vld.idx.msk [tilespmem:v25+s13+$0x8A0 ss:$0x1], $0xffff  }
0x27a: {  	v40 =	vld.idx.msk [tilespmem:v25+s13+$0x78A0 ss:$0x1], $0xffff;
	_ =	sdelay $0x4  }
0x27b: {  	v48 =	vmul.f32 v39, v23;
	v49 =	vmul.f32 v40, v24;
	_ =	sdelay $0x1  }
0x27c: {  	v41 =	vadd.f32 v49, v48;
	_ =	sdelay $0x1  }
0x27d: {  	v41 =	vadd.f32 $1.000000000e+00, v41;
	_ =	sdelay $0x1  }
0x27e: {  	(erf) = vrcp.f32 v41;
	_ =	sdelay $0x3  }
0x27f: {  	v50 =	vmul.f32 v39, v17;
	v51 =	vmul.f32 v40, v18  }
0x280: {  	v39 =	vmul.f32 v39, v20;
	v40 =	vmul.f32 v40, v21  }
0x281: {  	v41 =	vadd.f32 v51, v50  }
0x282: {  	v39 =	vadd.f32 v40, v39  }
0x283: {  	v52 =	vadd.f32 v41, v19  }
0x284: {  	v39 =	vadd.f32 v39, v22;
	v53 =	vpop (erf)  }
0x285: {  	v40 =	vmul.f32 v53, v52  }
0x286: {  	v39 =	vmul.f32 v53, v39  }
0x287: {  	[tilespmem:v26+s23+$0x20 ss:$0x1] =	vst.idx.msk $0xffff, v40  }
0x288: {  	[tilespmem:v26+s23+$0x220 ss:$0x1] =	vst.idx.msk $0xffff, v39  }
0x289: {  	v39 =	vld.idx.msk [tilespmem:v25+s13+$0x8B0 ss:$0x1], $0xffff  }
0x28a: {  	v40 =	vld.idx.msk [tilespmem:v25+s13+$0x78B0 ss:$0x1], $0xffff;
	_ =	sdelay $0x4  }
0x28b: {  	v54 =	vmul.f32 v39, v23;
	v55 =	vmul.f32 v40, v24;
	_ =	sdelay $0x1  }
0x28c: {  	v41 =	vadd.f32 v55, v54;
	_ =	sdelay $0x1  }
0x28d: {  	v41 =	vadd.f32 $1.000000000e+00, v41;
	_ =	sdelay $0x1  }
0x28e: {  	(erf) = vrcp.f32 v41;
	_ =	sdelay $0x3  }
0x28f: {  	v56 =	vmul.f32 v39, v17;
	v57 =	vmul.f32 v40, v18  }
0x290: {  	v39 =	vmul.f32 v39, v20;
	v40 =	vmul.f32 v40, v21  }
0x291: {  	v41 =	vadd.f32 v57, v56  }
0x292: {  	v39 =	vadd.f32 v40, v39  }
0x293: {  	v58 =	vadd.f32 v41, v19  }
0x294: {  	v39 =	vadd.f32 v39, v22;
	v59 =	vpop (erf)  }
0x295: {  	v40 =	vmul.f32 v59, v58  }
0x296: {  	v39 =	vmul.f32 v59, v39  }
0x297: {  	[tilespmem:v26+s23+$0x30 ss:$0x1] =	vst.idx.msk $0xffff, v40  }
0x298: {  	[tilespmem:v26+s23+$0x230 ss:$0x1] =	vst.idx.msk $0xffff, v39  }
0x299: {  	v39 =	vld.idx.msk [tilespmem:v25+s13+$0x8C0 ss:$0x1], $0xffff  }
0x29a: {  	v40 =	vld.idx.msk [tilespmem:v25+s13+$0x78C0 ss:$0x1], $0xffff;
	_ =	sdelay $0x4  }
0x29b: {  	v60 =	vmul.f32 v39, v23;
	v61 =	vmul.f32 v40, v24;
	_ =	sdelay $0x1  }
0x29c: {  	v41 =	vadd.f32 v61, v60;
	_ =	sdelay $0x1  }
0x29d: {  	v41 =	vadd.f32 $1.000000000e+00, v41;
	_ =	sdelay $0x1  }
0x29e: {  	(erf) = vrcp.f32 v41;
	_ =	sdelay $0x3  }
0x29f: {  	v62 =	vmul.f32 v39, v17;
	v63 =	vmul.f32 v40, v18  }
0x2a0: {  	v39 =	vmul.f32 v39, v20;
	v40 =	vmul.f32 v40, v21  }
0x2a1: {  	v41 =	vadd.f32 v63, v62  }
0x2a2: {  	v39 =	vadd.f32 v40, v39  }
0x2a3: {  	v44 =	vadd.f32 v41, v19  }
0x2a4: {  	v39 =	vadd.f32 v39, v22;
	v45 =	vpop (erf)  }
0x2a5: {  	v40 =	vmul.f32 v45, v44  }
0x2a6: {  	v39 =	vmul.f32 v45, v39  }
0x2a7: {  	[tilespmem:v26+s23+$0x40 ss:$0x1] =	vst.idx.msk $0xffff, v40  }
0x2a8: {  	[tilespmem:v26+s23+$0x240 ss:$0x1] =	vst.idx.msk $0xffff, v39  }
0x2a9: {  	v39 =	vld.idx.msk [tilespmem:v25+s13+$0x8D0 ss:$0x1], $0xffff  }
0x2aa: {  	v40 =	vld.idx.msk [tilespmem:v25+s13+$0x78D0 ss:$0x1], $0xffff;
	_ =	sdelay $0x4  }
0x2ab: {  	v46 =	vmul.f32 v39, v23;
	v47 =	vmul.f32 v40, v24;
	_ =	sdelay $0x1  }
0x2ac: {  	v41 =	vadd.f32 v47, v46;
	_ =	sdelay $0x1  }
0x2ad: {  	v41 =	vadd.f32 $1.000000000e+00, v41;
	_ =	sdelay $0x1  }
0x2ae: {  	(erf) = vrcp.f32 v41;
	_ =	sdelay $0x3  }
0x2af: {  	v48 =	vmul.f32 v39, v17;
	v49 =	vmul.f32 v40, v18  }
0x2b0: {  	v39 =	vmul.f32 v39, v20;
	v40 =	vmul.f32 v40, v21  }
0x2b1: {  	v41 =	vadd.f32 v49, v48  }
0x2b2: {  	v39 =	vadd.f32 v40, v39  }
0x2b3: {  	v50 =	vadd.f32 v41, v19  }
0x2b4: {  	v39 =	vadd.f32 v39, v22;
	v51 =	vpop (erf)  }
0x2b5: {  	v40 =	vmul.f32 v51, v50  }
0x2b6: {  	v39 =	vmul.f32 v51, v39  }
0x2b7: {  	[tilespmem:v26+s23+$0x50 ss:$0x1] =	vst.idx.msk $0xffff, v40  }
0x2b8: {  	[tilespmem:v26+s23+$0x250 ss:$0x1] =	vst.idx.msk $0xffff, v39  }
0x2b9: {  	v39 =	vld.idx.msk [tilespmem:v25+s13+$0x8E0 ss:$0x1], $0xffff  }
0x2ba: {  	v40 =	vld.idx.msk [tilespmem:v25+s13+$0x78E0 ss:$0x1], $0xffff;
	_ =	sdelay $0x4  }
0x2bb: {  	v52 =	vmul.f32 v39, v23;
	v53 =	vmul.f32 v40, v24;
	_ =	sdelay $0x1  }
0x2bc: {  	v41 =	vadd.f32 v53, v52;
	_ =	sdelay $0x1  }
0x2bd: {  	v41 =	vadd.f32 $1.000000000e+00, v41;
	_ =	sdelay $0x1  }
0x2be: {  	(erf) = vrcp.f32 v41;
	_ =	sdelay $0x3  }
0x2bf: {  	v54 =	vmul.f32 v39, v17;
	v55 =	vmul.f32 v40, v18  }
0x2c0: {  	v39 =	vmul.f32 v39, v20;
	v40 =	vmul.f32 v40, v21  }
0x2c1: {  	v41 =	vadd.f32 v55, v54  }
0x2c2: {  	v39 =	vadd.f32 v40, v39  }
0x2c3: {  	v56 =	vadd.f32 v41, v19  }
0x2c4: {  	v39 =	vadd.f32 v39, v22;
	v57 =	vpop (erf)  }
0x2c5: {  	v40 =	vmul.f32 v57, v56  }
0x2c6: {  	s12 =	sor.u32 $0x5, s17;
	v39 =	vmul.f32 v57, v39  }
0x2c7: {  	s14 =	sshll.u32 s12, $0x7;
	[tilespmem:v26+s23+$0x60 ss:$0x1] =	vst.idx.msk $0xffff, v40  }
0x2c8: {  	v58 =	vld.idx.msk [tilespmem:v25+s14+$0x880 ss:$0x1], $0xffff;
	[tilespmem:v26+s23+$0x260 ss:$0x1] =	vst.idx.msk $0xffff, v39  }
0x2c9: {  	v39 =	vld.idx.msk [tilespmem:v25+s13+$0x8F0 ss:$0x1], $0xffff  }
0x2ca: {  	v40 =	vld.idx.msk [tilespmem:v25+s13+$0x78F0 ss:$0x1], $0xffff  }
0x2cb: {  	v59 =	vld.idx.msk [tilespmem:v25+s14+$0x7880 ss:$0x1], $0xffff;
	_ =	sdelay $0x3  }
0x2cc: {  	v60 =	vmul.f32 v39, v23;
	v44 =	vmul.f32 v40, v24  }
0x2cd: {  	v45 =	vmul.f32 v58, v23;
	v46 =	vmul.f32 v59, v24  }
0x2ce: {  	v43 =	vadd.f32 v44, v60  }
0x2cf: {  	v61 =	vadd.f32 v46, v45  }
0x2d0: {  	v43 =	vadd.f32 $1.000000000e+00, v43  }
0x2d1: {  	v44 =	vadd.f32 $1.000000000e+00, v61  }
0x2d2: {  	(erf) = vrcp.f32 v43  }
0x2d3: {  	(erf) = vrcp.f32 v44;
	_ =	sdelay $0x2  }
0x2d4: {  	v62 =	vmul.f32 v58, v17  }
0x2d5: {  	v63 =	vmul.f32 v59, v18;
	v41 =	vmul.f32 v58, v20  }
0x2d6: {  	v42 =	vmul.f32 v59, v21  }
0x2d7: {  	v43 =	vadd.f32 v63, v62  }
0x2d8: {  	v42 =	vadd.f32 v42, v41  }
0x2d9: {  	v43 =	vadd.f32 v43, v19;
	v41 =	vpop (erf)  }
0x2da: {  	v42 =	vadd.f32 v42, v22;
	v48 =	vpop (erf)  }
0x2db: {  	s12 =	sshll.u32 s12, $0xA;
	v43 =	vmul.f32 v48, v43  }
0x2dc: {  	s1 =	sand.u32 $0x3FFFFC00, s12;
	v42 =	vmul.f32 v48, v42  }
0x2dd: {  	[tilespmem:v26+s1+$0x0 ss:$0x1] =	vst.idx.msk $0xffff, v43  }
0x2de: {  	[tilespmem:v26+s1+$0x200 ss:$0x1] =	vst.idx.msk $0xffff, v42  }
0x2df: {  	v42 =	vld.idx.msk [tilespmem:v25+s14+$0x890 ss:$0x1], $0xffff  }
0x2e0: {  	v43 =	vld.idx.msk [tilespmem:v25+s14+$0x7890 ss:$0x1], $0xffff;
	_ =	sdelay $0x4  }
0x2e1: {  	v49 =	vmul.f32 v42, v23;
	v50 =	vmul.f32 v43, v24;
	_ =	sdelay $0x1  }
0x2e2: {  	v44 =	vadd.f32 v50, v49;
	_ =	sdelay $0x1  }
0x2e3: {  	v44 =	vadd.f32 $1.000000000e+00, v44;
	_ =	sdelay $0x1  }
0x2e4: {  	(erf) = vrcp.f32 v44;
	_ =	sdelay $0x3  }
0x2e5: {  	v51 =	vmul.f32 v42, v17;
	v52 =	vmul.f32 v43, v18  }
0x2e6: {  	v42 =	vmul.f32 v42, v20;
	v43 =	vmul.f32 v43, v21  }
0x2e7: {  	v44 =	vadd.f32 v52, v51  }
0x2e8: {  	v42 =	vadd.f32 v43, v42  }
0x2e9: {  	v53 =	vadd.f32 v44, v19  }
0x2ea: {  	v42 =	vadd.f32 v42, v22;
	v54 =	vpop (erf)  }
0x2eb: {  	v43 =	vmul.f32 v54, v53  }
0x2ec: {  	v42 =	vmul.f32 v54, v42  }
0x2ed: {  	[tilespmem:v26+s1+$0x10 ss:$0x1] =	vst.idx.msk $0xffff, v43  }
0x2ee: {  	[tilespmem:v26+s1+$0x210 ss:$0x1] =	vst.idx.msk $0xffff, v42  }
0x2ef: {  	v42 =	vld.idx.msk [tilespmem:v25+s14+$0x8A0 ss:$0x1], $0xffff  }
0x2f0: {  	v43 =	vld.idx.msk [tilespmem:v25+s14+$0x78A0 ss:$0x1], $0xffff;
	_ =	sdelay $0x4  }
0x2f1: {  	v55 =	vmul.f32 v42, v23;
	v56 =	vmul.f32 v43, v24;
	_ =	sdelay $0x1  }
0x2f2: {  	v44 =	vadd.f32 v56, v55;
	_ =	sdelay $0x1  }
0x2f3: {  	v44 =	vadd.f32 $1.000000000e+00, v44;
	_ =	sdelay $0x1  }
0x2f4: {  	(erf) = vrcp.f32 v44;
	_ =	sdelay $0x3  }
0x2f5: {  	v57 =	vmul.f32 v42, v17;
	v58 =	vmul.f32 v43, v18  }
0x2f6: {  	v42 =	vmul.f32 v42, v20;
	v43 =	vmul.f32 v43, v21  }
0x2f7: {  	v44 =	vadd.f32 v58, v57  }
0x2f8: {  	v42 =	vadd.f32 v43, v42  }
0x2f9: {  	v59 =	vadd.f32 v44, v19  }
0x2fa: {  	v42 =	vadd.f32 v42, v22;
	v60 =	vpop (erf)  }
0x2fb: {  	v43 =	vmul.f32 v60, v59  }
0x2fc: {  	v42 =	vmul.f32 v60, v42  }
0x2fd: {  	[tilespmem:v26+s1+$0x20 ss:$0x1] =	vst.idx.msk $0xffff, v43  }
0x2fe: {  	[tilespmem:v26+s1+$0x220 ss:$0x1] =	vst.idx.msk $0xffff, v42  }
0x2ff: {  	v42 =	vld.idx.msk [tilespmem:v25+s14+$0x8B0 ss:$0x1], $0xffff  }
0x300: {  	v43 =	vld.idx.msk [tilespmem:v25+s14+$0x78B0 ss:$0x1], $0xffff;
	_ =	sdelay $0x4  }
0x301: {  	v61 =	vmul.f32 v42, v23;
	v62 =	vmul.f32 v43, v24;
	_ =	sdelay $0x1  }
0x302: {  	v44 =	vadd.f32 v62, v61;
	_ =	sdelay $0x1  }
0x303: {  	v44 =	vadd.f32 $1.000000000e+00, v44;
	_ =	sdelay $0x1  }
0x304: {  	(erf) = vrcp.f32 v44;
	_ =	sdelay $0x3  }
0x305: {  	v63 =	vmul.f32 v42, v17;
	v48 =	vmul.f32 v43, v18  }
0x306: {  	v42 =	vmul.f32 v42, v20;
	v43 =	vmul.f32 v43, v21  }
0x307: {  	v44 =	vadd.f32 v48, v63  }
0x308: {  	v42 =	vadd.f32 v43, v42  }
0x309: {  	v49 =	vadd.f32 v44, v19  }
0x30a: {  	v42 =	vadd.f32 v42, v22;
	v50 =	vpop (erf)  }
0x30b: {  	v43 =	vmul.f32 v50, v49  }
0x30c: {  	v42 =	vmul.f32 v50, v42  }
0x30d: {  	[tilespmem:v26+s1+$0x30 ss:$0x1] =	vst.idx.msk $0xffff, v43  }
0x30e: {  	[tilespmem:v26+s1+$0x230 ss:$0x1] =	vst.idx.msk $0xffff, v42  }
0x30f: {  	v42 =	vld.idx.msk [tilespmem:v25+s14+$0x8C0 ss:$0x1], $0xffff  }
0x310: {  	v43 =	vld.idx.msk [tilespmem:v25+s14+$0x78C0 ss:$0x1], $0xffff;
	_ =	sdelay $0x4  }
0x311: {  	v51 =	vmul.f32 v42, v23;
	v52 =	vmul.f32 v43, v24;
	_ =	sdelay $0x1  }
0x312: {  	v44 =	vadd.f32 v52, v51;
	_ =	sdelay $0x1  }
0x313: {  	v44 =	vadd.f32 $1.000000000e+00, v44;
	_ =	sdelay $0x1  }
0x314: {  	(erf) = vrcp.f32 v44;
	_ =	sdelay $0x3  }
0x315: {  	v53 =	vmul.f32 v42, v17;
	v54 =	vmul.f32 v43, v18  }
0x316: {  	v42 =	vmul.f32 v42, v20;
	v43 =	vmul.f32 v43, v21  }
0x317: {  	v44 =	vadd.f32 v54, v53  }
0x318: {  	v42 =	vadd.f32 v43, v42  }
0x319: {  	v55 =	vadd.f32 v44, v19  }
0x31a: {  	v42 =	vadd.f32 v42, v22;
	v56 =	vpop (erf)  }
0x31b: {  	v43 =	vmul.f32 v56, v55  }
0x31c: {  	v42 =	vmul.f32 v56, v42  }
0x31d: {  	[tilespmem:v26+s1+$0x40 ss:$0x1] =	vst.idx.msk $0xffff, v43  }
0x31e: {  	[tilespmem:v26+s1+$0x240 ss:$0x1] =	vst.idx.msk $0xffff, v42  }
0x31f: {  	v42 =	vld.idx.msk [tilespmem:v25+s14+$0x8D0 ss:$0x1], $0xffff  }
0x320: {  	v43 =	vld.idx.msk [tilespmem:v25+s14+$0x78D0 ss:$0x1], $0xffff;
	_ =	sdelay $0x4  }
0x321: {  	v57 =	vmul.f32 v42, v23;
	v58 =	vmul.f32 v43, v24;
	_ =	sdelay $0x1  }
0x322: {  	v44 =	vadd.f32 v58, v57;
	_ =	sdelay $0x1  }
0x323: {  	v44 =	vadd.f32 $1.000000000e+00, v44;
	_ =	sdelay $0x1  }
0x324: {  	(erf) = vrcp.f32 v44;
	_ =	sdelay $0x3  }
0x325: {  	v59 =	vmul.f32 v42, v17;
	v60 =	vmul.f32 v43, v18  }
0x326: {  	v42 =	vmul.f32 v42, v20;
	v43 =	vmul.f32 v43, v21  }
0x327: {  	v44 =	vadd.f32 v60, v59  }
0x328: {  	v42 =	vadd.f32 v43, v42  }
0x329: {  	v61 =	vadd.f32 v44, v19  }
0x32a: {  	v42 =	vadd.f32 v42, v22;
	v62 =	vpop (erf)  }
0x32b: {  	v43 =	vmul.f32 v62, v61  }
0x32c: {  	v42 =	vmul.f32 v62, v42  }
0x32d: {  	[tilespmem:v26+s1+$0x50 ss:$0x1] =	vst.idx.msk $0xffff, v43  }
0x32e: {  	[tilespmem:v26+s1+$0x250 ss:$0x1] =	vst.idx.msk $0xffff, v42  }
0x32f: {  	v42 =	vld.idx.msk [tilespmem:v25+s14+$0x8E0 ss:$0x1], $0xffff  }
0x330: {  	v43 =	vld.idx.msk [tilespmem:v25+s14+$0x78E0 ss:$0x1], $0xffff;
	_ =	sdelay $0x4  }
0x331: {  	v63 =	vmul.f32 v42, v23;
	v48 =	vmul.f32 v43, v24;
	_ =	sdelay $0x1  }
0x332: {  	v44 =	vadd.f32 v48, v63;
	_ =	sdelay $0x1  }
0x333: {  	v44 =	vadd.f32 $1.000000000e+00, v44;
	_ =	sdelay $0x1  }
0x334: {  	(erf) = vrcp.f32 v44;
	_ =	sdelay $0x3  }
0x335: {  	v49 =	vmul.f32 v42, v17;
	v50 =	vmul.f32 v43, v18  }
0x336: {  	v42 =	vmul.f32 v42, v20;
	v43 =	vmul.f32 v43, v21  }
0x337: {  	v44 =	vadd.f32 v50, v49  }
0x338: {  	v42 =	vadd.f32 v43, v42  }
0x339: {  	v51 =	vadd.f32 v44, v19  }
0x33a: {  	v42 =	vadd.f32 v42, v22;
	v52 =	vpop (erf)  }
0x33b: {  	v43 =	vmul.f32 v52, v51  }
0x33c: {  	s13 =	sor.u32 $0x6, s17;
	v42 =	vmul.f32 v52, v42  }
0x33d: {  	s12 =	sshll.u32 s13, $0x7;
	[tilespmem:v26+s1+$0x60 ss:$0x1] =	vst.idx.msk $0xffff, v43  }
0x33e: {  	v53 =	vld.idx.msk [tilespmem:v25+s12+$0x880 ss:$0x1], $0xffff;
	[tilespmem:v26+s1+$0x260 ss:$0x1] =	vst.idx.msk $0xffff, v42  }
0x33f: {  	v42 =	vld.idx.msk [tilespmem:v25+s14+$0x8F0 ss:$0x1], $0xffff  }
0x340: {  	v43 =	vld.idx.msk [tilespmem:v25+s14+$0x78F0 ss:$0x1], $0xffff  }
0x341: {  	v54 =	vld.idx.msk [tilespmem:v25+s12+$0x7880 ss:$0x1], $0xffff;
	_ =	sdelay $0x3  }
0x342: {  	v55 =	vmul.f32 v42, v23;
	v47 =	vmul.f32 v43, v24  }
0x343: {  	v48 =	vmul.f32 v53, v23;
	v49 =	vmul.f32 v54, v24  }
0x344: {  	v46 =	vadd.f32 v47, v55  }
0x345: {  	v56 =	vadd.f32 v49, v48  }
0x346: {  	v46 =	vadd.f32 $1.000000000e+00, v46  }
0x347: {  	v47 =	vadd.f32 $1.000000000e+00, v56  }
0x348: {  	(erf) = vrcp.f32 v46  }
0x349: {  	(erf) = vrcp.f32 v47;
	_ =	sdelay $0x2  }
0x34a: {  	v57 =	vmul.f32 v53, v17  }
0x34b: {  	v58 =	vmul.f32 v54, v18;
	v44 =	vmul.f32 v53, v20  }
0x34c: {  	v45 =	vmul.f32 v54, v21  }
0x34d: {  	v46 =	vadd.f32 v58, v57  }
0x34e: {  	v45 =	vadd.f32 v45, v44  }
0x34f: {  	v46 =	vadd.f32 v46, v19;
	v44 =	vpop (erf)  }
0x350: {  	v45 =	vadd.f32 v45, v22;
	v59 =	vpop (erf)  }
0x351: {  	s13 =	sshll.u32 s13, $0xA;
	v46 =	vmul.f32 v59, v46  }
0x352: {  	s10 =	sand.u32 $0x3FFFFC00, s13;
	v45 =	vmul.f32 v59, v45  }
0x353: {  	[tilespmem:v26+s10+$0x0 ss:$0x1] =	vst.idx.msk $0xffff, v46  }
0x354: {  	[tilespmem:v26+s10+$0x200 ss:$0x1] =	vst.idx.msk $0xffff, v45  }
0x355: {  	v45 =	vld.idx.msk [tilespmem:v25+s12+$0x890 ss:$0x1], $0xffff  }
0x356: {  	v46 =	vld.idx.msk [tilespmem:v25+s12+$0x7890 ss:$0x1], $0xffff;
	_ =	sdelay $0x4  }
0x357: {  	v60 =	vmul.f32 v45, v23;
	v61 =	vmul.f32 v46, v24;
	_ =	sdelay $0x1  }
0x358: {  	v47 =	vadd.f32 v61, v60;
	_ =	sdelay $0x1  }
0x359: {  	v47 =	vadd.f32 $1.000000000e+00, v47;
	_ =	sdelay $0x1  }
0x35a: {  	(erf) = vrcp.f32 v47;
	_ =	sdelay $0x3  }
0x35b: {  	v62 =	vmul.f32 v45, v17;
	v63 =	vmul.f32 v46, v18  }
0x35c: {  	v45 =	vmul.f32 v45, v20;
	v46 =	vmul.f32 v46, v21  }
0x35d: {  	v47 =	vadd.f32 v63, v62  }
0x35e: {  	v45 =	vadd.f32 v46, v45  }
0x35f: {  	v52 =	vadd.f32 v47, v19  }
0x360: {  	v45 =	vadd.f32 v45, v22;
	v53 =	vpop (erf)  }
0x361: {  	v46 =	vmul.f32 v53, v52  }
0x362: {  	v45 =	vmul.f32 v53, v45  }
0x363: {  	[tilespmem:v26+s10+$0x10 ss:$0x1] =	vst.idx.msk $0xffff, v46  }
0x364: {  	[tilespmem:v26+s10+$0x210 ss:$0x1] =	vst.idx.msk $0xffff, v45  }
0x365: {  	v45 =	vld.idx.msk [tilespmem:v25+s12+$0x8A0 ss:$0x1], $0xffff  }
0x366: {  	v46 =	vld.idx.msk [tilespmem:v25+s12+$0x78A0 ss:$0x1], $0xffff;
	_ =	sdelay $0x4  }
0x367: {  	v54 =	vmul.f32 v45, v23;
	v55 =	vmul.f32 v46, v24;
	_ =	sdelay $0x1  }
0x368: {  	v47 =	vadd.f32 v55, v54;
	_ =	sdelay $0x1  }
0x369: {  	v47 =	vadd.f32 $1.000000000e+00, v47;
	_ =	sdelay $0x1  }
0x36a: {  	(erf) = vrcp.f32 v47;
	_ =	sdelay $0x3  }
0x36b: {  	v56 =	vmul.f32 v45, v17;
	v57 =	vmul.f32 v46, v18  }
0x36c: {  	v45 =	vmul.f32 v45, v20;
	v46 =	vmul.f32 v46, v21  }
0x36d: {  	v47 =	vadd.f32 v57, v56  }
0x36e: {  	v45 =	vadd.f32 v46, v45  }
0x36f: {  	v58 =	vadd.f32 v47, v19  }
0x370: {  	v45 =	vadd.f32 v45, v22;
	v59 =	vpop (erf)  }
0x371: {  	v46 =	vmul.f32 v59, v58  }
0x372: {  	v45 =	vmul.f32 v59, v45  }
0x373: {  	[tilespmem:v26+s10+$0x20 ss:$0x1] =	vst.idx.msk $0xffff, v46  }
0x374: {  	[tilespmem:v26+s10+$0x220 ss:$0x1] =	vst.idx.msk $0xffff, v45  }
0x375: {  	v45 =	vld.idx.msk [tilespmem:v25+s12+$0x8B0 ss:$0x1], $0xffff  }
0x376: {  	v46 =	vld.idx.msk [tilespmem:v25+s12+$0x78B0 ss:$0x1], $0xffff;
	_ =	sdelay $0x4  }
0x377: {  	v60 =	vmul.f32 v45, v23;
	v61 =	vmul.f32 v46, v24;
	_ =	sdelay $0x1  }
0x378: {  	v47 =	vadd.f32 v61, v60;
	_ =	sdelay $0x1  }
0x379: {  	v47 =	vadd.f32 $1.000000000e+00, v47;
	_ =	sdelay $0x1  }
0x37a: {  	(erf) = vrcp.f32 v47;
	_ =	sdelay $0x3  }
0x37b: {  	v62 =	vmul.f32 v45, v17;
	v63 =	vmul.f32 v46, v18  }
0x37c: {  	v45 =	vmul.f32 v45, v20;
	v46 =	vmul.f32 v46, v21  }
0x37d: {  	v47 =	vadd.f32 v63, v62  }
0x37e: {  	v45 =	vadd.f32 v46, v45  }
0x37f: {  	v52 =	vadd.f32 v47, v19  }
0x380: {  	v45 =	vadd.f32 v45, v22;
	v53 =	vpop (erf)  }
0x381: {  	v46 =	vmul.f32 v53, v52  }
0x382: {  	v45 =	vmul.f32 v53, v45  }
0x383: {  	[tilespmem:v26+s10+$0x30 ss:$0x1] =	vst.idx.msk $0xffff, v46  }
0x384: {  	[tilespmem:v26+s10+$0x230 ss:$0x1] =	vst.idx.msk $0xffff, v45  }
0x385: {  	v45 =	vld.idx.msk [tilespmem:v25+s12+$0x8C0 ss:$0x1], $0xffff  }
0x386: {  	v46 =	vld.idx.msk [tilespmem:v25+s12+$0x78C0 ss:$0x1], $0xffff;
	_ =	sdelay $0x4  }
0x387: {  	v54 =	vmul.f32 v45, v23;
	v55 =	vmul.f32 v46, v24;
	_ =	sdelay $0x1  }
0x388: {  	v47 =	vadd.f32 v55, v54;
	_ =	sdelay $0x1  }
0x389: {  	v47 =	vadd.f32 $1.000000000e+00, v47;
	_ =	sdelay $0x1  }
0x38a: {  	(erf) = vrcp.f32 v47;
	_ =	sdelay $0x3  }
0x38b: {  	v56 =	vmul.f32 v45, v17;
	v57 =	vmul.f32 v46, v18  }
0x38c: {  	v45 =	vmul.f32 v45, v20;
	v46 =	vmul.f32 v46, v21  }
0x38d: {  	v47 =	vadd.f32 v57, v56  }
0x38e: {  	v45 =	vadd.f32 v46, v45  }
0x38f: {  	v58 =	vadd.f32 v47, v19  }
0x390: {  	v45 =	vadd.f32 v45, v22;
	v59 =	vpop (erf)  }
0x391: {  	v46 =	vmul.f32 v59, v58  }
0x392: {  	v45 =	vmul.f32 v59, v45  }
0x393: {  	[tilespmem:v26+s10+$0x40 ss:$0x1] =	vst.idx.msk $0xffff, v46  }
0x394: {  	[tilespmem:v26+s10+$0x240 ss:$0x1] =	vst.idx.msk $0xffff, v45  }
0x395: {  	v45 =	vld.idx.msk [tilespmem:v25+s12+$0x8D0 ss:$0x1], $0xffff  }
0x396: {  	v46 =	vld.idx.msk [tilespmem:v25+s12+$0x78D0 ss:$0x1], $0xffff;
	_ =	sdelay $0x4  }
0x397: {  	v60 =	vmul.f32 v45, v23;
	v61 =	vmul.f32 v46, v24;
	_ =	sdelay $0x1  }
0x398: {  	v47 =	vadd.f32 v61, v60;
	_ =	sdelay $0x1  }
0x399: {  	v47 =	vadd.f32 $1.000000000e+00, v47;
	_ =	sdelay $0x1  }
0x39a: {  	(erf) = vrcp.f32 v47;
	_ =	sdelay $0x3  }
0x39b: {  	v62 =	vmul.f32 v45, v17;
	v63 =	vmul.f32 v46, v18  }
0x39c: {  	v45 =	vmul.f32 v45, v20;
	v46 =	vmul.f32 v46, v21  }
0x39d: {  	v47 =	vadd.f32 v63, v62  }
0x39e: {  	v45 =	vadd.f32 v46, v45  }
0x39f: {  	v51 =	vadd.f32 v47, v19  }
0x3a0: {  	v45 =	vadd.f32 v45, v22;
	v52 =	vpop (erf)  }
0x3a1: {  	v46 =	vmul.f32 v52, v51  }
0x3a2: {  	v45 =	vmul.f32 v52, v45  }
0x3a3: {  	[tilespmem:v26+s10+$0x50 ss:$0x1] =	vst.idx.msk $0xffff, v46  }
0x3a4: {  	[tilespmem:v26+s10+$0x250 ss:$0x1] =	vst.idx.msk $0xffff, v45  }
0x3a5: {  	v45 =	vld.idx.msk [tilespmem:v25+s12+$0x8E0 ss:$0x1], $0xffff  }
0x3a6: {  	v46 =	vld.idx.msk [tilespmem:v25+s12+$0x78E0 ss:$0x1], $0xffff;
	_ =	sdelay $0x4  }
0x3a7: {  	v53 =	vmul.f32 v45, v23;
	v54 =	vmul.f32 v46, v24;
	_ =	sdelay $0x1  }
0x3a8: {  	v47 =	vadd.f32 v54, v53;
	_ =	sdelay $0x1  }
0x3a9: {  	v47 =	vadd.f32 $1.000000000e+00, v47;
	_ =	sdelay $0x1  }
0x3aa: {  	(erf) = vrcp.f32 v47;
	_ =	sdelay $0x3  }
0x3ab: {  	v55 =	vmul.f32 v45, v17;
	v56 =	vmul.f32 v46, v18  }
0x3ac: {  	v45 =	vmul.f32 v45, v20;
	v46 =	vmul.f32 v46, v21  }
0x3ad: {  	v47 =	vadd.f32 v56, v55  }
0x3ae: {  	v45 =	vadd.f32 v46, v45  }
0x3af: {  	v57 =	vadd.f32 v47, v19  }
0x3b0: {  	v45 =	vadd.f32 v45, v22;
	v58 =	vpop (erf)  }
0x3b1: {  	v46 =	vmul.f32 v58, v57  }
0x3b2: {  	s14 =	sor.u32 $0x7, s17;
	v45 =	vmul.f32 v58, v45  }
0x3b3: {  	s13 =	sshll.u32 s14, $0x7;
	[tilespmem:v26+s10+$0x60 ss:$0x1] =	vst.idx.msk $0xffff, v46  }
0x3b4: {  	v59 =	vld.idx.msk [tilespmem:v25+s13+$0x880 ss:$0x1], $0xffff;
	[tilespmem:v26+s10+$0x260 ss:$0x1] =	vst.idx.msk $0xffff, v45  }
0x3b5: {  	v45 =	vld.idx.msk [tilespmem:v25+s12+$0x8F0 ss:$0x1], $0xffff  }
0x3b6: {  	v46 =	vld.idx.msk [tilespmem:v25+s12+$0x78F0 ss:$0x1], $0xffff  }
0x3b7: {  	v60 =	vld.idx.msk [tilespmem:v25+s13+$0x7880 ss:$0x1], $0xffff;
	_ =	sdelay $0x3  }
0x3b8: {  	v61 =	vmul.f32 v45, v23;
	v50 =	vmul.f32 v46, v24  }
0x3b9: {  	v51 =	vmul.f32 v59, v23;
	v52 =	vmul.f32 v60, v24  }
0x3ba: {  	v49 =	vadd.f32 v50, v61  }
0x3bb: {  	v62 =	vadd.f32 v52, v51  }
0x3bc: {  	v49 =	vadd.f32 $1.000000000e+00, v49  }
0x3bd: {  	v50 =	vadd.f32 $1.000000000e+00, v62  }
0x3be: {  	(erf) = vrcp.f32 v49  }
0x3bf: {  	(erf) = vrcp.f32 v50;
	_ =	sdelay $0x2  }
0x3c0: {  	v63 =	vmul.f32 v59, v17  }
0x3c1: {  	v52 =	vmul.f32 v60, v18;
	v47 =	vmul.f32 v59, v20  }
0x3c2: {  	v48 =	vmul.f32 v60, v21  }
0x3c3: {  	v49 =	vadd.f32 v52, v63  }
0x3c4: {  	v48 =	vadd.f32 v48, v47  }
0x3c5: {  	v49 =	vadd.f32 v49, v19;
	v47 =	vpop (erf)  }
0x3c6: {  	v48 =	vadd.f32 v48, v22;
	v53 =	vpop (erf)  }
0x3c7: {  	s14 =	sshll.u32 s14, $0xA;
	v49 =	vmul.f32 v53, v49  }
0x3c8: {  	s12 =	sand.u32 $0x3FFFFC00, s14;
	v48 =	vmul.f32 v53, v48  }
0x3c9: {  	[tilespmem:v26+s12+$0x0 ss:$0x1] =	vst.idx.msk $0xffff, v49  }
0x3ca: {  	[tilespmem:v26+s12+$0x200 ss:$0x1] =	vst.idx.msk $0xffff, v48  }
0x3cb: {  	v48 =	vld.idx.msk [tilespmem:v25+s13+$0x890 ss:$0x1], $0xffff  }
0x3cc: {  	v49 =	vld.idx.msk [tilespmem:v25+s13+$0x7890 ss:$0x1], $0xffff;
	_ =	sdelay $0x4  }
0x3cd: {  	v54 =	vmul.f32 v48, v23;
	v55 =	vmul.f32 v49, v24;
	_ =	sdelay $0x1  }
0x3ce: {  	v50 =	vadd.f32 v55, v54;
	_ =	sdelay $0x1  }
0x3cf: {  	v50 =	vadd.f32 $1.000000000e+00, v50;
	_ =	sdelay $0x1  }
0x3d0: {  	(erf) = vrcp.f32 v50;
	_ =	sdelay $0x3  }
0x3d1: {  	v56 =	vmul.f32 v48, v17;
	v57 =	vmul.f32 v49, v18  }
0x3d2: {  	v48 =	vmul.f32 v48, v20;
	v49 =	vmul.f32 v49, v21  }
0x3d3: {  	v50 =	vadd.f32 v57, v56  }
0x3d4: {  	v48 =	vadd.f32 v49, v48  }
0x3d5: {  	v58 =	vadd.f32 v50, v19  }
0x3d6: {  	v48 =	vadd.f32 v48, v22;
	v59 =	vpop (erf)  }
0x3d7: {  	v49 =	vmul.f32 v59, v58  }
0x3d8: {  	v48 =	vmul.f32 v59, v48  }
0x3d9: {  	[tilespmem:v26+s12+$0x10 ss:$0x1] =	vst.idx.msk $0xffff, v49  }
0x3da: {  	[tilespmem:v26+s12+$0x210 ss:$0x1] =	vst.idx.msk $0xffff, v48  }
0x3db: {  	v48 =	vld.idx.msk [tilespmem:v25+s13+$0x8A0 ss:$0x1], $0xffff  }
0x3dc: {  	v49 =	vld.idx.msk [tilespmem:v25+s13+$0x78A0 ss:$0x1], $0xffff;
	_ =	sdelay $0x4  }
0x3dd: {  	v60 =	vmul.f32 v48, v23;
	v61 =	vmul.f32 v49, v24;
	_ =	sdelay $0x1  }
0x3de: {  	v50 =	vadd.f32 v61, v60;
	_ =	sdelay $0x1  }
0x3df: {  	v50 =	vadd.f32 $1.000000000e+00, v50;
	_ =	sdelay $0x1  }
0x3e0: {  	(erf) = vrcp.f32 v50;
	_ =	sdelay $0x3  }
0x3e1: {  	v62 =	vmul.f32 v48, v17;
	v63 =	vmul.f32 v49, v18  }
0x3e2: {  	v48 =	vmul.f32 v48, v20;
	v49 =	vmul.f32 v49, v21  }
0x3e3: {  	v50 =	vadd.f32 v63, v62  }
0x3e4: {  	v48 =	vadd.f32 v49, v48  }
0x3e5: {  	v52 =	vadd.f32 v50, v19  }
0x3e6: {  	v48 =	vadd.f32 v48, v22;
	v53 =	vpop (erf)  }
0x3e7: {  	v49 =	vmul.f32 v53, v52  }
0x3e8: {  	v48 =	vmul.f32 v53, v48  }
0x3e9: {  	[tilespmem:v26+s12+$0x20 ss:$0x1] =	vst.idx.msk $0xffff, v49  }
0x3ea: {  	[tilespmem:v26+s12+$0x220 ss:$0x1] =	vst.idx.msk $0xffff, v48  }
0x3eb: {  	v48 =	vld.idx.msk [tilespmem:v25+s13+$0x8B0 ss:$0x1], $0xffff  }
0x3ec: {  	v49 =	vld.idx.msk [tilespmem:v25+s13+$0x78B0 ss:$0x1], $0xffff;
	_ =	sdelay $0x4  }
0x3ed: {  	v54 =	vmul.f32 v48, v23;
	v55 =	vmul.f32 v49, v24;
	_ =	sdelay $0x1  }
0x3ee: {  	v50 =	vadd.f32 v55, v54;
	_ =	sdelay $0x1  }
0x3ef: {  	v50 =	vadd.f32 $1.000000000e+00, v50;
	_ =	sdelay $0x1  }
0x3f0: {  	(erf) = vrcp.f32 v50;
	_ =	sdelay $0x3  }
0x3f1: {  	v56 =	vmul.f32 v48, v17;
	v57 =	vmul.f32 v49, v18  }
0x3f2: {  	v48 =	vmul.f32 v48, v20;
	v49 =	vmul.f32 v49, v21  }
0x3f3: {  	v50 =	vadd.f32 v57, v56  }
0x3f4: {  	v48 =	vadd.f32 v49, v48  }
0x3f5: {  	v58 =	vadd.f32 v50, v19  }
0x3f6: {  	v48 =	vadd.f32 v48, v22;
	v59 =	vpop (erf)  }
0x3f7: {  	v49 =	vmul.f32 v59, v58  }
0x3f8: {  	v48 =	vmul.f32 v59, v48  }
0x3f9: {  	[tilespmem:v26+s12+$0x30 ss:$0x1] =	vst.idx.msk $0xffff, v49  }
0x3fa: {  	[tilespmem:v26+s12+$0x230 ss:$0x1] =	vst.idx.msk $0xffff, v48  }
0x3fb: {  	v48 =	vld.idx.msk [tilespmem:v25+s13+$0x8C0 ss:$0x1], $0xffff  }
0x3fc: {  	v49 =	vld.idx.msk [tilespmem:v25+s13+$0x78C0 ss:$0x1], $0xffff;
	_ =	sdelay $0x4  }
0x3fd: {  	v60 =	vmul.f32 v48, v23;
	v61 =	vmul.f32 v49, v24;
	_ =	sdelay $0x1  }
0x3fe: {  	v50 =	vadd.f32 v61, v60;
	_ =	sdelay $0x1  }
0x3ff: {  	v50 =	vadd.f32 $1.000000000e+00, v50;
	_ =	sdelay $0x1  }
0x400: {  	(erf) = vrcp.f32 v50;
	_ =	sdelay $0x3  }
0x401: {  	v62 =	vmul.f32 v48, v17;
	v63 =	vmul.f32 v49, v18  }
0x402: {  	v48 =	vmul.f32 v48, v20;
	v49 =	vmul.f32 v49, v21  }
0x403: {  	v50 =	vadd.f32 v63, v62  }
0x404: {  	v48 =	vadd.f32 v49, v48  }
0x405: {  	v53 =	vadd.f32 v50, v19  }
0x406: {  	v48 =	vadd.f32 v48, v22;
	v54 =	vpop (erf)  }
0x407: {  	v49 =	vmul.f32 v54, v53  }
0x408: {  	v48 =	vmul.f32 v54, v48  }
0x409: {  	[tilespmem:v26+s12+$0x40 ss:$0x1] =	vst.idx.msk $0xffff, v49  }
0x40a: {  	[tilespmem:v26+s12+$0x240 ss:$0x1] =	vst.idx.msk $0xffff, v48  }
0x40b: {  	v48 =	vld.idx.msk [tilespmem:v25+s13+$0x8D0 ss:$0x1], $0xffff  }
0x40c: {  	v49 =	vld.idx.msk [tilespmem:v25+s13+$0x78D0 ss:$0x1], $0xffff;
	_ =	sdelay $0x4  }
0x40d: {  	v55 =	vmul.f32 v48, v23;
	v56 =	vmul.f32 v49, v24;
	_ =	sdelay $0x1  }
0x40e: {  	v50 =	vadd.f32 v56, v55;
	_ =	sdelay $0x1  }
0x40f: {  	v50 =	vadd.f32 $1.000000000e+00, v50;
	_ =	sdelay $0x1  }
0x410: {  	(erf) = vrcp.f32 v50;
	_ =	sdelay $0x3  }
0x411: {  	v57 =	vmul.f32 v48, v17;
	v58 =	vmul.f32 v49, v18  }
0x412: {  	v48 =	vmul.f32 v48, v20;
	v49 =	vmul.f32 v49, v21  }
0x413: {  	v50 =	vadd.f32 v58, v57  }
0x414: {  	v48 =	vadd.f32 v49, v48  }
0x415: {  	v59 =	vadd.f32 v50, v19  }
0x416: {  	v48 =	vadd.f32 v48, v22;
	v60 =	vpop (erf)  }
0x417: {  	v49 =	vmul.f32 v60, v59  }
0x418: {  	v48 =	vmul.f32 v60, v48  }
0x419: {  	[tilespmem:v26+s12+$0x50 ss:$0x1] =	vst.idx.msk $0xffff, v49  }
0x41a: {  	[tilespmem:v26+s12+$0x250 ss:$0x1] =	vst.idx.msk $0xffff, v48  }
0x41b: {  	v48 =	vld.idx.msk [tilespmem:v25+s13+$0x8E0 ss:$0x1], $0xffff  }
0x41c: {  	v49 =	vld.idx.msk [tilespmem:v25+s13+$0x78E0 ss:$0x1], $0xffff;
	_ =	sdelay $0x4  }
0x41d: {  	v61 =	vmul.f32 v48, v23;
	v62 =	vmul.f32 v49, v24  }
0x41e: {  	v63 =	vmul.f32 v27, v17;
	v27 =	vmul.f32 v27, v20  }
0x41f: {  	v53 =	vmul.f32 v28, v18;
	v28 =	vmul.f32 v28, v21;
	v50 =	vadd.f32 v62, v61;
	_ =	sdelay $0x1  }
0x420: {  	v27 =	vadd.f32 v28, v27;
	v57 =	vadd.f32 $1.000000000e+00, v50;
	_ =	sdelay $0x1  }
0x421: {  	v27 =	vadd.f32 v27, v22;
	(erf) = vrcp.f32 v57;
	_ =	sdelay $0x1  }
0x422: {  	v51 =	vmul.f32 v37, v20;
	v27 =	vmul.f32 v29, v27  }
0x423: {  	v56 =	vadd.f32 v53, v63;
	v60 =	vmul.f32 v30, v17;
	v63 =	vmul.f32 v49, v18  }
0x424: {  	v49 =	vmul.f32 v49, v21;
	v62 =	vmul.f32 v48, v17  }
0x425: {  	v58 =	vadd.f32 v56, v19;
	v61 =	vmul.f32 v31, v18;
	v48 =	vmul.f32 v48, v20  }
0x426: {  	v30 =	vmul.f32 v30, v20;
	v31 =	vmul.f32 v31, v21;
	v53 =	vadd.f32 v63, v62  }
0x427: {  	v59 =	vmul.f32 v29, v58;
	v29 =	vadd.f32 v61, v60;
	v55 =	vadd.f32 v49, v48  }
0x428: {  	[tilespmem:v26+s18+$0x270 ss:$0x1] =	vst.idx.msk $0xffff, v27;
	v27 =	vadd.f32 v31, v30;
	v56 =	vadd.f32 v53, v19  }
0x429: {  	v52 =	vmul.f32 v38, v21;
	v54 =	vadd.f32 v29, v19;
	v29 =	vadd.f32 v55, v22;
	v58 =	vpop (erf)  }
0x42a: {  	[tilespmem:v26+s18+$0x70 ss:$0x1] =	vst.idx.msk $0xffff, v59;
	v59 =	vmul.f32 v35, v18;
	v30 =	vmul.f32 v58, v56  }
0x42b: {  	v62 =	vmul.f32 v34, v20;
	v27 =	vadd.f32 v27, v22;
	v60 =	vmul.f32 v58, v29  }
0x42c: {  	v63 =	vmul.f32 v35, v21;
	v49 =	vmul.f32 v37, v17;
	[tilespmem:v26+s12+$0x60 ss:$0x1] =	vst.idx.msk $0xffff, v30  }
0x42d: {  	v57 =	vmul.f32 v34, v17;
	v27 =	vmul.f32 v32, v27;
	[tilespmem:v26+s12+$0x260 ss:$0x1] =	vst.idx.msk $0xffff, v60  }
0x42e: {  	v50 =	vmul.f32 v38, v18;
	v53 =	vadd.f32 v52, v51;
	v55 =	vmul.f32 v40, v18;
	v34 =	vld.idx.msk [tilespmem:v25+s13+$0x8F0 ss:$0x1], $0xffff  }
0x42f: {  	v51 =	vmul.f32 v46, v18;
	v61 =	vadd.f32 v59, v57;
	[tilespmem:v26+s19+$0x270 ss:$0x1] =	vst.idx.msk $0xffff, v27;
	v27 =	vld.idx.msk [tilespmem:v25+s13+$0x78F0 ss:$0x1], $0xffff  }
0x430: {  	v52 =	vmul.f32 v45, v20;
	v28 =	vmul.f32 v32, v54  }
0x431: {  	v54 =	vmul.f32 v39, v17;
	v31 =	vadd.f32 v53, v22;
	v48 =	vadd.f32 v61, v19  }
0x432: {  	v57 =	vmul.f32 v40, v21;
	v53 =	vmul.f32 v46, v21;
	[tilespmem:v26+s19+$0x70 ss:$0x1] =	vst.idx.msk $0xffff, v28  }
0x433: {  	v37 =	vmul.f32 v36, v31;
	v28 =	vmul.f32 v33, v48;
	v29 =	vadd.f32 v50, v49  }
0x434: {  	v30 =	vadd.f32 v63, v62;
	v61 =	vmul.f32 v34, v23;
	v62 =	vmul.f32 v27, v24  }
0x435: {  	v59 =	vadd.f32 v55, v54;
	v48 =	vmul.f32 v42, v20;
	v56 =	vmul.f32 v39, v20  }
0x436: {  	v39 =	vmul.f32 v42, v17;
	v58 =	vadd.f32 v29, v19;
	v63 =	vadd.f32 v62, v61  }
0x437: {  	v49 =	vmul.f32 v43, v21;
	v60 =	vadd.f32 v57, v56;
	v29 =	vadd.f32 v59, v19  }
0x438: {  	[tilespmem:v26+s20+$0x70 ss:$0x1] =	vst.idx.msk $0xffff, v28;
	v50 =	vmul.f32 v45, v17;
	v30 =	vadd.f32 v30, v22;
	v40 =	vadd.f32 $1.000000000e+00, v63  }
0x439: {  	v28 =	vmul.f32 v36, v58;
	v32 =	vadd.f32 v60, v22;
	v29 =	vmul.f32 v41, v29  }
0x43a: {  	[tilespmem:v26+s22+$0x270 ss:$0x1] =	vst.idx.msk $0xffff, v37;
	v56 =	vadd.f32 v53, v52;
	v30 =	vmul.f32 v33, v30;
	(erf) = vrcp.f32 v40  }
0x43b: {  	[tilespmem:v26+s22+$0x70 ss:$0x1] =	vst.idx.msk $0xffff, v28;
	v38 =	vmul.f32 v41, v32;
	v41 =	vmul.f32 v43, v18  }
0x43c: {  	v55 =	vadd.f32 v51, v50;
	[tilespmem:v26+s23+$0x70 ss:$0x1] =	vst.idx.msk $0xffff, v29;
	v29 =	vadd.f32 v49, v48  }
0x43d: {  	v31 =	vadd.f32 v56, v22;
	[tilespmem:v26+s20+$0x270 ss:$0x1] =	vst.idx.msk $0xffff, v30;
	v30 =	vadd.f32 v41, v39  }
0x43e: {  	v57 =	vmul.f32 v34, v17;
	v58 =	vmul.f32 v27, v18;
	v29 =	vadd.f32 v29, v22  }
0x43f: {  	[tilespmem:v26+s23+$0x270 ss:$0x1] =	vst.idx.msk $0xffff, v38;
	v34 =	vmul.f32 v34, v20;
	v27 =	vmul.f32 v27, v21  }
0x440: {  	v54 =	vadd.f32 v30, v19;
	v32 =	vadd.f32 v58, v57;
	v29 =	vmul.f32 v44, v29  }
0x441: {  	v30 =	vadd.f32 v55, v19;
	v27 =	vadd.f32 v27, v34;
	v61 =	vmul.f32 v47, v31  }
0x442: {  	p0 =	slt.u32 s17, $0x30;
	v28 =	vmul.f32 v44, v54;
	v60 =	vadd.f32 v32, v19;
	[tilespmem:v26+s1+$0x270 ss:$0x1] =	vst.idx.msk $0xffff, v29  }
.Ltmp0:
0x443: {  	v59 =	vmul.f32 v47, v30;
	v27 =	vadd.f32 v27, v22;
	[tilespmem:v26+s10+$0x270 ss:$0x1] =	vst.idx.msk $0xffff, v61;
	v62 =	vpop (erf);
	(pc) =	sbr.rel @p0 .LBB2_3-.Ltmp0, $4  }
0x444: {  	[tilespmem:v26+s1+$0x70 ss:$0x1] =	vst.idx.msk $0xffff, v28;
	v63 =	vmul.f32 v62, v60  }
0x445: {  	[tilespmem:v26+s10+$0x70 ss:$0x1] =	vst.idx.msk $0xffff, v59;
	v27 =	vmul.f32 v62, v27  }
0x446: {  	s23 =	sadd.s32 $0x8, s17;
	[tilespmem:v26+s12+$0x70 ss:$0x1] =	vst.idx.msk $0xffff, v63  }
0x447: {  	s17 =	smov.u32 s23;
	[tilespmem:v26+s12+$0x270 ss:$0x1] =	vst.idx.msk $0xffff, v27  }
0x448: {  	s1 =	sadd.s32 s15, s2;
	s23 =	smul.u32 $0x3800, s3  }
0x449: {  	s1 =	smul.u32 $0xE000, s1;
	_ =	sdelay $0x1  }
0x44a: {  	s1 =	sadd.s32 s23, s1  }
0x44b: {  	s2 =	sshrl.u32 s1, $0x3  }
0x44c: {  	s10 =	sadd.s32 $0x200, s0;
	s2 =	sadd.s32 s5, s2  }
0x44d: {  	s1 =	sadd.s32 $0x5, s3;
	s3 =	simm.s32 $0x10;
	s12 =	sadd.s32 $0x0, s2  }
.LBB2_5:
0x44e: {  	[hbm4b:s12+s7] =	stream.linear.scatter [tilespmem:s0], [sflag:s1], $0x80, $0x38;
	[tilespmem:$0x1C880] =	vst v63  }
0x44f: {  	s12 =	smov.u32 s3;
	s0 =	smov.u32 s10;
	p0 =	sne.s32 s3, $0x6F0  }
.Ltmp1:
0x450: {  	s3 =	sadd.s32 $0x10, s3;
	(pc) =	sbr.rel @p0 .LBB2_5-.Ltmp1, $2  }
0x451: {  	_ =	sdelay $0x2  }
0x452: {  	s10 =	sadd.s32 $0x200, s10;
	s12 =	sadd.s32 s12, s2  }
0x453: {  	s31 =	sadd.s32 $0x1, s31  }
0x454: {  	p0 =	sne.s32 s31, $0x8  }
.Ltmp2:
0x455: {  	_ = 	snop;
	(pc) =	sbr.rel @p0 .LBB2_2-.Ltmp2, $3  }
0x456: {  	_ =	sdelay $0x1  }
0x457: {  	[hbm4b:s12+s7] =	stream.linear.scatter [tilespmem:s0], [sflag:s1], $0x80, $0x38;
	[tilespmem:$0x1C880] =	vst v63  }
0x458: {  	s30 =	sadd.s32 $0x1, s30  }
0x459: {  	_ =	swait.ge [sflag:s24], $0x3800  }
0x45a: {  	[sflag:s24] =	ssyncset.done $0x0  }
0x45b: {  	[sflag:s24] =	ssyncadd.s32 $0xFFFFC800  }
0x45c: {  	_ =	swait.ge [sflag:s25], $0x3800  }
0x45d: {  	[sflag:s25] =	ssyncset.done $0x0  }
0x45e: {  	s29 =	sadd.s32 $0x1, s29;
	[sflag:s25] =	ssyncadd.s32 $0xFFFFC800  }
0x45f: {  	p0 =	sne.s32 s29, s16;
	_ =	swait.ge [sflag:s26], $0x3800  }
.Ltmp3:
0x460: {  	[sflag:s26] =	ssyncset.done $0x0;
	(pc) =	sbr.rel @p0 .LBB2_1-.Ltmp3, $4  }
0x461: {  	[sflag:s26] =	ssyncadd.s32 $0xFFFFC800  }
0x462: {  	_ =	swait.ge [sflag:s28], $0x3800  }
0x463: {  	[sflag:s28] =	ssyncset.done $0x0  }
0x464: {  	[sflag:s28] =	ssyncadd.s32 $0xFFFFC800  }
0x465: {  	_ =	sfence.sel $0x180000  }
0x466: {  	[bflag:$0x0] =	sbarrier.arrive $0xFFFF  }
0x467: {  	_ =	strace $0x90000047  }
0x468: {  	s0 =	stileid.u32;
	[bflag:$0x2] =	sbarrier.arrive $0xFFFF  }
0x469: {  	p0 =	sne.s32 s0, $0x0;
	s0 =	rddreg [dreg:$0x4]  }
0x46a: {  	s0 =	sadd.s32 @!p0 $0x100000, s0  }
0x46b: {  	[sflag:s0] =	ssyncadd.tile.s32 @!p0 $0x1;
	_ =	shalt  }
.Lfunc_end2:
_tile_overlayer_lowered:
.L_overlay_start_2:
0x46c: {  	(tag) =	ssettag $0x2  }
0x46d: {  	s0 =	rddreg [dreg:$0x0];
	s2 =	stileid.u32  }
0x46e: {  	s1 =	rddreg [dreg:$0x1];
	p0 =	sne.s32 s2, $0x0  }
0x46f: {  	s3 =	rddreg [dreg:$0x2];
	[bflag:$0x3] =	sbarrier.arrive $0xFFFF;
	s2 =	simm.s32 @!p0 $0x1C09  }
0x470: {  	[timem:s3], [sflag:s2] =	dma.local @!p0 [hbm:s0], s1  }
0x471: {  	s0 =	simm.s32 @!p0 $0x9  }
0x472: {  	_ =	swait.ge @!p0 [sflag:s0], s1  }
0x473: {  	s1 =	ssub.s32 @!p0 $0x0, s1;
	[sflag:s0] =	ssyncset.done @!p0 $0x0  }
0x474: {  	[sflag:s0] =	ssyncadd.s32 @!p0 s1  }
0x475: {  	[bflag:$0x3] =	sbarrier.arrive $0xFFFF  }
0x476: {  	_ =	shalt  }

</sc_bundles>
